<compile_context>
chip_gen: v7x
topology: tpu7x:2x2x1
jax: 0.10.2.dev20260603
libtpu: 0.0.44.dev20260713+nightly
codegen_flags: <defaults>
</compile_context>

<pallas_src>
import functools
import math

import jax
import jax.numpy as jnp
from jax import lax
from jax.experimental import pallas as pl
from jax.experimental.pallas import tpu as pltpu, tpu_sc as plsc

D = 128
SCALE = float(math.sqrt(D))
NBUF = 5
LOOK = 3

_info = plsc.get_sparse_core_info()
NC, NS, L = _info.num_cores, _info.num_subcores, _info.num_lanes
NW = NC * NS


def _make_lookup(S: int, N: int):
    n_per_w = N // NW

    mesh = plsc.VectorSubcoreMesh(core_axis_name="c", subcore_axis_name="s")

    @functools.partial(
        pl.kernel,
        out_type=jax.ShapeDtypeStruct((S, N, D), jnp.float32),
        mesh=mesh,
        scratch_types=[
            pltpu.VMEM((S, n_per_w), jnp.int32),
            *[pltpu.VMEM((n_per_w, D), jnp.float32) for _ in range(NBUF)],
            *[pltpu.SemaphoreType.DMA for _ in range(NBUF)],
            *[pltpu.SemaphoreType.DMA for _ in range(NBUF)],
        ],
    )
    def lookup_kernel(xt_hbm, table_hbm, out_hbm, idx_v, *rest):
        rows = rest[:NBUF]
        gsem = rest[NBUF:2 * NBUF]
        osem = rest[2 * NBUF:]
        wid = lax.axis_index("s") * NC + lax.axis_index("c")
        n0 = wid * n_per_w

        pltpu.sync_copy(xt_hbm.at[:, pl.ds(n0, n_per_w)], idx_v)

        def start_gather(s, b):
            pltpu.async_copy(table_hbm.at[idx_v.at[s]], rows[b], gsem[b])

        def wait_gather(b):
            pltpu.make_async_copy(
                table_hbm.at[pl.ds(0, n_per_w)], rows[b], gsem[b]).wait()

        def start_out(s, b):
            pltpu.async_copy(
                rows[b], out_hbm.at[s, pl.ds(n0, n_per_w)], osem[b])

        def wait_out(b):
            pltpu.make_async_copy(
                table_hbm.at[pl.ds(0, n_per_w)], rows[b], osem[b]).wait()

        def scale_buf(b):
            buf = rows[b]

            def row_body(r, _):
                for c in range(D // L):
                    sl = pl.ds(c * L, L)
                    buf[r, sl] = buf[r, sl] * SCALE
                return 0

            lax.fori_loop(0, n_per_w, row_body, 0, unroll=4)

        for b in range(LOOK):
            start_gather(b, b)

        def step(i, _):
            for k in range(NBUF):
                s = i * NBUF + k
                wait_gather(k)
                scale_buf(k)
                start_out(s, k)
                kb = (k + LOOK) % NBUF

                @pl.when(s + LOOK < S)
                def _():
                    @pl.when(s >= NBUF - LOOK)
                    def _():
                        wait_out(kb)
                    start_gather(s + LOOK, kb)
            return 0

        lax.fori_loop(0, S // NBUF, step, 0)

        for b in range(NBUF):
            wait_out(b)

    return lookup_kernel


def kernel(x, table):
    n, s = x.shape
    xt = jnp.transpose(x).astype(jnp.int32)
    out_t = _make_lookup(s, n)(xt, table)
    return jnp.transpose(out_t, (1, 0, 2))

# --- scband reference (transcript-rebuilt; emitter-appended) ---
"""Pipeline reference for scband-embedding-19739669692801 (READ-ONLY COPY).

The authoritative reference and input builder live on the scoring server;
editing this copy changes nothing except your own understanding.
"""

import jax, jax.numpy as jnp
import numpy as np
import math

D_EMBED = 128
VOCAB_SIZE = 100000

def setup_inputs(seed: int = 0) -> dict:
    key = jax.random.key(seed)
    k1, k2 = jax.random.split(key)
    x = jax.random.randint(k1, (4096, 50), 0, VOCAB_SIZE, dtype=jnp.int64 if jax.config.jax_enable_x64 else jnp.int32)
    table = jax.random.normal(k2, (VOCAB_SIZE, D_EMBED), dtype=jnp.float32)
    return {"x": x, "table": table}

def reference(x, table):
    # Embedding lookup scaled by sqrt(d_embed)
    out = jnp.take(table, x, axis=0) * math.sqrt(D_EMBED)
    return out

if __name__ == "__main__":
    import jax
    _d = setup_inputs()
    print(jax.jit(kernel)(*tuple(_d.values())))

</pallas_src>

<mosaic_0001>
#map = affine_map<(d0, d1) -> (0, 0)>
#map1 = affine_map<(d0, d1) -> (0, 0, 0)>
module attributes {stable_mosaic.version = 14 : i64} {
  func.func @lookup_kernel(%arg0: i32, %arg1: i32, %arg2: memref<50x4096xi32, #tpu.memory_space<hbm>>, %arg3: memref<100000x128xf32, #tpu.memory_space<hbm>>, %arg4: memref<50x4096x128xf32, #tpu.memory_space<hbm>>, %arg5: memref<50x128xi32, #tpu.memory_space<vmem>>, %arg6: memref<128x128xf32, #tpu.memory_space<vmem>>, %arg7: memref<128x128xf32, #tpu.memory_space<vmem>>, %arg8: memref<128x128xf32, #tpu.memory_space<vmem>>, %arg9: memref<128x128xf32, #tpu.memory_space<vmem>>, %arg10: memref<128x128xf32, #tpu.memory_space<vmem>>, %arg11: memref<!tpu.dma_semaphore, #tpu.memory_space<semaphore_mem>>, %arg12: memref<!tpu.dma_semaphore, #tpu.memory_space<semaphore_mem>>, %arg13: memref<!tpu.dma_semaphore, #tpu.memory_space<semaphore_mem>>, %arg14: memref<!tpu.dma_semaphore, #tpu.memory_space<semaphore_mem>>, %arg15: memref<!tpu.dma_semaphore, #tpu.memory_space<semaphore_mem>>, %arg16: memref<!tpu.dma_semaphore, #tpu.memory_space<semaphore_mem>>, %arg17: memref<!tpu.dma_semaphore, #tpu.memory_space<semaphore_mem>>, %arg18: memref<!tpu.dma_semaphore, #tpu.memory_space<semaphore_mem>>, %arg19: memref<!tpu.dma_semaphore, #tpu.memory_space<semaphore_mem>>, %arg20: memref<!tpu.dma_semaphore, #tpu.memory_space<semaphore_mem>>) attributes {dimension_semantics = [#tpu.dimension_semantics<core_parallel>, #tpu.dimension_semantics<subcore_parallel>], iteration_bounds = array<i64: 2, 16>, scalar_prefetch = 0 : i64, scratch_operands = 16 : i64, tpu.core_type = #tpu.core_type<sc_vector_subcore>, window_params = [{transform_indices = #map}, {transform_indices = #map}, {transform_indices = #map1}]} {
    %mul3A = arith.constant 2 : i32
    %mul3A_0 = arith.muli %arg1, %mul3A : i32
    %add3A = arith.addi %mul3A_0, %arg0 : i32
    %mul3A_1 = arith.constant 128 : i32
    %mul3A_2 = arith.muli %add3A, %mul3A_1 : i32
    "tpu.region"() ({
      %run_scoped3A = tpu.sem_alloc : memref<!tpu.dma_semaphore, #tpu.memory_space<semaphore_mem>>
      %dma_start3A_58 = arith.constant 0 : i32
      %dma_start3A_59 = tpu.memref_slice %arg2[%dma_start3A_58, %mul3A_2] : memref<50x4096xi32, #tpu.memory_space<hbm>> -> memref<50x128xi32, #tpu.memory_space<hbm>>
      %dma_start3A_60 = arith.constant 0 : i32
      %dma_start3A_61 = tpu.memref_slice %arg2[%dma_start3A_60, %mul3A_2] : memref<50x4096xi32, #tpu.memory_space<hbm>> -> memref<50x128xi32, #tpu.memory_space<hbm>>
      tpu.enqueue_dma source(%dma_start3A_61 : memref<50x128xi32, #tpu.memory_space<hbm>>) target(%arg5 : memref<50x128xi32, #tpu.memory_space<vmem>>) target_semaphore(%run_scoped3A : memref<!tpu.dma_semaphore, #tpu.memory_space<semaphore_mem>>)
      %dma_wait3A_62 = arith.constant 0 : i32
      %dma_wait3A_63 = tpu.memref_slice %arg2[%dma_wait3A_62, %mul3A_2] : memref<50x4096xi32, #tpu.memory_space<hbm>> -> memref<50x128xi32, #tpu.memory_space<hbm>>
      %dma_wait3A_64 = arith.constant 0 : i32
      %dma_wait3A_65 = tpu.memref_slice %arg2[%dma_wait3A_64, %mul3A_2] : memref<50x4096xi32, #tpu.memory_space<hbm>> -> memref<50x128xi32, #tpu.memory_space<hbm>>
      tpu.wait_dma2 semaphore(%run_scoped3A : memref<!tpu.dma_semaphore, #tpu.memory_space<semaphore_mem>>) src(%dma_wait3A_65 : memref<50x128xi32, #tpu.memory_space<hbm>>) dst(%arg5 : memref<50x128xi32, #tpu.memory_space<vmem>>)
      tpu.yield
    }) : () -> ()
    %dma_start3A = arith.constant 0 : i32
    %dma_start3A_3 = arith.constant 0 : i32
    %dma_start3A_4 = tpu.memref_slice %arg5[%dma_start3A, %dma_start3A_3] : memref<50x128xi32, #tpu.memory_space<vmem>> -> memref<1x128xi32, #tpu.memory_space<vmem>>
    %dma_start3A_5 = tpu.memref_squeeze %dma_start3A_4 : memref<1x128xi32, #tpu.memory_space<vmem>> -> memref<128xi32, #tpu.memory_space<vmem>>
    %dma_start3A_6 = arith.constant 0 : i32
    %dma_start3A_7 = arith.constant 0 : i32
    %dma_start3A_8 = tpu.memref_slice %arg3[%dma_start3A_6, %dma_start3A_7] : memref<100000x128xf32, #tpu.memory_space<hbm>> -> memref<100000x128xf32, #tpu.memory_space<hbm>>
    tpu.enqueue_indirect_dma source(%dma_start3A_8 : memref<100000x128xf32, #tpu.memory_space<hbm>>) target(%arg6 : memref<128x128xf32, #tpu.memory_space<vmem>>) offsets(%dma_start3A_5 : memref<128xi32, #tpu.memory_space<vmem>>) semaphore(%arg11 : memref<!tpu.dma_semaphore, #tpu.memory_space<semaphore_mem>>)
    %dma_start3A_9 = arith.constant 1 : i32
    %dma_start3A_10 = arith.constant 0 : i32
    %dma_start3A_11 = tpu.memref_slice %arg5[%dma_start3A_9, %dma_start3A_10] : memref<50x128xi32, #tpu.memory_space<vmem>> -> memref<1x128xi32, #tpu.memory_space<vmem>>
    %dma_start3A_12 = tpu.memref_squeeze %dma_start3A_11 : memref<1x128xi32, #tpu.memory_space<vmem>> -> memref<128xi32, #tpu.memory_space<vmem>>
    %dma_start3A_13 = arith.constant 0 : i32
    %dma_start3A_14 = arith.constant 0 : i32
    %dma_start3A_15 = tpu.memref_slice %arg3[%dma_start3A_13, %dma_start3A_14] : memref<100000x128xf32, #tpu.memory_space<hbm>> -> memref<100000x128xf32, #tpu.memory_space<hbm>>
    tpu.enqueue_indirect_dma source(%dma_start3A_15 : memref<100000x128xf32, #tpu.memory_space<hbm>>) target(%arg7 : memref<128x128xf32, #tpu.memory_space<vmem>>) offsets(%dma_start3A_12 : memref<128xi32, #tpu.memory_space<vmem>>) semaphore(%arg12 : memref<!tpu.dma_semaphore, #tpu.memory_space<semaphore_mem>>)
    %dma_start3A_16 = arith.constant 2 : i32
    %dma_start3A_17 = arith.constant 0 : i32
    %dma_start3A_18 = tpu.memref_slice %arg5[%dma_start3A_16, %dma_start3A_17] : memref<50x128xi32, #tpu.memory_space<vmem>> -> memref<1x128xi32, #tpu.memory_space<vmem>>
    %dma_start3A_19 = tpu.memref_squeeze %dma_start3A_18 : memref<1x128xi32, #tpu.memory_space<vmem>> -> memref<128xi32, #tpu.memory_space<vmem>>
    %dma_start3A_20 = arith.constant 0 : i32
    %dma_start3A_21 = arith.constant 0 : i32
    %dma_start3A_22 = tpu.memref_slice %arg3[%dma_start3A_20, %dma_start3A_21] : memref<100000x128xf32, #tpu.memory_space<hbm>> -> memref<100000x128xf32, #tpu.memory_space<hbm>>
    tpu.enqueue_indirect_dma source(%dma_start3A_22 : memref<100000x128xf32, #tpu.memory_space<hbm>>) target(%arg8 : memref<128x128xf32, #tpu.memory_space<vmem>>) offsets(%dma_start3A_19 : memref<128xi32, #tpu.memory_space<vmem>>) semaphore(%arg13 : memref<!tpu.dma_semaphore, #tpu.memory_space<semaphore_mem>>)
    %scan3A = arith.constant 0 : i32
    %scan3A_23 = arith.constant 0 : i32
    %scan3A_24 = arith.constant 10 : i32
    %scan3A_25 = arith.addi %scan3A_23, %scan3A_24 : i32
    %scan3A_26 = arith.constant 1 : i32
    %scan3A_27 = scf.for %scan3A_58 = %scan3A_23 to %scan3A_25 step %scan3A_26 iter_args(%scan3A_59 = %scan3A) -> (i32)  : i32 {
      %mul3A_60 = arith.constant 5 : i32
      %mul3A_61 = arith.muli %scan3A_58, %mul3A_60 : i32
      %add3A_62 = arith.constant 0 : i32
      %add3A_63 = arith.addi %mul3A_61, %add3A_62 : i32
      %dma_wait3A_64 = arith.constant 0 : i32
      %dma_wait3A_65 = arith.constant 0 : i32
      %dma_wait3A_66 = tpu.memref_slice %arg3[%dma_wait3A_64, %dma_wait3A_65] : memref<100000x128xf32, #tpu.memory_space<hbm>> -> memref<128x128xf32, #tpu.memory_space<hbm>>
      %dma_wait3A_67 = arith.constant 0 : i32
      %dma_wait3A_68 = arith.constant 0 : i32
      %dma_wait3A_69 = tpu.memref_slice %arg3[%dma_wait3A_67, %dma_wait3A_68] : memref<100000x128xf32, #tpu.memory_space<hbm>> -> memref<128x128xf32, #tpu.memory_space<hbm>>
      tpu.wait_dma2 semaphore(%arg11 : memref<!tpu.dma_semaphore, #tpu.memory_space<semaphore_mem>>) src(%dma_wait3A_69 : memref<128x128xf32, #tpu.memory_space<hbm>>) dst(%arg6 : memref<128x128xf32, #tpu.memory_space<vmem>>)
      %scan3A_70 = arith.constant 0 : i32
      %scan3A_71 = arith.constant 0 : i32
      %scan3A_72 = arith.constant 128 : i32
      %scan3A_73 = arith.addi %scan3A_71, %scan3A_72 : i32
      %scan3A_74 = arith.constant 4 : i32
      %scan3A_75 = scf.for %scan3A_208 = %scan3A_71 to %scan3A_73 step %scan3A_74 iter_args(%scan3A_209 = %scan3A_70) -> (i32)  : i32 {
        %get3A = arith.index_cast %scan3A_208 : i32 to index
        %get3A_210 = arith.constant 0 : index
        %get3A_211 = tpu.vector_load %arg6[%get3A, %get3A_210] {strides = array<i32>} : memref<128x128xf32, #tpu.memory_space<vmem>>, vector<1x16xf32>,
        %get3A_212 = vector.shape_cast %get3A_211 : vector<1x16xf32> to vector<16xf32>
        %mul3A_213 = arith.constant 11.3137083 : f32
        %mul3A_214 = vector.broadcast %mul3A_213 : f32 to vector<16xf32>
        %mul3A_215 = arith.mulf %get3A_212, %mul3A_214 : vector<16xf32>
        %swap3A = arith.index_cast %scan3A_208 : i32 to index
        %swap3A_216 = arith.constant 0 : index
        %swap3A_217 = tpu.vector_load %arg6[%swap3A, %swap3A_216] {strides = array<i32>} : memref<128x128xf32, #tpu.memory_space<vmem>>, vector<1x16xf32>,
        %swap3A_218 = vector.shape_cast %swap3A_217 : vector<1x16xf32> to vector<16xf32>
        %swap3A_219 = vector.shape_cast %mul3A_215 : vector<16xf32> to vector<1x16xf32>
        tpu.vector_store %arg6[%swap3A, %swap3A_216], %swap3A_219 {strides = array<i32>} : memref<128x128xf32, #tpu.memory_space<vmem>>, vector<1x16xf32>,
        %get3A_220 = arith.index_cast %scan3A_208 : i32 to index
        %get3A_221 = arith.constant 16 : index
        %get3A_222 = tpu.vector_load %arg6[%get3A_220, %get3A_221] {strides = array<i32>} : memref<128x128xf32, #tpu.memory_space<vmem>>, vector<1x16xf32>,
        %get3A_223 = vector.shape_cast %get3A_222 : vector<1x16xf32> to vector<16xf32>
        %mul3A_224 = arith.constant 11.3137083 : f32
        %mul3A_225 = vector.broadcast %mul3A_224 : f32 to vector<16xf32>
        %mul3A_226 = arith.mulf %get3A_223, %mul3A_225 : vector<16xf32>
        %swap3A_227 = arith.index_cast %scan3A_208 : i32 to index
        %swap3A_228 = arith.constant 16 : index
        %swap3A_229 = tpu.vector_load %arg6[%swap3A_227, %swap3A_228] {strides = array<i32>} : memref<128x128xf32, #tpu.memory_space<vmem>>, vector<1x16xf32>,
        %swap3A_230 = vector.shape_cast %swap3A_229 : vector<1x16xf32> to vector<16xf32>
        %swap3A_231 = vector.shape_cast %mul3A_226 : vector<16xf32> to vector<1x16xf32>
        tpu.vector_store %arg6[%swap3A_227, %swap3A_228], %swap3A_231 {strides = array<i32>} : memref<128x128xf32, #tpu.memory_space<vmem>>, vector<1x16xf32>,
        %get3A_232 = arith.index_cast %scan3A_208 : i32 to index
        %get3A_233 = arith.constant 32 : index
        %get3A_234 = tpu.vector_load %arg6[%get3A_232, %get3A_233] {strides = array<i32>} : memref<128x128xf32, #tpu.memory_space<vmem>>, vector<1x16xf32>,
        %get3A_235 = vector.shape_cast %get3A_234 : vector<1x16xf32> to vector<16xf32>
        %mul3A_236 = arith.constant 11.3137083 : f32
        %mul3A_237 = vector.broadcast %mul3A_236 : f32 to vector<16xf32>
        %mul3A_238 = arith.mulf %get3A_235, %mul3A_237 : vector<16xf32>
        %swap3A_239 = arith.index_cast %scan3A_208 : i32 to index
        %swap3A_240 = arith.constant 32 : index
        %swap3A_241 = tpu.vector_load %arg6[%swap3A_239, %swap3A_240] {strides = array<i32>} : memref<128x128xf32, #tpu.memory_space<vmem>>, vector<1x16xf32>,
        %swap3A_242 = vector.shape_cast %swap3A_241 : vector<1x16xf32> to vector<16xf32>
        %swap3A_243 = vector.shape_cast %mul3A_238 : vector<16xf32> to vector<1x16xf32>
        tpu.vector_store %arg6[%swap3A_239, %swap3A_240], %swap3A_243 {strides = array<i32>} : memref<128x128xf32, #tpu.memory_space<vmem>>, vector<1x16xf32>,
        %get3A_244 = arith.index_cast %scan3A_208 : i32 to index
        %get3A_245 = arith.constant 48 : index
        %get3A_246 = tpu.vector_load %arg6[%get3A_244, %get3A_245] {strides = array<i32>} : memref<128x128xf32, #tpu.memory_space<vmem>>, vector<1x16xf32>,
        %get3A_247 = vector.shape_cast %get3A_246 : vector<1x16xf32> to vector<16xf32>
        %mul3A_248 = arith.constant 11.3137083 : f32
        %mul3A_249 = vector.broadcast %mul3A_248 : f32 to vector<16xf32>
        %mul3A_250 = arith.mulf %get3A_247, %mul3A_249 : vector<16xf32>
        %swap3A_251 = arith.index_cast %scan3A_208 : i32 to index
        %swap3A_252 = arith.constant 48 : index
        %swap3A_253 = tpu.vector_load %arg6[%swap3A_251, %swap3A_252] {strides = array<i32>} : memref<128x128xf32, #tpu.memory_space<vmem>>, vector<1x16xf32>,
        %swap3A_254 = vector.shape_cast %swap3A_253 : vector<1x16xf32> to vector<16xf32>
        %swap3A_255 = vector.shape_cast %mul3A_250 : vector<16xf32> to vector<1x16xf32>
        tpu.vector_store %arg6[%swap3A_251, %swap3A_252], %swap3A_255 {strides = array<i32>} : memref<128x128xf32, #tpu.memory_space<vmem>>, vector<1x16xf32>,
        %get3A_256 = arith.index_cast %scan3A_208 : i32 to index
        %get3A_257 = arith.constant 64 : index
        %get3A_258 = tpu.vector_load %arg6[%get3A_256, %get3A_257] {strides = array<i32>} : memref<128x128xf32, #tpu.memory_space<vmem>>, vector<1x16xf32>,
        %get3A_259 = vector.shape_cast %get3A_258 : vector<1x16xf32> to vector<16xf32>
        %mul3A_260 = arith.constant 11.3137083 : f32
        %mul3A_261 = vector.broadcast %mul3A_260 : f32 to vector<16xf32>
        %mul3A_262 = arith.mulf %get3A_259, %mul3A_261 : vector<16xf32>
        %swap3A_263 = arith.index_cast %scan3A_208 : i32 to index
        %swap3A_264 = arith.constant 64 : index
        %swap3A_265 = tpu.vector_load %arg6[%swap3A_263, %swap3A_264] {strides = array<i32>} : memref<128x128xf32, #tpu.memory_space<vmem>>, vector<1x16xf32>,
        %swap3A_266 = vector.shape_cast %swap3A_265 : vector<1x16xf32> to vector<16xf32>
        %swap3A_267 = vector.shape_cast %mul3A_262 : vector<16xf32> to vector<1x16xf32>
        tpu.vector_store %arg6[%swap3A_263, %swap3A_264], %swap3A_267 {strides = array<i32>} : memref<128x128xf32, #tpu.memory_space<vmem>>, vector<1x16xf32>,
        %get3A_268 = arith.index_cast %scan3A_208 : i32 to index
        %get3A_269 = arith.constant 80 : index
        %get3A_270 = tpu.vector_load %arg6[%get3A_268, %get3A_269] {strides = array<i32>} : memref<128x128xf32, #tpu.memory_space<vmem>>, vector<1x16xf32>,
        %get3A_271 = vector.shape_cast %get3A_270 : vector<1x16xf32> to vector<16xf32>
        %mul3A_272 = arith.constant 11.3137083 : f32
        %mul3A_273 = vector.broadcast %mul3A_272 : f32 to vector<16xf32>
        %mul3A_274 = arith.mulf %get3A_271, %mul3A_273 : vector<16xf32>
        %swap3A_275 = arith.index_cast %scan3A_208 : i32 to index
        %swap3A_276 = arith.constant 80 : index
        %swap3A_277 = tpu.vector_load %arg6[%swap3A_275, %swap3A_276] {strides = array<i32>} : memref<128x128xf32, #tpu.memory_space<vmem>>, vector<1x16xf32>,
        %swap3A_278 = vector.shape_cast %swap3A_277 : vector<1x16xf32> to vector<16xf32>
        %swap3A_279 = vector.shape_cast %mul3A_274 : vector<16xf32> to vector<1x16xf32>
        tpu.vector_store %arg6[%swap3A_275, %swap3A_276], %swap3A_279 {strides = array<i32>} : memref<128x128xf32, #tpu.memory_space<vmem>>, vector<1x16xf32>,
        %get3A_280 = arith.index_cast %scan3A_208 : i32 to index
        %get3A_281 = arith.constant 96 : index
        %get3A_282 = tpu.vector_load %arg6[%get3A_280, %get3A_281] {strides = array<i32>} : memref<128x128xf32, #tpu.memory_space<vmem>>, vector<1x16xf32>,
        %get3A_283 = vector.shape_cast %get3A_282 : vector<1x16xf32> to vector<16xf32>
        %mul3A_284 = arith.constant 11.3137083 : f32
        %mul3A_285 = vector.broadcast %mul3A_284 : f32 to vector<16xf32>
        %mul3A_286 = arith.mulf %get3A_283, %mul3A_285 : vector<16xf32>
        %swap3A_287 = arith.index_cast %scan3A_208 : i32 to index
        %swap3A_288 = arith.constant 96 : index
        %swap3A_289 = tpu.vector_load %arg6[%swap3A_287, %swap3A_288] {strides = array<i32>} : memref<128x128xf32, #tpu.memory_space<vmem>>, vector<1x16xf32>,
        %swap3A_290 = vector.shape_cast %swap3A_289 : vector<1x16xf32> to vector<16xf32>
        %swap3A_291 = vector.shape_cast %mul3A_286 : vector<16xf32> to vector<1x16xf32>
        tpu.vector_store %arg6[%swap3A_287, %swap3A_288], %swap3A_291 {strides = array<i32>} : memref<128x128xf32, #tpu.memory_space<vmem>>, vector<1x16xf32>,
        %get3A_292 = arith.index_cast %scan3A_208 : i32 to index
        %get3A_293 = arith.constant 112 : index
        %get3A_294 = tpu.vector_load %arg6[%get3A_292, %get3A_293] {strides = array<i32>} : memref<128x128xf32, #tpu.memory_space<vmem>>, vector<1x16xf32>,
        %get3A_295 = vector.shape_cast %get3A_294 : vector<1x16xf32> to vector<16xf32>
        %mul3A_296 = arith.constant 11.3137083 : f32
        %mul3A_297 = vector.broadcast %mul3A_296 : f32 to vector<16xf32>
        %mul3A_298 = arith.mulf %get3A_295, %mul3A_297 : vector<16xf32>
        %swap3A_299 = arith.index_cast %scan3A_208 : i32 to index
        %swap3A_300 = arith.constant 112 : index
        %swap3A_301 = tpu.vector_load %arg6[%swap3A_299, %swap3A_300] {strides = array<i32>} : memref<128x128xf32, #tpu.memory_space<vmem>>, vector<1x16xf32>,
        %swap3A_302 = vector.shape_cast %swap3A_301 : vector<1x16xf32> to vector<16xf32>
        %swap3A_303 = vector.shape_cast %mul3A_298 : vector<16xf32> to vector<1x16xf32>
        tpu.vector_store %arg6[%swap3A_299, %swap3A_300], %swap3A_303 {strides = array<i32>} : memref<128x128xf32, #tpu.memory_space<vmem>>, vector<1x16xf32>,
        %scan3A_304 = arith.constant 0 : i32
        %scan3A_305 = arith.constant 1 : i32
        %scan3A_306 = arith.addi %scan3A_208, %scan3A_305 : i32
        %get3A_307 = arith.index_cast %scan3A_306 : i32 to index
        %get3A_308 = arith.constant 0 : index
        %get3A_309 = tpu.vector_load %arg6[%get3A_307, %get3A_308] {strides = array<i32>} : memref<128x128xf32, #tpu.memory_space<vmem>>, vector<1x16xf32>,
        %get3A_310 = vector.shape_cast %get3A_309 : vector<1x16xf32> to vector<16xf32>
        %mul3A_311 = arith.constant 11.3137083 : f32
        %mul3A_312 = vector.broadcast %mul3A_311 : f32 to vector<16xf32>
        %mul3A_313 = arith.mulf %get3A_310, %mul3A_312 : vector<16xf32>
        %swap3A_314 = arith.index_cast %scan3A_306 : i32 to index
        %swap3A_315 = arith.constant 0 : index
        %swap3A_316 = tpu.vector_load %arg6[%swap3A_314, %swap3A_315] {strides = array<i32>} : memref<128x128xf32, #tpu.memory_space<vmem>>, vector<1x16xf32>,
        %swap3A_317 = vector.shape_cast %swap3A_316 : vector<1x16xf32> to vector<16xf32>
        %swap3A_318 = vector.shape_cast %mul3A_313 : vector<16xf32> to vector<1x16xf32>
        tpu.vector_store %arg6[%swap3A_314, %swap3A_315], %swap3A_318 {strides = array<i32>} : memref<128x128xf32, #tpu.memory_space<vmem>>, vector<1x16xf32>,
        %get3A_319 = arith.index_cast %scan3A_306 : i32 to index
        %get3A_320 = arith.constant 16 : index
        %get3A_321 = tpu.vector_load %arg6[%get3A_319, %get3A_320] {strides = array<i32>} : memref<128x128xf32, #tpu.memory_space<vmem>>, vector<1x16xf32>,
        %get3A_322 = vector.shape_cast %get3A_321 : vector<1x16xf32> to vector<16xf32>
        %mul3A_323 = arith.constant 11.3137083 : f32
        %mul3A_324 = vector.broadcast %mul3A_323 : f32 to vector<16xf32>
        %mul3A_325 = arith.mulf %get3A_322, %mul3A_324 : vector<16xf32>
        %swap3A_326 = arith.index_cast %scan3A_306 : i32 to index
        %swap3A_327 = arith.constant 16 : index
        %swap3A_328 = tpu.vector_load %arg6[%swap3A_326, %swap3A_327] {strides = array<i32>} : memref<128x128xf32, #tpu.memory_space<vmem>>, vector<1x16xf32>,
        %swap3A_329 = vector.shape_cast %swap3A_328 : vector<1x16xf32> to vector<16xf32>
        %swap3A_330 = vector.shape_cast %mul3A_325 : vector<16xf32> to vector<1x16xf32>
        tpu.vector_store %arg6[%swap3A_326, %swap3A_327], %swap3A_330 {strides = array<i32>} : memref<128x128xf32, #tpu.memory_space<vmem>>, vector<1x16xf32>,
        %get3A_331 = arith.index_cast %scan3A_306 : i32 to index
        %get3A_332 = arith.constant 32 : index
        %get3A_333 = tpu.vector_load %arg6[%get3A_331, %get3A_332] {strides = array<i32>} : memref<128x128xf32, #tpu.memory_space<vmem>>, vector<1x16xf32>,
        %get3A_334 = vector.shape_cast %get3A_333 : vector<1x16xf32> to vector<16xf32>
        %mul3A_335 = arith.constant 11.3137083 : f32
        %mul3A_336 = vector.broadcast %mul3A_335 : f32 to vector<16xf32>
        %mul3A_337 = arith.mulf %get3A_334, %mul3A_336 : vector<16xf32>
        %swap3A_338 = arith.index_cast %scan3A_306 : i32 to index
        %swap3A_339 = arith.constant 32 : index
        %swap3A_340 = tpu.vector_load %arg6[%swap3A_338, %swap3A_339] {strides = array<i32>} : memref<128x128xf32, #tpu.memory_space<vmem>>, vector<1x16xf32>,
        %swap3A_341 = vector.shape_cast %swap3A_340 : vector<1x16xf32> to vector<16xf32>
        %swap3A_342 = vector.shape_cast %mul3A_337 : vector<16xf32> to vector<1x16xf32>
        tpu.vector_store %arg6[%swap3A_338, %swap3A_339], %swap3A_342 {strides = array<i32>} : memref<128x128xf32, #tpu.memory_space<vmem>>, vector<1x16xf32>,
        %get3A_343 = arith.index_cast %scan3A_306 : i32 to index
        %get3A_344 = arith.constant 48 : index
        %get3A_345 = tpu.vector_load %arg6[%get3A_343, %get3A_344] {strides = array<i32>} : memref<128x128xf32, #tpu.memory_space<vmem>>, vector<1x16xf32>,
        %get3A_346 = vector.shape_cast %get3A_345 : vector<1x16xf32> to vector<16xf32>
        %mul3A_347 = arith.constant 11.3137083 : f32
        %mul3A_348 = vector.broadcast %mul3A_347 : f32 to vector<16xf32>
        %mul3A_349 = arith.mulf %get3A_346, %mul3A_348 : vector<16xf32>
        %swap3A_350 = arith.index_cast %scan3A_306 : i32 to index
        %swap3A_351 = arith.constant 48 : index
        %swap3A_352 = tpu.vector_load %arg6[%swap3A_350, %swap3A_351] {strides = array<i32>} : memref<128x128xf32, #tpu.memory_space<vmem>>, vector<1x16xf32>,
        %swap3A_353 = vector.shape_cast %swap3A_352 : vector<1x16xf32> to vector<16xf32>
        %swap3A_354 = vector.shape_cast %mul3A_349 : vector<16xf32> to vector<1x16xf32>
        tpu.vector_store %arg6[%swap3A_350, %swap3A_351], %swap3A_354 {strides = array<i32>} : memref<128x128xf32, #tpu.memory_space<vmem>>, vector<1x16xf32>,
        %get3A_355 = arith.index_cast %scan3A_306 : i32 to index
        %get3A_356 = arith.constant 64 : index
        %get3A_357 = tpu.vector_load %arg6[%get3A_355, %get3A_356] {strides = array<i32>} : memref<128x128xf32, #tpu.memory_space<vmem>>, vector<1x16xf32>,
        %get3A_358 = vector.shape_cast %get3A_357 : vector<1x16xf32> to vector<16xf32>
        %mul3A_359 = arith.constant 11.3137083 : f32
        %mul3A_360 = vector.broadcast %mul3A_359 : f32 to vector<16xf32>
        %mul3A_361 = arith.mulf %get3A_358, %mul3A_360 : vector<16xf32>
        %swap3A_362 = arith.index_cast %scan3A_306 : i32 to index
        %swap3A_363 = arith.constant 64 : index
        %swap3A_364 = tpu.vector_load %arg6[%swap3A_362, %swap3A_363] {strides = array<i32>} : memref<128x128xf32, #tpu.memory_space<vmem>>, vector<1x16xf32>,
        %swap3A_365 = vector.shape_cast %swap3A_364 : vector<1x16xf32> to vector<16xf32>
        %swap3A_366 = vector.shape_cast %mul3A_361 : vector<16xf32> to vector<1x16xf32>
        tpu.vector_store %arg6[%swap3A_362, %swap3A_363], %swap3A_366 {strides = array<i32>} : memref<128x128xf32, #tpu.memory_space<vmem>>, vector<1x16xf32>,
        %get3A_367 = arith.index_cast %scan3A_306 : i32 to index
        %get3A_368 = arith.constant 80 : index
        %get3A_369 = tpu.vector_load %arg6[%get3A_367, %get3A_368] {strides = array<i32>} : memref<128x128xf32, #tpu.memory_space<vmem>>, vector<1x16xf32>,
        %get3A_370 = vector.shape_cast %get3A_369 : vector<1x16xf32> to vector<16xf32>
        %mul3A_371 = arith.constant 11.3137083 : f32
        %mul3A_372 = vector.broadcast %mul3A_371 : f32 to vector<16xf32>
        %mul3A_373 = arith.mulf %get3A_370, %mul3A_372 : vector<16xf32>
        %swap3A_374 = arith.index_cast %scan3A_306 : i32 to index
        %swap3A_375 = arith.constant 80 : index
        %swap3A_376 = tpu.vector_load %arg6[%swap3A_374, %swap3A_375] {strides = array<i32>} : memref<128x128xf32, #tpu.memory_space<vmem>>, vector<1x16xf32>,
        %swap3A_377 = vector.shape_cast %swap3A_376 : vector<1x16xf32> to vector<16xf32>
        %swap3A_378 = vector.shape_cast %mul3A_373 : vector<16xf32> to vector<1x16xf32>
        tpu.vector_store %arg6[%swap3A_374, %swap3A_375], %swap3A_378 {strides = array<i32>} : memref<128x128xf32, #tpu.memory_space<vmem>>, vector<1x16xf32>,
        %get3A_379 = arith.index_cast %scan3A_306 : i32 to index
        %get3A_380 = arith.constant 96 : index
        %get3A_381 = tpu.vector_load %arg6[%get3A_379, %get3A_380] {strides = array<i32>} : memref<128x128xf32, #tpu.memory_space<vmem>>, vector<1x16xf32>,
        %get3A_382 = vector.shape_cast %get3A_381 : vector<1x16xf32> to vector<16xf32>
        %mul3A_383 = arith.constant 11.3137083 : f32
        %mul3A_384 = vector.broadcast %mul3A_383 : f32 to vector<16xf32>
        %mul3A_385 = arith.mulf %get3A_382, %mul3A_384 : vector<16xf32>
        %swap3A_386 = arith.index_cast %scan3A_306 : i32 to index
        %swap3A_387 = arith.constant 96 : index
        %swap3A_388 = tpu.vector_load %arg6[%swap3A_386, %swap3A_387] {strides = array<i32>} : memref<128x128xf32, #tpu.memory_space<vmem>>, vector<1x16xf32>,
        %swap3A_389 = vector.shape_cast %swap3A_388 : vector<1x16xf32> to vector<16xf32>
        %swap3A_390 = vector.shape_cast %mul3A_385 : vector<16xf32> to vector<1x16xf32>
        tpu.vector_store %arg6[%swap3A_386, %swap3A_387], %swap3A_390 {strides = array<i32>} : memref<128x128xf32, #tpu.memory_space<vmem>>, vector<1x16xf32>,
        %get3A_391 = arith.index_cast %scan3A_306 : i32 to index
        %get3A_392 = arith.constant 112 : index
        %get3A_393 = tpu.vector_load %arg6[%get3A_391, %get3A_392] {strides = array<i32>} : memref<128x128xf32, #tpu.memory_space<vmem>>, vector<1x16xf32>,
        %get3A_394 = vector.shape_cast %get3A_393 : vector<1x16xf32> to vector<16xf32>
        %mul3A_395 = arith.constant 11.3137083 : f32
        %mul3A_396 = vector.broadcast %mul3A_395 : f32 to vector<16xf32>
        %mul3A_397 = arith.mulf %get3A_394, %mul3A_396 : vector<16xf32>
        %swap3A_398 = arith.index_cast %scan3A_306 : i32 to index
        %swap3A_399 = arith.constant 112 : index
        %swap3A_400 = tpu.vector_load %arg6[%swap3A_398, %swap3A_399] {strides = array<i32>} : memref<128x128xf32, #tpu.memory_space<vmem>>, vector<1x16xf32>,
        %swap3A_401 = vector.shape_cast %swap3A_400 : vector<1x16xf32> to vector<16xf32>
        %swap3A_402 = vector.shape_cast %mul3A_397 : vector<16xf32> to vector<1x16xf32>
        tpu.vector_store %arg6[%swap3A_398, %swap3A_399], %swap3A_402 {strides = array<i32>} : memref<128x128xf32, #tpu.memory_space<vmem>>, vector<1x16xf32>,
        %scan3A_403 = arith.constant 0 : i32
        %scan3A_404 = arith.constant 2 : i32
        %scan3A_405 = arith.addi %scan3A_208, %scan3A_404 : i32
        %get3A_406 = arith.index_cast %scan3A_405 : i32 to index
        %get3A_407 = arith.constant 0 : index
        %get3A_408 = tpu.vector_load %arg6[%get3A_406, %get3A_407] {strides = array<i32>} : memref<128x128xf32, #tpu.memory_space<vmem>>, vector<1x16xf32>,
        %get3A_409 = vector.shape_cast %get3A_408 : vector<1x16xf32> to vector<16xf32>
        %mul3A_410 = arith.constant 11.3137083 : f32
        %mul3A_411 = vector.broadcast %mul3A_410 : f32 to vector<16xf32>
        %mul3A_412 = arith.mulf %get3A_409, %mul3A_411 : vector<16xf32>
        %swap3A_413 = arith.index_cast %scan3A_405 : i32 to index
        %swap3A_414 = arith.constant 0 : index
        %swap3A_415 = tpu.vector_load %arg6[%swap3A_413, %swap3A_414] {strides = array<i32>} : memref<128x128xf32, #tpu.memory_space<vmem>>, vector<1x16xf32>,
        %swap3A_416 = vector.shape_cast %swap3A_415 : vector<1x16xf32> to vector<16xf32>
        %swap3A_417 = vector.shape_cast %mul3A_412 : vector<16xf32> to vector<1x16xf32>
        tpu.vector_store %arg6[%swap3A_413, %swap3A_414], %swap3A_417 {strides = array<i32>} : memref<128x128xf32, #tpu.memory_space<vmem>>, vector<1x16xf32>,
        %get3A_418 = arith.index_cast %scan3A_405 : i32 to index
        %get3A_419 = arith.constant 16 : index
        %get3A_420 = tpu.vector_load %arg6[%get3A_418, %get3A_419] {strides = array<i32>} : memref<128x128xf32, #tpu.memory_space<vmem>>, vector<1x16xf32>,
        %get3A_421 = vector.shape_cast %get3A_420 : vector<1x16xf32> to vector<16xf32>
        %mul3A_422 = arith.constant 11.3137083 : f32
        %mul3A_423 = vector.broadcast %mul3A_422 : f32 to vector<16xf32>
        %mul3A_424 = arith.mulf %get3A_421, %mul3A_423 : vector<16xf32>
        %swap3A_425 = arith.index_cast %scan3A_405 : i32 to index
        %swap3A_426 = arith.constant 16 : index
        %swap3A_427 = tpu.vector_load %arg6[%swap3A_425, %swap3A_426] {strides = array<i32>} : memref<128x128xf32, #tpu.memory_space<vmem>>, vector<1x16xf32>,
        %swap3A_428 = vector.shape_cast %swap3A_427 : vector<1x16xf32> to vector<16xf32>
        %swap3A_429 = vector.shape_cast %mul3A_424 : vector<16xf32> to vector<1x16xf32>
        tpu.vector_store %arg6[%swap3A_425, %swap3A_426], %swap3A_429 {strides = array<i32>} : memref<128x128xf32, #tpu.memory_space<vmem>>, vector<1x16xf32>,
        %get3A_430 = arith.index_cast %scan3A_405 : i32 to index
        %get3A_431 = arith.constant 32 : index
        %get3A_432 = tpu.vector_load %arg6[%get3A_430, %get3A_431] {strides = array<i32>} : memref<128x128xf32, #tpu.memory_space<vmem>>, vector<1x16xf32>,
        %get3A_433 = vector.shape_cast %get3A_432 : vector<1x16xf32> to vector<16xf32>
        %mul3A_434 = arith.constant 11.3137083 : f32
        %mul3A_435 = vector.broadcast %mul3A_434 : f32 to vector<16xf32>
        %mul3A_436 = arith.mulf %get3A_433, %mul3A_435 : vector<16xf32>
        %swap3A_437 = arith.index_cast %scan3A_405 : i32 to index
        %swap3A_438 = arith.constant 32 : index
        %swap3A_439 = tpu.vector_load %arg6[%swap3A_437, %swap3A_438] {strides = array<i32>} : memref<128x128xf32, #tpu.memory_space<vmem>>, vector<1x16xf32>,
        %swap3A_440 = vector.shape_cast %swap3A_439 : vector<1x16xf32> to vector<16xf32>
        %swap3A_441 = vector.shape_cast %mul3A_436 : vector<16xf32> to vector<1x16xf32>
        tpu.vector_store %arg6[%swap3A_437, %swap3A_438], %swap3A_441 {strides = array<i32>} : memref<128x128xf32, #tpu.memory_space<vmem>>, vector<1x16xf32>,
        %get3A_442 = arith.index_cast %scan3A_405 : i32 to index
        %get3A_443 = arith.constant 48 : index
        %get3A_444 = tpu.vector_load %arg6[%get3A_442, %get3A_443] {strides = array<i32>} : memref<128x128xf32, #tpu.memory_space<vmem>>, vector<1x16xf32>,
        %get3A_445 = vector.shape_cast %get3A_444 : vector<1x16xf32> to vector<16xf32>
        %mul3A_446 = arith.constant 11.3137083 : f32
        %mul3A_447 = vector.broadcast %mul3A_446 : f32 to vector<16xf32>
        %mul3A_448 = arith.mulf %get3A_445, %mul3A_447 : vector<16xf32>
        %swap3A_449 = arith.index_cast %scan3A_405 : i32 to index
        %swap3A_450 = arith.constant 48 : index
        %swap3A_451 = tpu.vector_load %arg6[%swap3A_449, %swap3A_450] {strides = array<i32>} : memref<128x128xf32, #tpu.memory_space<vmem>>, vector<1x16xf32>,
        %swap3A_452 = vector.shape_cast %swap3A_451 : vector<1x16xf32> to vector<16xf32>
        %swap3A_453 = vector.shape_cast %mul3A_448 : vector<16xf32> to vector<1x16xf32>
        tpu.vector_store %arg6[%swap3A_449, %swap3A_450], %swap3A_453 {strides = array<i32>} : memref<128x128xf32, #tpu.memory_space<vmem>>, vector<1x16xf32>,
        %get3A_454 = arith.index_cast %scan3A_405 : i32 to index
        %get3A_455 = arith.constant 64 : index
        %get3A_456 = tpu.vector_load %arg6[%get3A_454, %get3A_455] {strides = array<i32>} : memref<128x128xf32, #tpu.memory_space<vmem>>, vector<1x16xf32>,
        %get3A_457 = vector.shape_cast %get3A_456 : vector<1x16xf32> to vector<16xf32>
        %mul3A_458 = arith.constant 11.3137083 : f32
        %mul3A_459 = vector.broadcast %mul3A_458 : f32 to vector<16xf32>
        %mul3A_460 = arith.mulf %get3A_457, %mul3A_459 : vector<16xf32>
        %swap3A_461 = arith.index_cast %scan3A_405 : i32 to index
        %swap3A_462 = arith.constant 64 : index
        %swap3A_463 = tpu.vector_load %arg6[%swap3A_461, %swap3A_462] {strides = array<i32>} : memref<128x128xf32, #tpu.memory_space<vmem>>, vector<1x16xf32>,
        %swap3A_464 = vector.shape_cast %swap3A_463 : vector<1x16xf32> to vector<16xf32>
        %swap3A_465 = vector.shape_cast %mul3A_460 : vector<16xf32> to vector<1x16xf32>
        tpu.vector_store %arg6[%swap3A_461, %swap3A_462], %swap3A_465 {strides = array<i32>} : memref<128x128xf32, #tpu.memory_space<vmem>>, vector<1x16xf32>,
        %get3A_466 = arith.index_cast %scan3A_405 : i32 to index
        %get3A_467 = arith.constant 80 : index
        %get3A_468 = tpu.vector_load %arg6[%get3A_466, %get3A_467] {strides = array<i32>} : memref<128x128xf32, #tpu.memory_space<vmem>>, vector<1x16xf32>,
        %get3A_469 = vector.shape_cast %get3A_468 : vector<1x16xf32> to vector<16xf32>
        %mul3A_470 = arith.constant 11.3137083 : f32
        %mul3A_471 = vector.broadcast %mul3A_470 : f32 to vector<16xf32>
        %mul3A_472 = arith.mulf %get3A_469, %mul3A_471 : vector<16xf32>
        %swap3A_473 = arith.index_cast %scan3A_405 : i32 to index
        %swap3A_474 = arith.constant 80 : index
        %swap3A_475 = tpu.vector_load %arg6[%swap3A_473, %swap3A_474] {strides = array<i32>} : memref<128x128xf32, #tpu.memory_space<vmem>>, vector<1x16xf32>,
        %swap3A_476 = vector.shape_cast %swap3A_475 : vector<1x16xf32> to vector<16xf32>
        %swap3A_477 = vector.shape_cast %mul3A_472 : vector<16xf32> to vector<1x16xf32>
        tpu.vector_store %arg6[%swap3A_473, %swap3A_474], %swap3A_477 {strides = array<i32>} : memref<128x128xf32, #tpu.memory_space<vmem>>, vector<1x16xf32>,
        %get3A_478 = arith.index_cast %scan3A_405 : i32 to index
        %get3A_479 = arith.constant 96 : index
        %get3A_480 = tpu.vector_load %arg6[%get3A_478, %get3A_479] {strides = array<i32>} : memref<128x128xf32, #tpu.memory_space<vmem>>, vector<1x16xf32>,
        %get3A_481 = vector.shape_cast %get3A_480 : vector<1x16xf32> to vector<16xf32>
        %mul3A_482 = arith.constant 11.3137083 : f32
        %mul3A_483 = vector.broadcast %mul3A_482 : f32 to vector<16xf32>
        %mul3A_484 = arith.mulf %get3A_481, %mul3A_483 : vector<16xf32>
        %swap3A_485 = arith.index_cast %scan3A_405 : i32 to index
        %swap3A_486 = arith.constant 96 : index
        %swap3A_487 = tpu.vector_load %arg6[%swap3A_485, %swap3A_486] {strides = array<i32>} : memref<128x128xf32, #tpu.memory_space<vmem>>, vector<1x16xf32>,
        %swap3A_488 = vector.shape_cast %swap3A_487 : vector<1x16xf32> to vector<16xf32>
        %swap3A_489 = vector.shape_cast %mul3A_484 : vector<16xf32> to vector<1x16xf32>
        tpu.vector_store %arg6[%swap3A_485, %swap3A_486], %swap3A_489 {strides = array<i32>} : memref<128x128xf32, #tpu.memory_space<vmem>>, vector<1x16xf32>,
        %get3A_490 = arith.index_cast %scan3A_405 : i32 to index
        %get3A_491 = arith.constant 112 : index
        %get3A_492 = tpu.vector_load %arg6[%get3A_490, %get3A_491] {strides = array<i32>} : memref<128x128xf32, #tpu.memory_space<vmem>>, vector<1x16xf32>,
        %get3A_493 = vector.shape_cast %get3A_492 : vector<1x16xf32> to vector<16xf32>
        %mul3A_494 = arith.constant 11.3137083 : f32
        %mul3A_495 = vector.broadcast %mul3A_494 : f32 to vector<16xf32>
        %mul3A_496 = arith.mulf %get3A_493, %mul3A_495 : vector<16xf32>
        %swap3A_497 = arith.index_cast %scan3A_405 : i32 to index
        %swap3A_498 = arith.constant 112 : index
        %swap3A_499 = tpu.vector_load %arg6[%swap3A_497, %swap3A_498] {strides = array<i32>} : memref<128x128xf32, #tpu.memory_space<vmem>>, vector<1x16xf32>,
        %swap3A_500 = vector.shape_cast %swap3A_499 : vector<1x16xf32> to vector<16xf32>
        %swap3A_501 = vector.shape_cast %mul3A_496 : vector<16xf32> to vector<1x16xf32>
        tpu.vector_store %arg6[%swap3A_497, %swap3A_498], %swap3A_501 {strides = array<i32>} : memref<128x128xf32, #tpu.memory_space<vmem>>, vector<1x16xf32>,
        %scan3A_502 = arith.constant 0 : i32
        %scan3A_503 = arith.constant 3 : i32
        %scan3A_504 = arith.addi %scan3A_208, %scan3A_503 : i32
        %get3A_505 = arith.index_cast %scan3A_504 : i32 to index
        %get3A_506 = arith.constant 0 : index
        %get3A_507 = tpu.vector_load %arg6[%get3A_505, %get3A_506] {strides = array<i32>} : memref<128x128xf32, #tpu.memory_space<vmem>>, vector<1x16xf32>,
        %get3A_508 = vector.shape_cast %get3A_507 : vector<1x16xf32> to vector<16xf32>
        %mul3A_509 = arith.constant 11.3137083 : f32
        %mul3A_510 = vector.broadcast %mul3A_509 : f32 to vector<16xf32>
        %mul3A_511 = arith.mulf %get3A_508, %mul3A_510 : vector<16xf32>
        %swap3A_512 = arith.index_cast %scan3A_504 : i32 to index
        %swap3A_513 = arith.constant 0 : index
        %swap3A_514 = tpu.vector_load %arg6[%swap3A_512, %swap3A_513] {strides = array<i32>} : memref<128x128xf32, #tpu.memory_space<vmem>>, vector<1x16xf32>,
        %swap3A_515 = vector.shape_cast %swap3A_514 : vector<1x16xf32> to vector<16xf32>
        %swap3A_516 = vector.shape_cast %mul3A_511 : vector<16xf32> to vector<1x16xf32>
        tpu.vector_store %arg6[%swap3A_512, %swap3A_513], %swap3A_516 {strides = array<i32>} : memref<128x128xf32, #tpu.memory_space<vmem>>, vector<1x16xf32>,
        %get3A_517 = arith.index_cast %scan3A_504 : i32 to index
        %get3A_518 = arith.constant 16 : index
        %get3A_519 = tpu.vector_load %arg6[%get3A_517, %get3A_518] {strides = array<i32>} : memref<128x128xf32, #tpu.memory_space<vmem>>, vector<1x16xf32>,
        %get3A_520 = vector.shape_cast %get3A_519 : vector<1x16xf32> to vector<16xf32>
        %mul3A_521 = arith.constant 11.3137083 : f32
        %mul3A_522 = vector.broadcast %mul3A_521 : f32 to vector<16xf32>
        %mul3A_523 = arith.mulf %get3A_520, %mul3A_522 : vector<16xf32>
        %swap3A_524 = arith.index_cast %scan3A_504 : i32 to index
        %swap3A_525 = arith.constant 16 : index
        %swap3A_526 = tpu.vector_load %arg6[%swap3A_524, %swap3A_525] {strides = array<i32>} : memref<128x128xf32, #tpu.memory_space<vmem>>, vector<1x16xf32>,
        %swap3A_527 = vector.shape_cast %swap3A_526 : vector<1x16xf32> to vector<16xf32>
        %swap3A_528 = vector.shape_cast %mul3A_523 : vector<16xf32> to vector<1x16xf32>
        tpu.vector_store %arg6[%swap3A_524, %swap3A_525], %swap3A_528 {strides = array<i32>} : memref<128x128xf32, #tpu.memory_space<vmem>>, vector<1x16xf32>,
        %get3A_529 = arith.index_cast %scan3A_504 : i32 to index
        %get3A_530 = arith.constant 32 : index
        %get3A_531 = tpu.vector_load %arg6[%get3A_529, %get3A_530] {strides = array<i32>} : memref<128x128xf32, #tpu.memory_space<vmem>>, vector<1x16xf32>,
        %get3A_532 = vector.shape_cast %get3A_531 : vector<1x16xf32> to vector<16xf32>
        %mul3A_533 = arith.constant 11.3137083 : f32
        %mul3A_534 = vector.broadcast %mul3A_533 : f32 to vector<16xf32>
        %mul3A_535 = arith.mulf %get3A_532, %mul3A_534 : vector<16xf32>
        %swap3A_536 = arith.index_cast %scan3A_504 : i32 to index
        %swap3A_537 = arith.constant 32 : index
        %swap3A_538 = tpu.vector_load %arg6[%swap3A_536, %swap3A_537] {strides = array<i32>} : memref<128x128xf32, #tpu.memory_space<vmem>>, vector<1x16xf32>,
        %swap3A_539 = vector.shape_cast %swap3A_538 : vector<1x16xf32> to vector<16xf32>
        %swap3A_540 = vector.shape_cast %mul3A_535 : vector<16xf32> to vector<1x16xf32>
        tpu.vector_store %arg6[%swap3A_536, %swap3A_537], %swap3A_540 {strides = array<i32>} : memref<128x128xf32, #tpu.memory_space<vmem>>, vector<1x16xf32>,
        %get3A_541 = arith.index_cast %scan3A_504 : i32 to index
        %get3A_542 = arith.constant 48 : index
        %get3A_543 = tpu.vector_load %arg6[%get3A_541, %get3A_542] {strides = array<i32>} : memref<128x128xf32, #tpu.memory_space<vmem>>, vector<1x16xf32>,
        %get3A_544 = vector.shape_cast %get3A_543 : vector<1x16xf32> to vector<16xf32>
        %mul3A_545 = arith.constant 11.3137083 : f32
        %mul3A_546 = vector.broadcast %mul3A_545 : f32 to vector<16xf32>
        %mul3A_547 = arith.mulf %get3A_544, %mul3A_546 : vector<16xf32>
        %swap3A_548 = arith.index_cast %scan3A_504 : i32 to index
        %swap3A_549 = arith.constant 48 : index
        %swap3A_550 = tpu.vector_load %arg6[%swap3A_548, %swap3A_549] {strides = array<i32>} : memref<128x128xf32, #tpu.memory_space<vmem>>, vector<1x16xf32>,
        %swap3A_551 = vector.shape_cast %swap3A_550 : vector<1x16xf32> to vector<16xf32>
        %swap3A_552 = vector.shape_cast %mul3A_547 : vector<16xf32> to vector<1x16xf32>
        tpu.vector_store %arg6[%swap3A_548, %swap3A_549], %swap3A_552 {strides = array<i32>} : memref<128x128xf32, #tpu.memory_space<vmem>>, vector<1x16xf32>,
        %get3A_553 = arith.index_cast %scan3A_504 : i32 to index
        %get3A_554 = arith.constant 64 : index
        %get3A_555 = tpu.vector_load %arg6[%get3A_553, %get3A_554] {strides = array<i32>} : memref<128x128xf32, #tpu.memory_space<vmem>>, vector<1x16xf32>,
        %get3A_556 = vector.shape_cast %get3A_555 : vector<1x16xf32> to vector<16xf32>
        %mul3A_557 = arith.constant 11.3137083 : f32
        %mul3A_558 = vector.broadcast %mul3A_557 : f32 to vector<16xf32>
        %mul3A_559 = arith.mulf %get3A_556, %mul3A_558 : vector<16xf32>
        %swap3A_560 = arith.index_cast %scan3A_504 : i32 to index
        %swap3A_561 = arith.constant 64 : index
        %swap3A_562 = tpu.vector_load %arg6[%swap3A_560, %swap3A_561] {strides = array<i32>} : memref<128x128xf32, #tpu.memory_space<vmem>>, vector<1x16xf32>,
        %swap3A_563 = vector.shape_cast %swap3A_562 : vector<1x16xf32> to vector<16xf32>
        %swap3A_564 = vector.shape_cast %mul3A_559 : vector<16xf32> to vector<1x16xf32>
        tpu.vector_store %arg6[%swap3A_560, %swap3A_561], %swap3A_564 {strides = array<i32>} : memref<128x128xf32, #tpu.memory_space<vmem>>, vector<1x16xf32>,
        %get3A_565 = arith.index_cast %scan3A_504 : i32 to index
        %get3A_566 = arith.constant 80 : index
        %get3A_567 = tpu.vector_load %arg6[%get3A_565, %get3A_566] {strides = array<i32>} : memref<128x128xf32, #tpu.memory_space<vmem>>, vector<1x16xf32>,
        %get3A_568 = vector.shape_cast %get3A_567 : vector<1x16xf32> to vector<16xf32>
        %mul3A_569 = arith.constant 11.3137083 : f32
        %mul3A_570 = vector.broadcast %mul3A_569 : f32 to vector<16xf32>
        %mul3A_571 = arith.mulf %get3A_568, %mul3A_570 : vector<16xf32>
        %swap3A_572 = arith.index_cast %scan3A_504 : i32 to index
        %swap3A_573 = arith.constant 80 : index
        %swap3A_574 = tpu.vector_load %arg6[%swap3A_572, %swap3A_573] {strides = array<i32>} : memref<128x128xf32, #tpu.memory_space<vmem>>, vector<1x16xf32>,
        %swap3A_575 = vector.shape_cast %swap3A_574 : vector<1x16xf32> to vector<16xf32>
        %swap3A_576 = vector.shape_cast %mul3A_571 : vector<16xf32> to vector<1x16xf32>
        tpu.vector_store %arg6[%swap3A_572, %swap3A_573], %swap3A_576 {strides = array<i32>} : memref<128x128xf32, #tpu.memory_space<vmem>>, vector<1x16xf32>,
        %get3A_577 = arith.index_cast %scan3A_504 : i32 to index
        %get3A_578 = arith.constant 96 : index
        %get3A_579 = tpu.vector_load %arg6[%get3A_577, %get3A_578] {strides = array<i32>} : memref<128x128xf32, #tpu.memory_space<vmem>>, vector<1x16xf32>,
        %get3A_580 = vector.shape_cast %get3A_579 : vector<1x16xf32> to vector<16xf32>
        %mul3A_581 = arith.constant 11.3137083 : f32
        %mul3A_582 = vector.broadcast %mul3A_581 : f32 to vector<16xf32>
        %mul3A_583 = arith.mulf %get3A_580, %mul3A_582 : vector<16xf32>
        %swap3A_584 = arith.index_cast %scan3A_504 : i32 to index
        %swap3A_585 = arith.constant 96 : index
        %swap3A_586 = tpu.vector_load %arg6[%swap3A_584, %swap3A_585] {strides = array<i32>} : memref<128x128xf32, #tpu.memory_space<vmem>>, vector<1x16xf32>,
        %swap3A_587 = vector.shape_cast %swap3A_586 : vector<1x16xf32> to vector<16xf32>
        %swap3A_588 = vector.shape_cast %mul3A_583 : vector<16xf32> to vector<1x16xf32>
        tpu.vector_store %arg6[%swap3A_584, %swap3A_585], %swap3A_588 {strides = array<i32>} : memref<128x128xf32, #tpu.memory_space<vmem>>, vector<1x16xf32>,
        %get3A_589 = arith.index_cast %scan3A_504 : i32 to index
        %get3A_590 = arith.constant 112 : index
        %get3A_591 = tpu.vector_load %arg6[%get3A_589, %get3A_590] {strides = array<i32>} : memref<128x128xf32, #tpu.memory_space<vmem>>, vector<1x16xf32>,
        %get3A_592 = vector.shape_cast %get3A_591 : vector<1x16xf32> to vector<16xf32>
        %mul3A_593 = arith.constant 11.3137083 : f32
        %mul3A_594 = vector.broadcast %mul3A_593 : f32 to vector<16xf32>
        %mul3A_595 = arith.mulf %get3A_592, %mul3A_594 : vector<16xf32>
        %swap3A_596 = arith.index_cast %scan3A_504 : i32 to index
        %swap3A_597 = arith.constant 112 : index
        %swap3A_598 = tpu.vector_load %arg6[%swap3A_596, %swap3A_597] {strides = array<i32>} : memref<128x128xf32, #tpu.memory_space<vmem>>, vector<1x16xf32>,
        %swap3A_599 = vector.shape_cast %swap3A_598 : vector<1x16xf32> to vector<16xf32>
        %swap3A_600 = vector.shape_cast %mul3A_595 : vector<16xf32> to vector<1x16xf32>
        tpu.vector_store %arg6[%swap3A_596, %swap3A_597], %swap3A_600 {strides = array<i32>} : memref<128x128xf32, #tpu.memory_space<vmem>>, vector<1x16xf32>,
        %scan3A_601 = arith.constant 0 : i32
        scf.yield %scan3A_601 : i32
      }
      %scan3A_76 = arith.constant 128 : i32
      %dma_start3A_77 = arith.constant 0 : i32
      %dma_start3A_78 = tpu.memref_slice %arg4[%add3A_63, %mul3A_2, %dma_start3A_77] : memref<50x4096x128xf32, #tpu.memory_space<hbm>> -> memref<1x128x128xf32, #tpu.memory_space<hbm>>
      %dma_start3A_79 = tpu.memref_squeeze %dma_start3A_78 : memref<1x128x128xf32, #tpu.memory_space<hbm>> -> memref<128x128xf32, #tpu.memory_space<hbm>>
      %dma_start3A_80 = arith.constant 0 : i32
      %dma_start3A_81 = tpu.memref_slice %arg4[%add3A_63, %mul3A_2, %dma_start3A_80] : memref<50x4096x128xf32, #tpu.memory_space<hbm>> -> memref<1x128x128xf32, #tpu.memory_space<hbm>>
      %dma_start3A_82 = tpu.memref_squeeze %dma_start3A_81 : memref<1x128x128xf32, #tpu.memory_space<hbm>> -> memref<128x128xf32, #tpu.memory_space<hbm>>
      tpu.enqueue_dma source(%arg6 : memref<128x128xf32, #tpu.memory_space<vmem>>) target(%dma_start3A_82 : memref<128x128xf32, #tpu.memory_space<hbm>>) target_semaphore(%arg16 : memref<!tpu.dma_semaphore, #tpu.memory_space<semaphore_mem>>)
      %add3A_83 = arith.constant 3 : i32
      %add3A_84 = arith.addi %add3A_63, %add3A_83 : i32
      %lt3A = arith.constant 50 : i32
      %lt3A_85 = arith.cmpi slt, %add3A_84, %lt3A : i32
      %convert_element_type3A = arith.extui %lt3A_85 : i1 to i32
      %cond3A = arith.constant 0 : i32
      %cond3A_86 = arith.cmpi ne, %convert_element_type3A, %cond3A : i32
      scf.if %cond3A_86 {
        %ge3A = arith.constant 2 : i32
        %ge3A_208 = arith.cmpi sge, %add3A_63, %ge3A : i32
        %convert_element_type3A_209 = arith.extui %ge3A_208 : i1 to i32
        %cond3A_210 = arith.constant 0 : i32
        %cond3A_211 = arith.cmpi ne, %convert_element_type3A_209, %cond3A_210 : i32
        scf.if %cond3A_211 {
          %dma_wait3A_220 = arith.constant 0 : i32
          %dma_wait3A_221 = arith.constant 0 : i32
          %dma_wait3A_222 = tpu.memref_slice %arg3[%dma_wait3A_220, %dma_wait3A_221] : memref<100000x128xf32, #tpu.memory_space<hbm>> -> memref<128x128xf32, #tpu.memory_space<hbm>>
          %dma_wait3A_223 = arith.constant 0 : i32
          %dma_wait3A_224 = arith.constant 0 : i32
          %dma_wait3A_225 = tpu.memref_slice %arg3[%dma_wait3A_223, %dma_wait3A_224] : memref<100000x128xf32, #tpu.memory_space<hbm>> -> memref<128x128xf32, #tpu.memory_space<hbm>>
          tpu.wait_dma2 semaphore(%arg19 : memref<!tpu.dma_semaphore, #tpu.memory_space<semaphore_mem>>) src(%dma_wait3A_225 : memref<128x128xf32, #tpu.memory_space<hbm>>) dst(%arg9 : memref<128x128xf32, #tpu.memory_space<vmem>>)
        } else {
        }
        %add3A_212 = arith.constant 3 : i32
        %add3A_213 = arith.addi %add3A_63, %add3A_212 : i32
        %dma_start3A_214 = arith.constant 0 : i32
        %dma_start3A_215 = tpu.memref_slice %arg5[%add3A_213, %dma_start3A_214] : memref<50x128xi32, #tpu.memory_space<vmem>> -> memref<1x128xi32, #tpu.memory_space<vmem>>
        %dma_start3A_216 = tpu.memref_squeeze %dma_start3A_215 : memref<1x128xi32, #tpu.memory_space<vmem>> -> memref<128xi32, #tpu.memory_space<vmem>>
        %dma_start3A_217 = arith.constant 0 : i32
        %dma_start3A_218 = arith.constant 0 : i32
        %dma_start3A_219 = tpu.memref_slice %arg3[%dma_start3A_217, %dma_start3A_218] : memref<100000x128xf32, #tpu.memory_space<hbm>> -> memref<100000x128xf32, #tpu.memory_space<hbm>>
        tpu.enqueue_indirect_dma source(%dma_start3A_219 : memref<100000x128xf32, #tpu.memory_space<hbm>>) target(%arg9 : memref<128x128xf32, #tpu.memory_space<vmem>>) offsets(%dma_start3A_216 : memref<128xi32, #tpu.memory_space<vmem>>) semaphore(%arg14 : memref<!tpu.dma_semaphore, #tpu.memory_space<semaphore_mem>>)
      } else {
      }
      %mul3A_87 = arith.constant 5 : i32
      %mul3A_88 = arith.muli %scan3A_58, %mul3A_87 : i32
      %add3A_89 = arith.constant 1 : i32
      %add3A_90 = arith.addi %mul3A_88, %add3A_89 : i32
      %dma_wait3A_91 = arith.constant 0 : i32
      %dma_wait3A_92 = arith.constant 0 : i32
      %dma_wait3A_93 = tpu.memref_slice %arg3[%dma_wait3A_91, %dma_wait3A_92] : memref<100000x128xf32, #tpu.memory_space<hbm>> -> memref<128x128xf32, #tpu.memory_space<hbm>>
      %dma_wait3A_94 = arith.constant 0 : i32
      %dma_wait3A_95 = arith.constant 0 : i32
      %dma_wait3A_96 = tpu.memref_slice %arg3[%dma_wait3A_94, %dma_wait3A_95] : memref<100000x128xf32, #tpu.memory_space<hbm>> -> memref<128x128xf32, #tpu.memory_space<hbm>>
      tpu.wait_dma2 semaphore(%arg12 : memref<!tpu.dma_semaphore, #tpu.memory_space<semaphore_mem>>) src(%dma_wait3A_96 : memref<128x128xf32, #tpu.memory_space<hbm>>) dst(%arg7 : memref<128x128xf32, #tpu.memory_space<vmem>>)
      %scan3A_97 = arith.constant 0 : i32
      %scan3A_98 = arith.constant 0 : i32
      %scan3A_99 = arith.constant 128 : i32
      %scan3A_100 = arith.addi %scan3A_98, %scan3A_99 : i32
      %scan3A_101 = arith.constant 4 : i32
      %scan3A_102 = scf.for %scan3A_208 = %scan3A_98 to %scan3A_100 step %scan3A_101 iter_args(%scan3A_209 = %scan3A_97) -> (i32)  : i32 {
        %get3A = arith.index_cast %scan3A_208 : i32 to index
        %get3A_210 = arith.constant 0 : index
        %get3A_211 = tpu.vector_load %arg7[%get3A, %get3A_210] {strides = array<i32>} : memref<128x128xf32, #tpu.memory_space<vmem>>, vector<1x16xf32>,
        %get3A_212 = vector.shape_cast %get3A_211 : vector<1x16xf32> to vector<16xf32>
        %mul3A_213 = arith.constant 11.3137083 : f32
        %mul3A_214 = vector.broadcast %mul3A_213 : f32 to vector<16xf32>
        %mul3A_215 = arith.mulf %get3A_212, %mul3A_214 : vector<16xf32>
        %swap3A = arith.index_cast %scan3A_208 : i32 to index
        %swap3A_216 = arith.constant 0 : index
        %swap3A_217 = tpu.vector_load %arg7[%swap3A, %swap3A_216] {strides = array<i32>} : memref<128x128xf32, #tpu.memory_space<vmem>>, vector<1x16xf32>,
        %swap3A_218 = vector.shape_cast %swap3A_217 : vector<1x16xf32> to vector<16xf32>
        %swap3A_219 = vector.shape_cast %mul3A_215 : vector<16xf32> to vector<1x16xf32>
        tpu.vector_store %arg7[%swap3A, %swap3A_216], %swap3A_219 {strides = array<i32>} : memref<128x128xf32, #tpu.memory_space<vmem>>, vector<1x16xf32>,
        %get3A_220 = arith.index_cast %scan3A_208 : i32 to index
        %get3A_221 = arith.constant 16 : index
        %get3A_222 = tpu.vector_load %arg7[%get3A_220, %get3A_221] {strides = array<i32>} : memref<128x128xf32, #tpu.memory_space<vmem>>, vector<1x16xf32>,
        %get3A_223 = vector.shape_cast %get3A_222 : vector<1x16xf32> to vector<16xf32>
        %mul3A_224 = arith.constant 11.3137083 : f32
        %mul3A_225 = vector.broadcast %mul3A_224 : f32 to vector<16xf32>
        %mul3A_226 = arith.mulf %get3A_223, %mul3A_225 : vector<16xf32>
        %swap3A_227 = arith.index_cast %scan3A_208 : i32 to index
        %swap3A_228 = arith.constant 16 : index
        %swap3A_229 = tpu.vector_load %arg7[%swap3A_227, %swap3A_228] {strides = array<i32>} : memref<128x128xf32, #tpu.memory_space<vmem>>, vector<1x16xf32>,
        %swap3A_230 = vector.shape_cast %swap3A_229 : vector<1x16xf32> to vector<16xf32>
        %swap3A_231 = vector.shape_cast %mul3A_226 : vector<16xf32> to vector<1x16xf32>
        tpu.vector_store %arg7[%swap3A_227, %swap3A_228], %swap3A_231 {strides = array<i32>} : memref<128x128xf32, #tpu.memory_space<vmem>>, vector<1x16xf32>,
        %get3A_232 = arith.index_cast %scan3A_208 : i32 to index
        %get3A_233 = arith.constant 32 : index
        %get3A_234 = tpu.vector_load %arg7[%get3A_232, %get3A_233] {strides = array<i32>} : memref<128x128xf32, #tpu.memory_space<vmem>>, vector<1x16xf32>,
        %get3A_235 = vector.shape_cast %get3A_234 : vector<1x16xf32> to vector<16xf32>
        %mul3A_236 = arith.constant 11.3137083 : f32
        %mul3A_237 = vector.broadcast %mul3A_236 : f32 to vector<16xf32>
        %mul3A_238 = arith.mulf %get3A_235, %mul3A_237 : vector<16xf32>
        %swap3A_239 = arith.index_cast %scan3A_208 : i32 to index
        %swap3A_240 = arith.constant 32 : index
        %swap3A_241 = tpu.vector_load %arg7[%swap3A_239, %swap3A_240] {strides = array<i32>} : memref<128x128xf32, #tpu.memory_space<vmem>>, vector<1x16xf32>,
        %swap3A_242 = vector.shape_cast %swap3A_241 : vector<1x16xf32> to vector<16xf32>
        %swap3A_243 = vector.shape_cast %mul3A_238 : vector<16xf32> to vector<1x16xf32>
        tpu.vector_store %arg7[%swap3A_239, %swap3A_240], %swap3A_243 {strides = array<i32>} : memref<128x128xf32, #tpu.memory_space<vmem>>, vector<1x16xf32>,
        %get3A_244 = arith.index_cast %scan3A_208 : i32 to index
        %get3A_245 = arith.constant 48 : index
        %get3A_246 = tpu.vector_load %arg7[%get3A_244, %get3A_245] {strides = array<i32>} : memref<128x128xf32, #tpu.memory_space<vmem>>, vector<1x16xf32>,
        %get3A_247 = vector.shape_cast %get3A_246 : vector<1x16xf32> to vector<16xf32>
        %mul3A_248 = arith.constant 11.3137083 : f32
        %mul3A_249 = vector.broadcast %mul3A_248 : f32 to vector<16xf32>
        %mul3A_250 = arith.mulf %get3A_247, %mul3A_249 : vector<16xf32>
        %swap3A_251 = arith.index_cast %scan3A_208 : i32 to index
        %swap3A_252 = arith.constant 48 : index
        %swap3A_253 = tpu.vector_load %arg7[%swap3A_251, %swap3A_252] {strides = array<i32>} : memref<128x128xf32, #tpu.memory_space<vmem>>, vector<1x16xf32>,
        %swap3A_254 = vector.shape_cast %swap3A_253 : vector<1x16xf32> to vector<16xf32>
        %swap3A_255 = vector.shape_cast %mul3A_250 : vector<16xf32> to vector<1x16xf32>
        tpu.vector_store %arg7[%swap3A_251, %swap3A_252], %swap3A_255 {strides = array<i32>} : memref<128x128xf32, #tpu.memory_space<vmem>>, vector<1x16xf32>,
        %get3A_256 = arith.index_cast %scan3A_208 : i32 to index
        %get3A_257 = arith.constant 64 : index
        %get3A_258 = tpu.vector_load %arg7[%get3A_256, %get3A_257] {strides = array<i32>} : memref<128x128xf32, #tpu.memory_space<vmem>>, vector<1x16xf32>,
        %get3A_259 = vector.shape_cast %get3A_258 : vector<1x16xf32> to vector<16xf32>
        %mul3A_260 = arith.constant 11.3137083 : f32
        %mul3A_261 = vector.broadcast %mul3A_260 : f32 to vector<16xf32>
        %mul3A_262 = arith.mulf %get3A_259, %mul3A_261 : vector<16xf32>
        %swap3A_263 = arith.index_cast %scan3A_208 : i32 to index
        %swap3A_264 = arith.constant 64 : index
        %swap3A_265 = tpu.vector_load %arg7[%swap3A_263, %swap3A_264] {strides = array<i32>} : memref<128x128xf32, #tpu.memory_space<vmem>>, vector<1x16xf32>,
        %swap3A_266 = vector.shape_cast %swap3A_265 : vector<1x16xf32> to vector<16xf32>
        %swap3A_267 = vector.shape_cast %mul3A_262 : vector<16xf32> to vector<1x16xf32>
        tpu.vector_store %arg7[%swap3A_263, %swap3A_264], %swap3A_267 {strides = array<i32>} : memref<128x128xf32, #tpu.memory_space<vmem>>, vector<1x16xf32>,
        %get3A_268 = arith.index_cast %scan3A_208 : i32 to index
        %get3A_269 = arith.constant 80 : index
        %get3A_270 = tpu.vector_load %arg7[%get3A_268, %get3A_269] {strides = array<i32>} : memref<128x128xf32, #tpu.memory_space<vmem>>, vector<1x16xf32>,
        %get3A_271 = vector.shape_cast %get3A_270 : vector<1x16xf32> to vector<16xf32>
        %mul3A_272 = arith.constant 11.3137083 : f32
        %mul3A_273 = vector.broadcast %mul3A_272 : f32 to vector<16xf32>
        %mul3A_274 = arith.mulf %get3A_271, %mul3A_273 : vector<16xf32>
        %swap3A_275 = arith.index_cast %scan3A_208 : i32 to index
        %swap3A_276 = arith.constant 80 : index
        %swap3A_277 = tpu.vector_load %arg7[%swap3A_275, %swap3A_276] {strides = array<i32>} : memref<128x128xf32, #tpu.memory_space<vmem>>, vector<1x16xf32>,
        %swap3A_278 = vector.shape_cast %swap3A_277 : vector<1x16xf32> to vector<16xf32>
        %swap3A_279 = vector.shape_cast %mul3A_274 : vector<16xf32> to vector<1x16xf32>
        tpu.vector_store %arg7[%swap3A_275, %swap3A_276], %swap3A_279 {strides = array<i32>} : memref<128x128xf32, #tpu.memory_space<vmem>>, vector<1x16xf32>,
        %get3A_280 = arith.index_cast %scan3A_208 : i32 to index
        %get3A_281 = arith.constant 96 : index
        %get3A_282 = tpu.vector_load %arg7[%get3A_280, %get3A_281] {strides = array<i32>} : memref<128x128xf32, #tpu.memory_space<vmem>>, vector<1x16xf32>,
        %get3A_283 = vector.shape_cast %get3A_282 : vector<1x16xf32> to vector<16xf32>
        %mul3A_284 = arith.constant 11.3137083 : f32
        %mul3A_285 = vector.broadcast %mul3A_284 : f32 to vector<16xf32>
        %mul3A_286 = arith.mulf %get3A_283, %mul3A_285 : vector<16xf32>
        %swap3A_287 = arith.index_cast %scan3A_208 : i32 to index
        %swap3A_288 = arith.constant 96 : index
        %swap3A_289 = tpu.vector_load %arg7[%swap3A_287, %swap3A_288] {strides = array<i32>} : memref<128x128xf32, #tpu.memory_space<vmem>>, vector<1x16xf32>,
        %swap3A_290 = vector.shape_cast %swap3A_289 : vector<1x16xf32> to vector<16xf32>
        %swap3A_291 = vector.shape_cast %mul3A_286 : vector<16xf32> to vector<1x16xf32>
        tpu.vector_store %arg7[%swap3A_287, %swap3A_288], %swap3A_291 {strides = array<i32>} : memref<128x128xf32, #tpu.memory_space<vmem>>, vector<1x16xf32>,
        %get3A_292 = arith.index_cast %scan3A_208 : i32 to index
        %get3A_293 = arith.constant 112 : index
        %get3A_294 = tpu.vector_load %arg7[%get3A_292, %get3A_293] {strides = array<i32>} : memref<128x128xf32, #tpu.memory_space<vmem>>, vector<1x16xf32>,
        %get3A_295 = vector.shape_cast %get3A_294 : vector<1x16xf32> to vector<16xf32>
        %mul3A_296 = arith.constant 11.3137083 : f32
        %mul3A_297 = vector.broadcast %mul3A_296 : f32 to vector<16xf32>
        %mul3A_298 = arith.mulf %get3A_295, %mul3A_297 : vector<16xf32>
        %swap3A_299 = arith.index_cast %scan3A_208 : i32 to index
        %swap3A_300 = arith.constant 112 : index
        %swap3A_301 = tpu.vector_load %arg7[%swap3A_299, %swap3A_300] {strides = array<i32>} : memref<128x128xf32, #tpu.memory_space<vmem>>, vector<1x16xf32>,
        %swap3A_302 = vector.shape_cast %swap3A_301 : vector<1x16xf32> to vector<16xf32>
        %swap3A_303 = vector.shape_cast %mul3A_298 : vector<16xf32> to vector<1x16xf32>
        tpu.vector_store %arg7[%swap3A_299, %swap3A_300], %swap3A_303 {strides = array<i32>} : memref<128x128xf32, #tpu.memory_space<vmem>>, vector<1x16xf32>,
        %scan3A_304 = arith.constant 0 : i32
        %scan3A_305 = arith.constant 1 : i32
        %scan3A_306 = arith.addi %scan3A_208, %scan3A_305 : i32
        %get3A_307 = arith.index_cast %scan3A_306 : i32 to index
        %get3A_308 = arith.constant 0 : index
        %get3A_309 = tpu.vector_load %arg7[%get3A_307, %get3A_308] {strides = array<i32>} : memref<128x128xf32, #tpu.memory_space<vmem>>, vector<1x16xf32>,
        %get3A_310 = vector.shape_cast %get3A_309 : vector<1x16xf32> to vector<16xf32>
        %mul3A_311 = arith.constant 11.3137083 : f32
        %mul3A_312 = vector.broadcast %mul3A_311 : f32 to vector<16xf32>
        %mul3A_313 = arith.mulf %get3A_310, %mul3A_312 : vector<16xf32>
        %swap3A_314 = arith.index_cast %scan3A_306 : i32 to index
        %swap3A_315 = arith.constant 0 : index
        %swap3A_316 = tpu.vector_load %arg7[%swap3A_314, %swap3A_315] {strides = array<i32>} : memref<128x128xf32, #tpu.memory_space<vmem>>, vector<1x16xf32>,
        %swap3A_317 = vector.shape_cast %swap3A_316 : vector<1x16xf32> to vector<16xf32>
        %swap3A_318 = vector.shape_cast %mul3A_313 : vector<16xf32> to vector<1x16xf32>
        tpu.vector_store %arg7[%swap3A_314, %swap3A_315], %swap3A_318 {strides = array<i32>} : memref<128x128xf32, #tpu.memory_space<vmem>>, vector<1x16xf32>,
        %get3A_319 = arith.index_cast %scan3A_306 : i32 to index
        %get3A_320 = arith.constant 16 : index
        %get3A_321 = tpu.vector_load %arg7[%get3A_319, %get3A_320] {strides = array<i32>} : memref<128x128xf32, #tpu.memory_space<vmem>>, vector<1x16xf32>,
        %get3A_322 = vector.shape_cast %get3A_321 : vector<1x16xf32> to vector<16xf32>
        %mul3A_323 = arith.constant 11.3137083 : f32
        %mul3A_324 = vector.broadcast %mul3A_323 : f32 to vector<16xf32>
        %mul3A_325 = arith.mulf %get3A_322, %mul3A_324 : vector<16xf32>
        %swap3A_326 = arith.index_cast %scan3A_306 : i32 to index
        %swap3A_327 = arith.constant 16 : index
        %swap3A_328 = tpu.vector_load %arg7[%swap3A_326, %swap3A_327] {strides = array<i32>} : memref<128x128xf32, #tpu.memory_space<vmem>>, vector<1x16xf32>,
        %swap3A_329 = vector.shape_cast %swap3A_328 : vector<1x16xf32> to vector<16xf32>
        %swap3A_330 = vector.shape_cast %mul3A_325 : vector<16xf32> to vector<1x16xf32>
        tpu.vector_store %arg7[%swap3A_326, %swap3A_327], %swap3A_330 {strides = array<i32>} : memref<128x128xf32, #tpu.memory_space<vmem>>, vector<1x16xf32>,
        %get3A_331 = arith.index_cast %scan3A_306 : i32 to index
        %get3A_332 = arith.constant 32 : index
        %get3A_333 = tpu.vector_load %arg7[%get3A_331, %get3A_332] {strides = array<i32>} : memref<128x128xf32, #tpu.memory_space<vmem>>, vector<1x16xf32>,
        %get3A_334 = vector.shape_cast %get3A_333 : vector<1x16xf32> to vector<16xf32>
        %mul3A_335 = arith.constant 11.3137083 : f32
        %mul3A_336 = vector.broadcast %mul3A_335 : f32 to vector<16xf32>
        %mul3A_337 = arith.mulf %get3A_334, %mul3A_336 : vector<16xf32>
        %swap3A_338 = arith.index_cast %scan3A_306 : i32 to index
        %swap3A_339 = arith.constant 32 : index
        %swap3A_340 = tpu.vector_load %arg7[%swap3A_338, %swap3A_339] {strides = array<i32>} : memref<128x128xf32, #tpu.memory_space<vmem>>, vector<1x16xf32>,
        %swap3A_341 = vector.shape_cast %swap3A_340 : vector<1x16xf32> to vector<16xf32>
        %swap3A_342 = vector.shape_cast %mul3A_337 : vector<16xf32> to vector<1x16xf32>
        tpu.vector_store %arg7[%swap3A_338, %swap3A_339], %swap3A_342 {strides = array<i32>} : memref<128x128xf32, #tpu.memory_space<vmem>>, vector<1x16xf32>,
        %get3A_343 = arith.index_cast %scan3A_306 : i32 to index
        %get3A_344 = arith.constant 48 : index
        %get3A_345 = tpu.vector_load %arg7[%get3A_343, %get3A_344] {strides = array<i32>} : memref<128x128xf32, #tpu.memory_space<vmem>>, vector<1x16xf32>,
        %get3A_346 = vector.shape_cast %get3A_345 : vector<1x16xf32> to vector<16xf32>
        %mul3A_347 = arith.constant 11.3137083 : f32
        %mul3A_348 = vector.broadcast %mul3A_347 : f32 to vector<16xf32>
        %mul3A_349 = arith.mulf %get3A_346, %mul3A_348 : vector<16xf32>
        %swap3A_350 = arith.index_cast %scan3A_306 : i32 to index
        %swap3A_351 = arith.constant 48 : index
        %swap3A_352 = tpu.vector_load %arg7[%swap3A_350, %swap3A_351] {strides = array<i32>} : memref<128x128xf32, #tpu.memory_space<vmem>>, vector<1x16xf32>,
        %swap3A_353 = vector.shape_cast %swap3A_352 : vector<1x16xf32> to vector<16xf32>
        %swap3A_354 = vector.shape_cast %mul3A_349 : vector<16xf32> to vector<1x16xf32>
        tpu.vector_store %arg7[%swap3A_350, %swap3A_351], %swap3A_354 {strides = array<i32>} : memref<128x128xf32, #tpu.memory_space<vmem>>, vector<1x16xf32>,
        %get3A_355 = arith.index_cast %scan3A_306 : i32 to index
        %get3A_356 = arith.constant 64 : index
        %get3A_357 = tpu.vector_load %arg7[%get3A_355, %get3A_356] {strides = array<i32>} : memref<128x128xf32, #tpu.memory_space<vmem>>, vector<1x16xf32>,
        %get3A_358 = vector.shape_cast %get3A_357 : vector<1x16xf32> to vector<16xf32>
        %mul3A_359 = arith.constant 11.3137083 : f32
        %mul3A_360 = vector.broadcast %mul3A_359 : f32 to vector<16xf32>
        %mul3A_361 = arith.mulf %get3A_358, %mul3A_360 : vector<16xf32>
        %swap3A_362 = arith.index_cast %scan3A_306 : i32 to index
        %swap3A_363 = arith.constant 64 : index
        %swap3A_364 = tpu.vector_load %arg7[%swap3A_362, %swap3A_363] {strides = array<i32>} : memref<128x128xf32, #tpu.memory_space<vmem>>, vector<1x16xf32>,
        %swap3A_365 = vector.shape_cast %swap3A_364 : vector<1x16xf32> to vector<16xf32>
        %swap3A_366 = vector.shape_cast %mul3A_361 : vector<16xf32> to vector<1x16xf32>
        tpu.vector_store %arg7[%swap3A_362, %swap3A_363], %swap3A_366 {strides = array<i32>} : memref<128x128xf32, #tpu.memory_space<vmem>>, vector<1x16xf32>,
        %get3A_367 = arith.index_cast %scan3A_306 : i32 to index
        %get3A_368 = arith.constant 80 : index
        %get3A_369 = tpu.vector_load %arg7[%get3A_367, %get3A_368] {strides = array<i32>} : memref<128x128xf32, #tpu.memory_space<vmem>>, vector<1x16xf32>,
        %get3A_370 = vector.shape_cast %get3A_369 : vector<1x16xf32> to vector<16xf32>
        %mul3A_371 = arith.constant 11.3137083 : f32
        %mul3A_372 = vector.broadcast %mul3A_371 : f32 to vector<16xf32>
        %mul3A_373 = arith.mulf %get3A_370, %mul3A_372 : vector<16xf32>
        %swap3A_374 = arith.index_cast %scan3A_306 : i32 to index
        %swap3A_375 = arith.constant 80 : index
        %swap3A_376 = tpu.vector_load %arg7[%swap3A_374, %swap3A_375] {strides = array<i32>} : memref<128x128xf32, #tpu.memory_space<vmem>>, vector<1x16xf32>,
        %swap3A_377 = vector.shape_cast %swap3A_376 : vector<1x16xf32> to vector<16xf32>
        %swap3A_378 = vector.shape_cast %mul3A_373 : vector<16xf32> to vector<1x16xf32>
        tpu.vector_store %arg7[%swap3A_374, %swap3A_375], %swap3A_378 {strides = array<i32>} : memref<128x128xf32, #tpu.memory_space<vmem>>, vector<1x16xf32>,
        %get3A_379 = arith.index_cast %scan3A_306 : i32 to index
        %get3A_380 = arith.constant 96 : index
        %get3A_381 = tpu.vector_load %arg7[%get3A_379, %get3A_380] {strides = array<i32>} : memref<128x128xf32, #tpu.memory_space<vmem>>, vector<1x16xf32>,
        %get3A_382 = vector.shape_cast %get3A_381 : vector<1x16xf32> to vector<16xf32>
        %mul3A_383 = arith.constant 11.3137083 : f32
        %mul3A_384 = vector.broadcast %mul3A_383 : f32 to vector<16xf32>
        %mul3A_385 = arith.mulf %get3A_382, %mul3A_384 : vector<16xf32>
        %swap3A_386 = arith.index_cast %scan3A_306 : i32 to index
        %swap3A_387 = arith.constant 96 : index
        %swap3A_388 = tpu.vector_load %arg7[%swap3A_386, %swap3A_387] {strides = array<i32>} : memref<128x128xf32, #tpu.memory_space<vmem>>, vector<1x16xf32>,
        %swap3A_389 = vector.shape_cast %swap3A_388 : vector<1x16xf32> to vector<16xf32>
        %swap3A_390 = vector.shape_cast %mul3A_385 : vector<16xf32> to vector<1x16xf32>
        tpu.vector_store %arg7[%swap3A_386, %swap3A_387], %swap3A_390 {strides = array<i32>} : memref<128x128xf32, #tpu.memory_space<vmem>>, vector<1x16xf32>,
        %get3A_391 = arith.index_cast %scan3A_306 : i32 to index
        %get3A_392 = arith.constant 112 : index
        %get3A_393 = tpu.vector_load %arg7[%get3A_391, %get3A_392] {strides = array<i32>} : memref<128x128xf32, #tpu.memory_space<vmem>>, vector<1x16xf32>,
        %get3A_394 = vector.shape_cast %get3A_393 : vector<1x16xf32> to vector<16xf32>
        %mul3A_395 = arith.constant 11.3137083 : f32
        %mul3A_396 = vector.broadcast %mul3A_395 : f32 to vector<16xf32>
        %mul3A_397 = arith.mulf %get3A_394, %mul3A_396 : vector<16xf32>
        %swap3A_398 = arith.index_cast %scan3A_306 : i32 to index
        %swap3A_399 = arith.constant 112 : index
        %swap3A_400 = tpu.vector_load %arg7[%swap3A_398, %swap3A_399] {strides = array<i32>} : memref<128x128xf32, #tpu.memory_space<vmem>>, vector<1x16xf32>,
        %swap3A_401 = vector.shape_cast %swap3A_400 : vector<1x16xf32> to vector<16xf32>
        %swap3A_402 = vector.shape_cast %mul3A_397 : vector<16xf32> to vector<1x16xf32>
        tpu.vector_store %arg7[%swap3A_398, %swap3A_399], %swap3A_402 {strides = array<i32>} : memref<128x128xf32, #tpu.memory_space<vmem>>, vector<1x16xf32>,
        %scan3A_403 = arith.constant 0 : i32
        %scan3A_404 = arith.constant 2 : i32
        %scan3A_405 = arith.addi %scan3A_208, %scan3A_404 : i32
        %get3A_406 = arith.index_cast %scan3A_405 : i32 to index
        %get3A_407 = arith.constant 0 : index
        %get3A_408 = tpu.vector_load %arg7[%get3A_406, %get3A_407] {strides = array<i32>} : memref<128x128xf32, #tpu.memory_space<vmem>>, vector<1x16xf32>,
        %get3A_409 = vector.shape_cast %get3A_408 : vector<1x16xf32> to vector<16xf32>
        %mul3A_410 = arith.constant 11.3137083 : f32
        %mul3A_411 = vector.broadcast %mul3A_410 : f32 to vector<16xf32>
        %mul3A_412 = arith.mulf %get3A_409, %mul3A_411 : vector<16xf32>
        %swap3A_413 = arith.index_cast %scan3A_405 : i32 to index
        %swap3A_414 = arith.constant 0 : index
        %swap3A_415 = tpu.vector_load %arg7[%swap3A_413, %swap3A_414] {strides = array<i32>} : memref<128x128xf32, #tpu.memory_space<vmem>>, vector<1x16xf32>,
        %swap3A_416 = vector.shape_cast %swap3A_415 : vector<1x16xf32> to vector<16xf32>
        %swap3A_417 = vector.shape_cast %mul3A_412 : vector<16xf32> to vector<1x16xf32>
        tpu.vector_store %arg7[%swap3A_413, %swap3A_414], %swap3A_417 {strides = array<i32>} : memref<128x128xf32, #tpu.memory_space<vmem>>, vector<1x16xf32>,
        %get3A_418 = arith.index_cast %scan3A_405 : i32 to index
        %get3A_419 = arith.constant 16 : index
        %get3A_420 = tpu.vector_load %arg7[%get3A_418, %get3A_419] {strides = array<i32>} : memref<128x128xf32, #tpu.memory_space<vmem>>, vector<1x16xf32>,
        %get3A_421 = vector.shape_cast %get3A_420 : vector<1x16xf32> to vector<16xf32>
        %mul3A_422 = arith.constant 11.3137083 : f32
        %mul3A_423 = vector.broadcast %mul3A_422 : f32 to vector<16xf32>
        %mul3A_424 = arith.mulf %get3A_421, %mul3A_423 : vector<16xf32>
        %swap3A_425 = arith.index_cast %scan3A_405 : i32 to index
        %swap3A_426 = arith.constant 16 : index
        %swap3A_427 = tpu.vector_load %arg7[%swap3A_425, %swap3A_426] {strides = array<i32>} : memref<128x128xf32, #tpu.memory_space<vmem>>, vector<1x16xf32>,
        %swap3A_428 = vector.shape_cast %swap3A_427 : vector<1x16xf32> to vector<16xf32>
        %swap3A_429 = vector.shape_cast %mul3A_424 : vector<16xf32> to vector<1x16xf32>
        tpu.vector_store %arg7[%swap3A_425, %swap3A_426], %swap3A_429 {strides = array<i32>} : memref<128x128xf32, #tpu.memory_space<vmem>>, vector<1x16xf32>,
        %get3A_430 = arith.index_cast %scan3A_405 : i32 to index
        %get3A_431 = arith.constant 32 : index
        %get3A_432 = tpu.vector_load %arg7[%get3A_430, %get3A_431] {strides = array<i32>} : memref<128x128xf32, #tpu.memory_space<vmem>>, vector<1x16xf32>,
        %get3A_433 = vector.shape_cast %get3A_432 : vector<1x16xf32> to vector<16xf32>
        %mul3A_434 = arith.constant 11.3137083 : f32
        %mul3A_435 = vector.broadcast %mul3A_434 : f32 to vector<16xf32>
        %mul3A_436 = arith.mulf %get3A_433, %mul3A_435 : vector<16xf32>
        %swap3A_437 = arith.index_cast %scan3A_405 : i32 to index
        %swap3A_438 = arith.constant 32 : index
        %swap3A_439 = tpu.vector_load %arg7[%swap3A_437, %swap3A_438] {strides = array<i32>} : memref<128x128xf32, #tpu.memory_space<vmem>>, vector<1x16xf32>,
        %swap3A_440 = vector.shape_cast %swap3A_439 : vector<1x16xf32> to vector<16xf32>
        %swap3A_441 = vector.shape_cast %mul3A_436 : vector<16xf32> to vector<1x16xf32>
        tpu.vector_store %arg7[%swap3A_437, %swap3A_438], %swap3A_441 {strides = array<i32>} : memref<128x128xf32, #tpu.memory_space<vmem>>, vector<1x16xf32>,
        %get3A_442 = arith.index_cast %scan3A_405 : i32 to index
        %get3A_443 = arith.constant 48 : index
        %get3A_444 = tpu.vector_load %arg7[%get3A_442, %get3A_443] {strides = array<i32>} : memref<128x128xf32, #tpu.memory_space<vmem>>, vector<1x16xf32>,
        %get3A_445 = vector.shape_cast %get3A_444 : vector<1x16xf32> to vector<16xf32>
        %mul3A_446 = arith.constant 11.3137083 : f32
        %mul3A_447 = vector.broadcast %mul3A_446 : f32 to vector<16xf32>
        %mul3A_448 = arith.mulf %get3A_445, %mul3A_447 : vector<16xf32>
        %swap3A_449 = arith.index_cast %scan3A_405 : i32 to index
        %swap3A_450 = arith.constant 48 : index
        %swap3A_451 = tpu.vector_load %arg7[%swap3A_449, %swap3A_450] {strides = array<i32>} : memref<128x128xf32, #tpu.memory_space<vmem>>, vector<1x16xf32>,
        %swap3A_452 = vector.shape_cast %swap3A_451 : vector<1x16xf32> to vector<16xf32>
        %swap3A_453 = vector.shape_cast %mul3A_448 : vector<16xf32> to vector<1x16xf32>
        tpu.vector_store %arg7[%swap3A_449, %swap3A_450], %swap3A_453 {strides = array<i32>} : memref<128x128xf32, #tpu.memory_space<vmem>>, vector<1x16xf32>,
        %get3A_454 = arith.index_cast %scan3A_405 : i32 to index
        %get3A_455 = arith.constant 64 : index
        %get3A_456 = tpu.vector_load %arg7[%get3A_454, %get3A_455] {strides = array<i32>} : memref<128x128xf32, #tpu.memory_space<vmem>>, vector<1x16xf32>,
        %get3A_457 = vector.shape_cast %get3A_456 : vector<1x16xf32> to vector<16xf32>
        %mul3A_458 = arith.constant 11.3137083 : f32
        %mul3A_459 = vector.broadcast %mul3A_458 : f32 to vector<16xf32>
        %mul3A_460 = arith.mulf %get3A_457, %mul3A_459 : vector<16xf32>
        %swap3A_461 = arith.index_cast %scan3A_405 : i32 to index
        %swap3A_462 = arith.constant 64 : index
        %swap3A_463 = tpu.vector_load %arg7[%swap3A_461, %swap3A_462] {strides = array<i32>} : memref<128x128xf32, #tpu.memory_space<vmem>>, vector<1x16xf32>,
        %swap3A_464 = vector.shape_cast %swap3A_463 : vector<1x16xf32> to vector<16xf32>
        %swap3A_465 = vector.shape_cast %mul3A_460 : vector<16xf32> to vector<1x16xf32>
        tpu.vector_store %arg7[%swap3A_461, %swap3A_462], %swap3A_465 {strides = array<i32>} : memref<128x128xf32, #tpu.memory_space<vmem>>, vector<1x16xf32>,
        %get3A_466 = arith.index_cast %scan3A_405 : i32 to index
        %get3A_467 = arith.constant 80 : index
        %get3A_468 = tpu.vector_load %arg7[%get3A_466, %get3A_467] {strides = array<i32>} : memref<128x128xf32, #tpu.memory_space<vmem>>, vector<1x16xf32>,
        %get3A_469 = vector.shape_cast %get3A_468 : vector<1x16xf32> to vector<16xf32>
        %mul3A_470 = arith.constant 11.3137083 : f32
        %mul3A_471 = vector.broadcast %mul3A_470 : f32 to vector<16xf32>
        %mul3A_472 = arith.mulf %get3A_469, %mul3A_471 : vector<16xf32>
        %swap3A_473 = arith.index_cast %scan3A_405 : i32 to index
        %swap3A_474 = arith.constant 80 : index
        %swap3A_475 = tpu.vector_load %arg7[%swap3A_473, %swap3A_474] {strides = array<i32>} : memref<128x128xf32, #tpu.memory_space<vmem>>, vector<1x16xf32>,
        %swap3A_476 = vector.shape_cast %swap3A_475 : vector<1x16xf32> to vector<16xf32>
        %swap3A_477 = vector.shape_cast %mul3A_472 : vector<16xf32> to vector<1x16xf32>
        tpu.vector_store %arg7[%swap3A_473, %swap3A_474], %swap3A_477 {strides = array<i32>} : memref<128x128xf32, #tpu.memory_space<vmem>>, vector<1x16xf32>,
        %get3A_478 = arith.index_cast %scan3A_405 : i32 to index
        %get3A_479 = arith.constant 96 : index
        %get3A_480 = tpu.vector_load %arg7[%get3A_478, %get3A_479] {strides = array<i32>} : memref<128x128xf32, #tpu.memory_space<vmem>>, vector<1x16xf32>,
        %get3A_481 = vector.shape_cast %get3A_480 : vector<1x16xf32> to vector<16xf32>
        %mul3A_482 = arith.constant 11.3137083 : f32
        %mul3A_483 = vector.broadcast %mul3A_482 : f32 to vector<16xf32>
        %mul3A_484 = arith.mulf %get3A_481, %mul3A_483 : vector<16xf32>
        %swap3A_485 = arith.index_cast %scan3A_405 : i32 to index
        %swap3A_486 = arith.constant 96 : index
        %swap3A_487 = tpu.vector_load %arg7[%swap3A_485, %swap3A_486] {strides = array<i32>} : memref<128x128xf32, #tpu.memory_space<vmem>>, vector<1x16xf32>,
        %swap3A_488 = vector.shape_cast %swap3A_487 : vector<1x16xf32> to vector<16xf32>
        %swap3A_489 = vector.shape_cast %mul3A_484 : vector<16xf32> to vector<1x16xf32>
        tpu.vector_store %arg7[%swap3A_485, %swap3A_486], %swap3A_489 {strides = array<i32>} : memref<128x128xf32, #tpu.memory_space<vmem>>, vector<1x16xf32>,
        %get3A_490 = arith.index_cast %scan3A_405 : i32 to index
        %get3A_491 = arith.constant 112 : index
        %get3A_492 = tpu.vector_load %arg7[%get3A_490, %get3A_491] {strides = array<i32>} : memref<128x128xf32, #tpu.memory_space<vmem>>, vector<1x16xf32>,
        %get3A_493 = vector.shape_cast %get3A_492 : vector<1x16xf32> to vector<16xf32>
        %mul3A_494 = arith.constant 11.3137083 : f32
        %mul3A_495 = vector.broadcast %mul3A_494 : f32 to vector<16xf32>
        %mul3A_496 = arith.mulf %get3A_493, %mul3A_495 : vector<16xf32>
        %swap3A_497 = arith.index_cast %scan3A_405 : i32 to index
        %swap3A_498 = arith.constant 112 : index
        %swap3A_499 = tpu.vector_load %arg7[%swap3A_497, %swap3A_498] {strides = array<i32>} : memref<128x128xf32, #tpu.memory_space<vmem>>, vector<1x16xf32>,
        %swap3A_500 = vector.shape_cast %swap3A_499 : vector<1x16xf32> to vector<16xf32>
        %swap3A_501 = vector.shape_cast %mul3A_496 : vector<16xf32> to vector<1x16xf32>
        tpu.vector_store %arg7[%swap3A_497, %swap3A_498], %swap3A_501 {strides = array<i32>} : memref<128x128xf32, #tpu.memory_space<vmem>>, vector<1x16xf32>,
        %scan3A_502 = arith.constant 0 : i32
        %scan3A_503 = arith.constant 3 : i32
        %scan3A_504 = arith.addi %scan3A_208, %scan3A_503 : i32
        %get3A_505 = arith.index_cast %scan3A_504 : i32 to index
        %get3A_506 = arith.constant 0 : index
        %get3A_507 = tpu.vector_load %arg7[%get3A_505, %get3A_506] {strides = array<i32>} : memref<128x128xf32, #tpu.memory_space<vmem>>, vector<1x16xf32>,
        %get3A_508 = vector.shape_cast %get3A_507 : vector<1x16xf32> to vector<16xf32>
        %mul3A_509 = arith.constant 11.3137083 : f32
        %mul3A_510 = vector.broadcast %mul3A_509 : f32 to vector<16xf32>
        %mul3A_511 = arith.mulf %get3A_508, %mul3A_510 : vector<16xf32>
        %swap3A_512 = arith.index_cast %scan3A_504 : i32 to index
        %swap3A_513 = arith.constant 0 : index
        %swap3A_514 = tpu.vector_load %arg7[%swap3A_512, %swap3A_513] {strides = array<i32>} : memref<128x128xf32, #tpu.memory_space<vmem>>, vector<1x16xf32>,
        %swap3A_515 = vector.shape_cast %swap3A_514 : vector<1x16xf32> to vector<16xf32>
        %swap3A_516 = vector.shape_cast %mul3A_511 : vector<16xf32> to vector<1x16xf32>
        tpu.vector_store %arg7[%swap3A_512, %swap3A_513], %swap3A_516 {strides = array<i32>} : memref<128x128xf32, #tpu.memory_space<vmem>>, vector<1x16xf32>,
        %get3A_517 = arith.index_cast %scan3A_504 : i32 to index
        %get3A_518 = arith.constant 16 : index
        %get3A_519 = tpu.vector_load %arg7[%get3A_517, %get3A_518] {strides = array<i32>} : memref<128x128xf32, #tpu.memory_space<vmem>>, vector<1x16xf32>,
        %get3A_520 = vector.shape_cast %get3A_519 : vector<1x16xf32> to vector<16xf32>
        %mul3A_521 = arith.constant 11.3137083 : f32
        %mul3A_522 = vector.broadcast %mul3A_521 : f32 to vector<16xf32>
        %mul3A_523 = arith.mulf %get3A_520, %mul3A_522 : vector<16xf32>
        %swap3A_524 = arith.index_cast %scan3A_504 : i32 to index
        %swap3A_525 = arith.constant 16 : index
        %swap3A_526 = tpu.vector_load %arg7[%swap3A_524, %swap3A_525] {strides = array<i32>} : memref<128x128xf32, #tpu.memory_space<vmem>>, vector<1x16xf32>,
        %swap3A_527 = vector.shape_cast %swap3A_526 : vector<1x16xf32> to vector<16xf32>
        %swap3A_528 = vector.shape_cast %mul3A_523 : vector<16xf32> to vector<1x16xf32>
        tpu.vector_store %arg7[%swap3A_524, %swap3A_525], %swap3A_528 {strides = array<i32>} : memref<128x128xf32, #tpu.memory_space<vmem>>, vector<1x16xf32>,
        %get3A_529 = arith.index_cast %scan3A_504 : i32 to index
        %get3A_530 = arith.constant 32 : index
        %get3A_531 = tpu.vector_load %arg7[%get3A_529, %get3A_530] {strides = array<i32>} : memref<128x128xf32, #tpu.memory_space<vmem>>, vector<1x16xf32>,
        %get3A_532 = vector.shape_cast %get3A_531 : vector<1x16xf32> to vector<16xf32>
        %mul3A_533 = arith.constant 11.3137083 : f32
        %mul3A_534 = vector.broadcast %mul3A_533 : f32 to vector<16xf32>
        %mul3A_535 = arith.mulf %get3A_532, %mul3A_534 : vector<16xf32>
        %swap3A_536 = arith.index_cast %scan3A_504 : i32 to index
        %swap3A_537 = arith.constant 32 : index
        %swap3A_538 = tpu.vector_load %arg7[%swap3A_536, %swap3A_537] {strides = array<i32>} : memref<128x128xf32, #tpu.memory_space<vmem>>, vector<1x16xf32>,
        %swap3A_539 = vector.shape_cast %swap3A_538 : vector<1x16xf32> to vector<16xf32>
        %swap3A_540 = vector.shape_cast %mul3A_535 : vector<16xf32> to vector<1x16xf32>
        tpu.vector_store %arg7[%swap3A_536, %swap3A_537], %swap3A_540 {strides = array<i32>} : memref<128x128xf32, #tpu.memory_space<vmem>>, vector<1x16xf32>,
        %get3A_541 = arith.index_cast %scan3A_504 : i32 to index
        %get3A_542 = arith.constant 48 : index
        %get3A_543 = tpu.vector_load %arg7[%get3A_541, %get3A_542] {strides = array<i32>} : memref<128x128xf32, #tpu.memory_space<vmem>>, vector<1x16xf32>,
        %get3A_544 = vector.shape_cast %get3A_543 : vector<1x16xf32> to vector<16xf32>
        %mul3A_545 = arith.constant 11.3137083 : f32
        %mul3A_546 = vector.broadcast %mul3A_545 : f32 to vector<16xf32>
        %mul3A_547 = arith.mulf %get3A_544, %mul3A_546 : vector<16xf32>
        %swap3A_548 = arith.index_cast %scan3A_504 : i32 to index
        %swap3A_549 = arith.constant 48 : index
        %swap3A_550 = tpu.vector_load %arg7[%swap3A_548, %swap3A_549] {strides = array<i32>} : memref<128x128xf32, #tpu.memory_space<vmem>>, vector<1x16xf32>,
        %swap3A_551 = vector.shape_cast %swap3A_550 : vector<1x16xf32> to vector<16xf32>
        %swap3A_552 = vector.shape_cast %mul3A_547 : vector<16xf32> to vector<1x16xf32>
        tpu.vector_store %arg7[%swap3A_548, %swap3A_549], %swap3A_552 {strides = array<i32>} : memref<128x128xf32, #tpu.memory_space<vmem>>, vector<1x16xf32>,
        %get3A_553 = arith.index_cast %scan3A_504 : i32 to index
        %get3A_554 = arith.constant 64 : index
        %get3A_555 = tpu.vector_load %arg7[%get3A_553, %get3A_554] {strides = array<i32>} : memref<128x128xf32, #tpu.memory_space<vmem>>, vector<1x16xf32>,
        %get3A_556 = vector.shape_cast %get3A_555 : vector<1x16xf32> to vector<16xf32>
        %mul3A_557 = arith.constant 11.3137083 : f32
        %mul3A_558 = vector.broadcast %mul3A_557 : f32 to vector<16xf32>
        %mul3A_559 = arith.mulf %get3A_556, %mul3A_558 : vector<16xf32>
        %swap3A_560 = arith.index_cast %scan3A_504 : i32 to index
        %swap3A_561 = arith.constant 64 : index
        %swap3A_562 = tpu.vector_load %arg7[%swap3A_560, %swap3A_561] {strides = array<i32>} : memref<128x128xf32, #tpu.memory_space<vmem>>, vector<1x16xf32>,
        %swap3A_563 = vector.shape_cast %swap3A_562 : vector<1x16xf32> to vector<16xf32>
        %swap3A_564 = vector.shape_cast %mul3A_559 : vector<16xf32> to vector<1x16xf32>
        tpu.vector_store %arg7[%swap3A_560, %swap3A_561], %swap3A_564 {strides = array<i32>} : memref<128x128xf32, #tpu.memory_space<vmem>>, vector<1x16xf32>,
        %get3A_565 = arith.index_cast %scan3A_504 : i32 to index
        %get3A_566 = arith.constant 80 : index
        %get3A_567 = tpu.vector_load %arg7[%get3A_565, %get3A_566] {strides = array<i32>} : memref<128x128xf32, #tpu.memory_space<vmem>>, vector<1x16xf32>,
        %get3A_568 = vector.shape_cast %get3A_567 : vector<1x16xf32> to vector<16xf32>
        %mul3A_569 = arith.constant 11.3137083 : f32
        %mul3A_570 = vector.broadcast %mul3A_569 : f32 to vector<16xf32>
        %mul3A_571 = arith.mulf %get3A_568, %mul3A_570 : vector<16xf32>
        %swap3A_572 = arith.index_cast %scan3A_504 : i32 to index
        %swap3A_573 = arith.constant 80 : index
        %swap3A_574 = tpu.vector_load %arg7[%swap3A_572, %swap3A_573] {strides = array<i32>} : memref<128x128xf32, #tpu.memory_space<vmem>>, vector<1x16xf32>,
        %swap3A_575 = vector.shape_cast %swap3A_574 : vector<1x16xf32> to vector<16xf32>
        %swap3A_576 = vector.shape_cast %mul3A_571 : vector<16xf32> to vector<1x16xf32>
        tpu.vector_store %arg7[%swap3A_572, %swap3A_573], %swap3A_576 {strides = array<i32>} : memref<128x128xf32, #tpu.memory_space<vmem>>, vector<1x16xf32>,
        %get3A_577 = arith.index_cast %scan3A_504 : i32 to index
        %get3A_578 = arith.constant 96 : index
        %get3A_579 = tpu.vector_load %arg7[%get3A_577, %get3A_578] {strides = array<i32>} : memref<128x128xf32, #tpu.memory_space<vmem>>, vector<1x16xf32>,
        %get3A_580 = vector.shape_cast %get3A_579 : vector<1x16xf32> to vector<16xf32>
        %mul3A_581 = arith.constant 11.3137083 : f32
        %mul3A_582 = vector.broadcast %mul3A_581 : f32 to vector<16xf32>
        %mul3A_583 = arith.mulf %get3A_580, %mul3A_582 : vector<16xf32>
        %swap3A_584 = arith.index_cast %scan3A_504 : i32 to index
        %swap3A_585 = arith.constant 96 : index
        %swap3A_586 = tpu.vector_load %arg7[%swap3A_584, %swap3A_585] {strides = array<i32>} : memref<128x128xf32, #tpu.memory_space<vmem>>, vector<1x16xf32>,
        %swap3A_587 = vector.shape_cast %swap3A_586 : vector<1x16xf32> to vector<16xf32>
        %swap3A_588 = vector.shape_cast %mul3A_583 : vector<16xf32> to vector<1x16xf32>
        tpu.vector_store %arg7[%swap3A_584, %swap3A_585], %swap3A_588 {strides = array<i32>} : memref<128x128xf32, #tpu.memory_space<vmem>>, vector<1x16xf32>,
        %get3A_589 = arith.index_cast %scan3A_504 : i32 to index
        %get3A_590 = arith.constant 112 : index
        %get3A_591 = tpu.vector_load %arg7[%get3A_589, %get3A_590] {strides = array<i32>} : memref<128x128xf32, #tpu.memory_space<vmem>>, vector<1x16xf32>,
        %get3A_592 = vector.shape_cast %get3A_591 : vector<1x16xf32> to vector<16xf32>
        %mul3A_593 = arith.constant 11.3137083 : f32
        %mul3A_594 = vector.broadcast %mul3A_593 : f32 to vector<16xf32>
        %mul3A_595 = arith.mulf %get3A_592, %mul3A_594 : vector<16xf32>
        %swap3A_596 = arith.index_cast %scan3A_504 : i32 to index
        %swap3A_597 = arith.constant 112 : index
        %swap3A_598 = tpu.vector_load %arg7[%swap3A_596, %swap3A_597] {strides = array<i32>} : memref<128x128xf32, #tpu.memory_space<vmem>>, vector<1x16xf32>,
        %swap3A_599 = vector.shape_cast %swap3A_598 : vector<1x16xf32> to vector<16xf32>
        %swap3A_600 = vector.shape_cast %mul3A_595 : vector<16xf32> to vector<1x16xf32>
        tpu.vector_store %arg7[%swap3A_596, %swap3A_597], %swap3A_600 {strides = array<i32>} : memref<128x128xf32, #tpu.memory_space<vmem>>, vector<1x16xf32>,
        %scan3A_601 = arith.constant 0 : i32
        scf.yield %scan3A_601 : i32
      }
      %scan3A_103 = arith.constant 128 : i32
      %dma_start3A_104 = arith.constant 0 : i32
      %dma_start3A_105 = tpu.memref_slice %arg4[%add3A_90, %mul3A_2, %dma_start3A_104] : memref<50x4096x128xf32, #tpu.memory_space<hbm>> -> memref<1x128x128xf32, #tpu.memory_space<hbm>>
      %dma_start3A_106 = tpu.memref_squeeze %dma_start3A_105 : memref<1x128x128xf32, #tpu.memory_space<hbm>> -> memref<128x128xf32, #tpu.memory_space<hbm>>
      %dma_start3A_107 = arith.constant 0 : i32
      %dma_start3A_108 = tpu.memref_slice %arg4[%add3A_90, %mul3A_2, %dma_start3A_107] : memref<50x4096x128xf32, #tpu.memory_space<hbm>> -> memref<1x128x128xf32, #tpu.memory_space<hbm>>
      %dma_start3A_109 = tpu.memref_squeeze %dma_start3A_108 : memref<1x128x128xf32, #tpu.memory_space<hbm>> -> memref<128x128xf32, #tpu.memory_space<hbm>>
      tpu.enqueue_dma source(%arg7 : memref<128x128xf32, #tpu.memory_space<vmem>>) target(%dma_start3A_109 : memref<128x128xf32, #tpu.memory_space<hbm>>) target_semaphore(%arg17 : memref<!tpu.dma_semaphore, #tpu.memory_space<semaphore_mem>>)
      %add3A_110 = arith.constant 3 : i32
      %add3A_111 = arith.addi %add3A_90, %add3A_110 : i32
      %lt3A_112 = arith.constant 50 : i32
      %lt3A_113 = arith.cmpi slt, %add3A_111, %lt3A_112 : i32
      %convert_element_type3A_114 = arith.extui %lt3A_113 : i1 to i32
      %cond3A_115 = arith.constant 0 : i32
      %cond3A_116 = arith.cmpi ne, %convert_element_type3A_114, %cond3A_115 : i32
      scf.if %cond3A_116 {
        %ge3A = arith.constant 2 : i32
        %ge3A_208 = arith.cmpi sge, %add3A_90, %ge3A : i32
        %convert_element_type3A_209 = arith.extui %ge3A_208 : i1 to i32
        %cond3A_210 = arith.constant 0 : i32
        %cond3A_211 = arith.cmpi ne, %convert_element_type3A_209, %cond3A_210 : i32
        scf.if %cond3A_211 {
          %dma_wait3A_220 = arith.constant 0 : i32
          %dma_wait3A_221 = arith.constant 0 : i32
          %dma_wait3A_222 = tpu.memref_slice %arg3[%dma_wait3A_220, %dma_wait3A_221] : memref<100000x128xf32, #tpu.memory_space<hbm>> -> memref<128x128xf32, #tpu.memory_space<hbm>>
          %dma_wait3A_223 = arith.constant 0 : i32
          %dma_wait3A_224 = arith.constant 0 : i32
          %dma_wait3A_225 = tpu.memref_slice %arg3[%dma_wait3A_223, %dma_wait3A_224] : memref<100000x128xf32, #tpu.memory_space<hbm>> -> memref<128x128xf32, #tpu.memory_space<hbm>>
          tpu.wait_dma2 semaphore(%arg20 : memref<!tpu.dma_semaphore, #tpu.memory_space<semaphore_mem>>) src(%dma_wait3A_225 : memref<128x128xf32, #tpu.memory_space<hbm>>) dst(%arg10 : memref<128x128xf32, #tpu.memory_space<vmem>>)
        } else {
        }
        %add3A_212 = arith.constant 3 : i32
        %add3A_213 = arith.addi %add3A_90, %add3A_212 : i32
        %dma_start3A_214 = arith.constant 0 : i32
        %dma_start3A_215 = tpu.memref_slice %arg5[%add3A_213, %dma_start3A_214] : memref<50x128xi32, #tpu.memory_space<vmem>> -> memref<1x128xi32, #tpu.memory_space<vmem>>
        %dma_start3A_216 = tpu.memref_squeeze %dma_start3A_215 : memref<1x128xi32, #tpu.memory_space<vmem>> -> memref<128xi32, #tpu.memory_space<vmem>>
        %dma_start3A_217 = arith.constant 0 : i32
        %dma_start3A_218 = arith.constant 0 : i32
        %dma_start3A_219 = tpu.memref_slice %arg3[%dma_start3A_217, %dma_start3A_218] : memref<100000x128xf32, #tpu.memory_space<hbm>> -> memref<100000x128xf32, #tpu.memory_space<hbm>>
        tpu.enqueue_indirect_dma source(%dma_start3A_219 : memref<100000x128xf32, #tpu.memory_space<hbm>>) target(%arg10 : memref<128x128xf32, #tpu.memory_space<vmem>>) offsets(%dma_start3A_216 : memref<128xi32, #tpu.memory_space<vmem>>) semaphore(%arg15 : memref<!tpu.dma_semaphore, #tpu.memory_space<semaphore_mem>>)
      } else {
      }
      %mul3A_117 = arith.constant 5 : i32
      %mul3A_118 = arith.muli %scan3A_58, %mul3A_117 : i32
      %add3A_119 = arith.constant 2 : i32
      %add3A_120 = arith.addi %mul3A_118, %add3A_119 : i32
      %dma_wait3A_121 = arith.constant 0 : i32
      %dma_wait3A_122 = arith.constant 0 : i32
      %dma_wait3A_123 = tpu.memref_slice %arg3[%dma_wait3A_121, %dma_wait3A_122] : memref<100000x128xf32, #tpu.memory_space<hbm>> -> memref<128x128xf32, #tpu.memory_space<hbm>>
      %dma_wait3A_124 = arith.constant 0 : i32
      %dma_wait3A_125 = arith.constant 0 : i32
      %dma_wait3A_126 = tpu.memref_slice %arg3[%dma_wait3A_124, %dma_wait3A_125] : memref<100000x128xf32, #tpu.memory_space<hbm>> -> memref<128x128xf32, #tpu.memory_space<hbm>>
      tpu.wait_dma2 semaphore(%arg13 : memref<!tpu.dma_semaphore, #tpu.memory_space<semaphore_mem>>) src(%dma_wait3A_126 : memref<128x128xf32, #tpu.memory_space<hbm>>) dst(%arg8 : memref<128x128xf32, #tpu.memory_space<vmem>>)
      %scan3A_127 = arith.constant 0 : i32
      %scan3A_128 = arith.constant 0 : i32
      %scan3A_129 = arith.constant 128 : i32
      %scan3A_130 = arith.addi %scan3A_128, %scan3A_129 : i32
      %scan3A_131 = arith.constant 4 : i32
      %scan3A_132 = scf.for %scan3A_208 = %scan3A_128 to %scan3A_130 step %scan3A_131 iter_args(%scan3A_209 = %scan3A_127) -> (i32)  : i32 {
        %get3A = arith.index_cast %scan3A_208 : i32 to index
        %get3A_210 = arith.constant 0 : index
        %get3A_211 = tpu.vector_load %arg8[%get3A, %get3A_210] {strides = array<i32>} : memref<128x128xf32, #tpu.memory_space<vmem>>, vector<1x16xf32>,
        %get3A_212 = vector.shape_cast %get3A_211 : vector<1x16xf32> to vector<16xf32>
        %mul3A_213 = arith.constant 11.3137083 : f32
        %mul3A_214 = vector.broadcast %mul3A_213 : f32 to vector<16xf32>
        %mul3A_215 = arith.mulf %get3A_212, %mul3A_214 : vector<16xf32>
        %swap3A = arith.index_cast %scan3A_208 : i32 to index
        %swap3A_216 = arith.constant 0 : index
        %swap3A_217 = tpu.vector_load %arg8[%swap3A, %swap3A_216] {strides = array<i32>} : memref<128x128xf32, #tpu.memory_space<vmem>>, vector<1x16xf32>,
        %swap3A_218 = vector.shape_cast %swap3A_217 : vector<1x16xf32> to vector<16xf32>
        %swap3A_219 = vector.shape_cast %mul3A_215 : vector<16xf32> to vector<1x16xf32>
        tpu.vector_store %arg8[%swap3A, %swap3A_216], %swap3A_219 {strides = array<i32>} : memref<128x128xf32, #tpu.memory_space<vmem>>, vector<1x16xf32>,
        %get3A_220 = arith.index_cast %scan3A_208 : i32 to index
        %get3A_221 = arith.constant 16 : index
        %get3A_222 = tpu.vector_load %arg8[%get3A_220, %get3A_221] {strides = array<i32>} : memref<128x128xf32, #tpu.memory_space<vmem>>, vector<1x16xf32>,
        %get3A_223 = vector.shape_cast %get3A_222 : vector<1x16xf32> to vector<16xf32>
        %mul3A_224 = arith.constant 11.3137083 : f32
        %mul3A_225 = vector.broadcast %mul3A_224 : f32 to vector<16xf32>
        %mul3A_226 = arith.mulf %get3A_223, %mul3A_225 : vector<16xf32>
        %swap3A_227 = arith.index_cast %scan3A_208 : i32 to index
        %swap3A_228 = arith.constant 16 : index
        %swap3A_229 = tpu.vector_load %arg8[%swap3A_227, %swap3A_228] {strides = array<i32>} : memref<128x128xf32, #tpu.memory_space<vmem>>, vector<1x16xf32>,
        %swap3A_230 = vector.shape_cast %swap3A_229 : vector<1x16xf32> to vector<16xf32>
        %swap3A_231 = vector.shape_cast %mul3A_226 : vector<16xf32> to vector<1x16xf32>
        tpu.vector_store %arg8[%swap3A_227, %swap3A_228], %swap3A_231 {strides = array<i32>} : memref<128x128xf32, #tpu.memory_space<vmem>>, vector<1x16xf32>,
        %get3A_232 = arith.index_cast %scan3A_208 : i32 to index
        %get3A_233 = arith.constant 32 : index
        %get3A_234 = tpu.vector_load %arg8[%get3A_232, %get3A_233] {strides = array<i32>} : memref<128x128xf32, #tpu.memory_space<vmem>>, vector<1x16xf32>,
        %get3A_235 = vector.shape_cast %get3A_234 : vector<1x16xf32> to vector<16xf32>
        %mul3A_236 = arith.constant 11.3137083 : f32
        %mul3A_237 = vector.broadcast %mul3A_236 : f32 to vector<16xf32>
        %mul3A_238 = arith.mulf %get3A_235, %mul3A_237 : vector<16xf32>
        %swap3A_239 = arith.index_cast %scan3A_208 : i32 to index
        %swap3A_240 = arith.constant 32 : index
        %swap3A_241 = tpu.vector_load %arg8[%swap3A_239, %swap3A_240] {strides = array<i32>} : memref<128x128xf32, #tpu.memory_space<vmem>>, vector<1x16xf32>,
        %swap3A_242 = vector.shape_cast %swap3A_241 : vector<1x16xf32> to vector<16xf32>
        %swap3A_243 = vector.shape_cast %mul3A_238 : vector<16xf32> to vector<1x16xf32>
        tpu.vector_store %arg8[%swap3A_239, %swap3A_240], %swap3A_243 {strides = array<i32>} : memref<128x128xf32, #tpu.memory_space<vmem>>, vector<1x16xf32>,
        %get3A_244 = arith.index_cast %scan3A_208 : i32 to index
        %get3A_245 = arith.constant 48 : index
        %get3A_246 = tpu.vector_load %arg8[%get3A_244, %get3A_245] {strides = array<i32>} : memref<128x128xf32, #tpu.memory_space<vmem>>, vector<1x16xf32>,
        %get3A_247 = vector.shape_cast %get3A_246 : vector<1x16xf32> to vector<16xf32>
        %mul3A_248 = arith.constant 11.3137083 : f32
        %mul3A_249 = vector.broadcast %mul3A_248 : f32 to vector<16xf32>
        %mul3A_250 = arith.mulf %get3A_247, %mul3A_249 : vector<16xf32>
        %swap3A_251 = arith.index_cast %scan3A_208 : i32 to index
        %swap3A_252 = arith.constant 48 : index
        %swap3A_253 = tpu.vector_load %arg8[%swap3A_251, %swap3A_252] {strides = array<i32>} : memref<128x128xf32, #tpu.memory_space<vmem>>, vector<1x16xf32>,
        %swap3A_254 = vector.shape_cast %swap3A_253 : vector<1x16xf32> to vector<16xf32>
        %swap3A_255 = vector.shape_cast %mul3A_250 : vector<16xf32> to vector<1x16xf32>
        tpu.vector_store %arg8[%swap3A_251, %swap3A_252], %swap3A_255 {strides = array<i32>} : memref<128x128xf32, #tpu.memory_space<vmem>>, vector<1x16xf32>,
        %get3A_256 = arith.index_cast %scan3A_208 : i32 to index
        %get3A_257 = arith.constant 64 : index
        %get3A_258 = tpu.vector_load %arg8[%get3A_256, %get3A_257] {strides = array<i32>} : memref<128x128xf32, #tpu.memory_space<vmem>>, vector<1x16xf32>,
        %get3A_259 = vector.shape_cast %get3A_258 : vector<1x16xf32> to vector<16xf32>
        %mul3A_260 = arith.constant 11.3137083 : f32
        %mul3A_261 = vector.broadcast %mul3A_260 : f32 to vector<16xf32>
        %mul3A_262 = arith.mulf %get3A_259, %mul3A_261 : vector<16xf32>
        %swap3A_263 = arith.index_cast %scan3A_208 : i32 to index
        %swap3A_264 = arith.constant 64 : index
        %swap3A_265 = tpu.vector_load %arg8[%swap3A_263, %swap3A_264] {strides = array<i32>} : memref<128x128xf32, #tpu.memory_space<vmem>>, vector<1x16xf32>,
        %swap3A_266 = vector.shape_cast %swap3A_265 : vector<1x16xf32> to vector<16xf32>
        %swap3A_267 = vector.shape_cast %mul3A_262 : vector<16xf32> to vector<1x16xf32>
        tpu.vector_store %arg8[%swap3A_263, %swap3A_264], %swap3A_267 {strides = array<i32>} : memref<128x128xf32, #tpu.memory_space<vmem>>, vector<1x16xf32>,
        %get3A_268 = arith.index_cast %scan3A_208 : i32 to index
        %get3A_269 = arith.constant 80 : index
        %get3A_270 = tpu.vector_load %arg8[%get3A_268, %get3A_269] {strides = array<i32>} : memref<128x128xf32, #tpu.memory_space<vmem>>, vector<1x16xf32>,
        %get3A_271 = vector.shape_cast %get3A_270 : vector<1x16xf32> to vector<16xf32>
        %mul3A_272 = arith.constant 11.3137083 : f32
        %mul3A_273 = vector.broadcast %mul3A_272 : f32 to vector<16xf32>
        %mul3A_274 = arith.mulf %get3A_271, %mul3A_273 : vector<16xf32>
        %swap3A_275 = arith.index_cast %scan3A_208 : i32 to index
        %swap3A_276 = arith.constant 80 : index
        %swap3A_277 = tpu.vector_load %arg8[%swap3A_275, %swap3A_276] {strides = array<i32>} : memref<128x128xf32, #tpu.memory_space<vmem>>, vector<1x16xf32>,
        %swap3A_278 = vector.shape_cast %swap3A_277 : vector<1x16xf32> to vector<16xf32>
        %swap3A_279 = vector.shape_cast %mul3A_274 : vector<16xf32> to vector<1x16xf32>
        tpu.vector_store %arg8[%swap3A_275, %swap3A_276], %swap3A_279 {strides = array<i32>} : memref<128x128xf32, #tpu.memory_space<vmem>>, vector<1x16xf32>,
        %get3A_280 = arith.index_cast %scan3A_208 : i32 to index
        %get3A_281 = arith.constant 96 : index
        %get3A_282 = tpu.vector_load %arg8[%get3A_280, %get3A_281] {strides = array<i32>} : memref<128x128xf32, #tpu.memory_space<vmem>>, vector<1x16xf32>,
        %get3A_283 = vector.shape_cast %get3A_282 : vector<1x16xf32> to vector<16xf32>
        %mul3A_284 = arith.constant 11.3137083 : f32
        %mul3A_285 = vector.broadcast %mul3A_284 : f32 to vector<16xf32>
        %mul3A_286 = arith.mulf %get3A_283, %mul3A_285 : vector<16xf32>
        %swap3A_287 = arith.index_cast %scan3A_208 : i32 to index
        %swap3A_288 = arith.constant 96 : index
        %swap3A_289 = tpu.vector_load %arg8[%swap3A_287, %swap3A_288] {strides = array<i32>} : memref<128x128xf32, #tpu.memory_space<vmem>>, vector<1x16xf32>,
        %swap3A_290 = vector.shape_cast %swap3A_289 : vector<1x16xf32> to vector<16xf32>
        %swap3A_291 = vector.shape_cast %mul3A_286 : vector<16xf32> to vector<1x16xf32>
        tpu.vector_store %arg8[%swap3A_287, %swap3A_288], %swap3A_291 {strides = array<i32>} : memref<128x128xf32, #tpu.memory_space<vmem>>, vector<1x16xf32>,
        %get3A_292 = arith.index_cast %scan3A_208 : i32 to index
        %get3A_293 = arith.constant 112 : index
        %get3A_294 = tpu.vector_load %arg8[%get3A_292, %get3A_293] {strides = array<i32>} : memref<128x128xf32, #tpu.memory_space<vmem>>, vector<1x16xf32>,
        %get3A_295 = vector.shape_cast %get3A_294 : vector<1x16xf32> to vector<16xf32>
        %mul3A_296 = arith.constant 11.3137083 : f32
        %mul3A_297 = vector.broadcast %mul3A_296 : f32 to vector<16xf32>
        %mul3A_298 = arith.mulf %get3A_295, %mul3A_297 : vector<16xf32>
        %swap3A_299 = arith.index_cast %scan3A_208 : i32 to index
        %swap3A_300 = arith.constant 112 : index
        %swap3A_301 = tpu.vector_load %arg8[%swap3A_299, %swap3A_300] {strides = array<i32>} : memref<128x128xf32, #tpu.memory_space<vmem>>, vector<1x16xf32>,
        %swap3A_302 = vector.shape_cast %swap3A_301 : vector<1x16xf32> to vector<16xf32>
        %swap3A_303 = vector.shape_cast %mul3A_298 : vector<16xf32> to vector<1x16xf32>
        tpu.vector_store %arg8[%swap3A_299, %swap3A_300], %swap3A_303 {strides = array<i32>} : memref<128x128xf32, #tpu.memory_space<vmem>>, vector<1x16xf32>,
        %scan3A_304 = arith.constant 0 : i32
        %scan3A_305 = arith.constant 1 : i32
        %scan3A_306 = arith.addi %scan3A_208, %scan3A_305 : i32
        %get3A_307 = arith.index_cast %scan3A_306 : i32 to index
        %get3A_308 = arith.constant 0 : index
        %get3A_309 = tpu.vector_load %arg8[%get3A_307, %get3A_308] {strides = array<i32>} : memref<128x128xf32, #tpu.memory_space<vmem>>, vector<1x16xf32>,
        %get3A_310 = vector.shape_cast %get3A_309 : vector<1x16xf32> to vector<16xf32>
        %mul3A_311 = arith.constant 11.3137083 : f32
        %mul3A_312 = vector.broadcast %mul3A_311 : f32 to vector<16xf32>
        %mul3A_313 = arith.mulf %get3A_310, %mul3A_312 : vector<16xf32>
        %swap3A_314 = arith.index_cast %scan3A_306 : i32 to index
        %swap3A_315 = arith.constant 0 : index
        %swap3A_316 = tpu.vector_load %arg8[%swap3A_314, %swap3A_315] {strides = array<i32>} : memref<128x128xf32, #tpu.memory_space<vmem>>, vector<1x16xf32>,
        %swap3A_317 = vector.shape_cast %swap3A_316 : vector<1x16xf32> to vector<16xf32>
        %swap3A_318 = vector.shape_cast %mul3A_313 : vector<16xf32> to vector<1x16xf32>
        tpu.vector_store %arg8[%swap3A_314, %swap3A_315], %swap3A_318 {strides = array<i32>} : memref<128x128xf32, #tpu.memory_space<vmem>>, vector<1x16xf32>,
        %get3A_319 = arith.index_cast %scan3A_306 : i32 to index
        %get3A_320 = arith.constant 16 : index
        %get3A_321 = tpu.vector_load %arg8[%get3A_319, %get3A_320] {strides = array<i32>} : memref<128x128xf32, #tpu.memory_space<vmem>>, vector<1x16xf32>,
        %get3A_322 = vector.shape_cast %get3A_321 : vector<1x16xf32> to vector<16xf32>
        %mul3A_323 = arith.constant 11.3137083 : f32
        %mul3A_324 = vector.broadcast %mul3A_323 : f32 to vector<16xf32>
        %mul3A_325 = arith.mulf %get3A_322, %mul3A_324 : vector<16xf32>
        %swap3A_326 = arith.index_cast %scan3A_306 : i32 to index
        %swap3A_327 = arith.constant 16 : index
        %swap3A_328 = tpu.vector_load %arg8[%swap3A_326, %swap3A_327] {strides = array<i32>} : memref<128x128xf32, #tpu.memory_space<vmem>>, vector<1x16xf32>,
        %swap3A_329 = vector.shape_cast %swap3A_328 : vector<1x16xf32> to vector<16xf32>
        %swap3A_330 = vector.shape_cast %mul3A_325 : vector<16xf32> to vector<1x16xf32>
        tpu.vector_store %arg8[%swap3A_326, %swap3A_327], %swap3A_330 {strides = array<i32>} : memref<128x128xf32, #tpu.memory_space<vmem>>, vector<1x16xf32>,
        %get3A_331 = arith.index_cast %scan3A_306 : i32 to index
        %get3A_332 = arith.constant 32 : index
        %get3A_333 = tpu.vector_load %arg8[%get3A_331, %get3A_332] {strides = array<i32>} : memref<128x128xf32, #tpu.memory_space<vmem>>, vector<1x16xf32>,
        %get3A_334 = vector.shape_cast %get3A_333 : vector<1x16xf32> to vector<16xf32>
        %mul3A_335 = arith.constant 11.3137083 : f32
        %mul3A_336 = vector.broadcast %mul3A_335 : f32 to vector<16xf32>
        %mul3A_337 = arith.mulf %get3A_334, %mul3A_336 : vector<16xf32>
        %swap3A_338 = arith.index_cast %scan3A_306 : i32 to index
        %swap3A_339 = arith.constant 32 : index
        %swap3A_340 = tpu.vector_load %arg8[%swap3A_338, %swap3A_339] {strides = array<i32>} : memref<128x128xf32, #tpu.memory_space<vmem>>, vector<1x16xf32>,
        %swap3A_341 = vector.shape_cast %swap3A_340 : vector<1x16xf32> to vector<16xf32>
        %swap3A_342 = vector.shape_cast %mul3A_337 : vector<16xf32> to vector<1x16xf32>
        tpu.vector_store %arg8[%swap3A_338, %swap3A_339], %swap3A_342 {strides = array<i32>} : memref<128x128xf32, #tpu.memory_space<vmem>>, vector<1x16xf32>,
        %get3A_343 = arith.index_cast %scan3A_306 : i32 to index
        %get3A_344 = arith.constant 48 : index
        %get3A_345 = tpu.vector_load %arg8[%get3A_343, %get3A_344] {strides = array<i32>} : memref<128x128xf32, #tpu.memory_space<vmem>>, vector<1x16xf32>,
        %get3A_346 = vector.shape_cast %get3A_345 : vector<1x16xf32> to vector<16xf32>
        %mul3A_347 = arith.constant 11.3137083 : f32
        %mul3A_348 = vector.broadcast %mul3A_347 : f32 to vector<16xf32>
        %mul3A_349 = arith.mulf %get3A_346, %mul3A_348 : vector<16xf32>
        %swap3A_350 = arith.index_cast %scan3A_306 : i32 to index
        %swap3A_351 = arith.constant 48 : index
        %swap3A_352 = tpu.vector_load %arg8[%swap3A_350, %swap3A_351] {strides = array<i32>} : memref<128x128xf32, #tpu.memory_space<vmem>>, vector<1x16xf32>,
        %swap3A_353 = vector.shape_cast %swap3A_352 : vector<1x16xf32> to vector<16xf32>
        %swap3A_354 = vector.shape_cast %mul3A_349 : vector<16xf32> to vector<1x16xf32>
        tpu.vector_store %arg8[%swap3A_350, %swap3A_351], %swap3A_354 {strides = array<i32>} : memref<128x128xf32, #tpu.memory_space<vmem>>, vector<1x16xf32>,
        %get3A_355 = arith.index_cast %scan3A_306 : i32 to index
        %get3A_356 = arith.constant 64 : index
        %get3A_357 = tpu.vector_load %arg8[%get3A_355, %get3A_356] {strides = array<i32>} : memref<128x128xf32, #tpu.memory_space<vmem>>, vector<1x16xf32>,
        %get3A_358 = vector.shape_cast %get3A_357 : vector<1x16xf32> to vector<16xf32>
        %mul3A_359 = arith.constant 11.3137083 : f32
        %mul3A_360 = vector.broadcast %mul3A_359 : f32 to vector<16xf32>
        %mul3A_361 = arith.mulf %get3A_358, %mul3A_360 : vector<16xf32>
        %swap3A_362 = arith.index_cast %scan3A_306 : i32 to index
        %swap3A_363 = arith.constant 64 : index
        %swap3A_364 = tpu.vector_load %arg8[%swap3A_362, %swap3A_363] {strides = array<i32>} : memref<128x128xf32, #tpu.memory_space<vmem>>, vector<1x16xf32>,
        %swap3A_365 = vector.shape_cast %swap3A_364 : vector<1x16xf32> to vector<16xf32>
        %swap3A_366 = vector.shape_cast %mul3A_361 : vector<16xf32> to vector<1x16xf32>
        tpu.vector_store %arg8[%swap3A_362, %swap3A_363], %swap3A_366 {strides = array<i32>} : memref<128x128xf32, #tpu.memory_space<vmem>>, vector<1x16xf32>,
        %get3A_367 = arith.index_cast %scan3A_306 : i32 to index
        %get3A_368 = arith.constant 80 : index
        %get3A_369 = tpu.vector_load %arg8[%get3A_367, %get3A_368] {strides = array<i32>} : memref<128x128xf32, #tpu.memory_space<vmem>>, vector<1x16xf32>,
        %get3A_370 = vector.shape_cast %get3A_369 : vector<1x16xf32> to vector<16xf32>
        %mul3A_371 = arith.constant 11.3137083 : f32
        %mul3A_372 = vector.broadcast %mul3A_371 : f32 to vector<16xf32>
        %mul3A_373 = arith.mulf %get3A_370, %mul3A_372 : vector<16xf32>
        %swap3A_374 = arith.index_cast %scan3A_306 : i32 to index
        %swap3A_375 = arith.constant 80 : index
        %swap3A_376 = tpu.vector_load %arg8[%swap3A_374, %swap3A_375] {strides = array<i32>} : memref<128x128xf32, #tpu.memory_space<vmem>>, vector<1x16xf32>,
        %swap3A_377 = vector.shape_cast %swap3A_376 : vector<1x16xf32> to vector<16xf32>
        %swap3A_378 = vector.shape_cast %mul3A_373 : vector<16xf32> to vector<1x16xf32>
        tpu.vector_store %arg8[%swap3A_374, %swap3A_375], %swap3A_378 {strides = array<i32>} : memref<128x128xf32, #tpu.memory_space<vmem>>, vector<1x16xf32>,
        %get3A_379 = arith.index_cast %scan3A_306 : i32 to index
        %get3A_380 = arith.constant 96 : index
        %get3A_381 = tpu.vector_load %arg8[%get3A_379, %get3A_380] {strides = array<i32>} : memref<128x128xf32, #tpu.memory_space<vmem>>, vector<1x16xf32>,
        %get3A_382 = vector.shape_cast %get3A_381 : vector<1x16xf32> to vector<16xf32>
        %mul3A_383 = arith.constant 11.3137083 : f32
        %mul3A_384 = vector.broadcast %mul3A_383 : f32 to vector<16xf32>
        %mul3A_385 = arith.mulf %get3A_382, %mul3A_384 : vector<16xf32>
        %swap3A_386 = arith.index_cast %scan3A_306 : i32 to index
        %swap3A_387 = arith.constant 96 : index
        %swap3A_388 = tpu.vector_load %arg8[%swap3A_386, %swap3A_387] {strides = array<i32>} : memref<128x128xf32, #tpu.memory_space<vmem>>, vector<1x16xf32>,
        %swap3A_389 = vector.shape_cast %swap3A_388 : vector<1x16xf32> to vector<16xf32>
        %swap3A_390 = vector.shape_cast %mul3A_385 : vector<16xf32> to vector<1x16xf32>
        tpu.vector_store %arg8[%swap3A_386, %swap3A_387], %swap3A_390 {strides = array<i32>} : memref<128x128xf32, #tpu.memory_space<vmem>>, vector<1x16xf32>,
        %get3A_391 = arith.index_cast %scan3A_306 : i32 to index
        %get3A_392 = arith.constant 112 : index
        %get3A_393 = tpu.vector_load %arg8[%get3A_391, %get3A_392] {strides = array<i32>} : memref<128x128xf32, #tpu.memory_space<vmem>>, vector<1x16xf32>,
        %get3A_394 = vector.shape_cast %get3A_393 : vector<1x16xf32> to vector<16xf32>
        %mul3A_395 = arith.constant 11.3137083 : f32
        %mul3A_396 = vector.broadcast %mul3A_395 : f32 to vector<16xf32>
        %mul3A_397 = arith.mulf %get3A_394, %mul3A_396 : vector<16xf32>
        %swap3A_398 = arith.index_cast %scan3A_306 : i32 to index
        %swap3A_399 = arith.constant 112 : index
        %swap3A_400 = tpu.vector_load %arg8[%swap3A_398, %swap3A_399] {strides = array<i32>} : memref<128x128xf32, #tpu.memory_space<vmem>>, vector<1x16xf32>,
        %swap3A_401 = vector.shape_cast %swap3A_400 : vector<1x16xf32> to vector<16xf32>
        %swap3A_402 = vector.shape_cast %mul3A_397 : vector<16xf32> to vector<1x16xf32>
        tpu.vector_store %arg8[%swap3A_398, %swap3A_399], %swap3A_402 {strides = array<i32>} : memref<128x128xf32, #tpu.memory_space<vmem>>, vector<1x16xf32>,
        %scan3A_403 = arith.constant 0 : i32
        %scan3A_404 = arith.constant 2 : i32
        %scan3A_405 = arith.addi %scan3A_208, %scan3A_404 : i32
        %get3A_406 = arith.index_cast %scan3A_405 : i32 to index
        %get3A_407 = arith.constant 0 : index
        %get3A_408 = tpu.vector_load %arg8[%get3A_406, %get3A_407] {strides = array<i32>} : memref<128x128xf32, #tpu.memory_space<vmem>>, vector<1x16xf32>,
        %get3A_409 = vector.shape_cast %get3A_408 : vector<1x16xf32> to vector<16xf32>
        %mul3A_410 = arith.constant 11.3137083 : f32
        %mul3A_411 = vector.broadcast %mul3A_410 : f32 to vector<16xf32>
        %mul3A_412 = arith.mulf %get3A_409, %mul3A_411 : vector<16xf32>
        %swap3A_413 = arith.index_cast %scan3A_405 : i32 to index
        %swap3A_414 = arith.constant 0 : index
        %swap3A_415 = tpu.vector_load %arg8[%swap3A_413, %swap3A_414] {strides = array<i32>} : memref<128x128xf32, #tpu.memory_space<vmem>>, vector<1x16xf32>,
        %swap3A_416 = vector.shape_cast %swap3A_415 : vector<1x16xf32> to vector<16xf32>
        %swap3A_417 = vector.shape_cast %mul3A_412 : vector<16xf32> to vector<1x16xf32>
        tpu.vector_store %arg8[%swap3A_413, %swap3A_414], %swap3A_417 {strides = array<i32>} : memref<128x128xf32, #tpu.memory_space<vmem>>, vector<1x16xf32>,
        %get3A_418 = arith.index_cast %scan3A_405 : i32 to index
        %get3A_419 = arith.constant 16 : index
        %get3A_420 = tpu.vector_load %arg8[%get3A_418, %get3A_419] {strides = array<i32>} : memref<128x128xf32, #tpu.memory_space<vmem>>, vector<1x16xf32>,
        %get3A_421 = vector.shape_cast %get3A_420 : vector<1x16xf32> to vector<16xf32>
        %mul3A_422 = arith.constant 11.3137083 : f32
        %mul3A_423 = vector.broadcast %mul3A_422 : f32 to vector<16xf32>
        %mul3A_424 = arith.mulf %get3A_421, %mul3A_423 : vector<16xf32>
        %swap3A_425 = arith.index_cast %scan3A_405 : i32 to index
        %swap3A_426 = arith.constant 16 : index
        %swap3A_427 = tpu.vector_load %arg8[%swap3A_425, %swap3A_426] {strides = array<i32>} : memref<128x128xf32, #tpu.memory_space<vmem>>, vector<1x16xf32>,
        %swap3A_428 = vector.shape_cast %swap3A_427 : vector<1x16xf32> to vector<16xf32>
        %swap3A_429 = vector.shape_cast %mul3A_424 : vector<16xf32> to vector<1x16xf32>
        tpu.vector_store %arg8[%swap3A_425, %swap3A_426], %swap3A_429 {strides = array<i32>} : memref<128x128xf32, #tpu.memory_space<vmem>>, vector<1x16xf32>,
        %get3A_430 = arith.index_cast %scan3A_405 : i32 to index
        %get3A_431 = arith.constant 32 : index
        %get3A_432 = tpu.vector_load %arg8[%get3A_430, %get3A_431] {strides = array<i32>} : memref<128x128xf32, #tpu.memory_space<vmem>>, vector<1x16xf32>,
        %get3A_433 = vector.shape_cast %get3A_432 : vector<1x16xf32> to vector<16xf32>
        %mul3A_434 = arith.constant 11.3137083 : f32
        %mul3A_435 = vector.broadcast %mul3A_434 : f32 to vector<16xf32>
        %mul3A_436 = arith.mulf %get3A_433, %mul3A_435 : vector<16xf32>
        %swap3A_437 = arith.index_cast %scan3A_405 : i32 to index
        %swap3A_438 = arith.constant 32 : index
        %swap3A_439 = tpu.vector_load %arg8[%swap3A_437, %swap3A_438] {strides = array<i32>} : memref<128x128xf32, #tpu.memory_space<vmem>>, vector<1x16xf32>,
        %swap3A_440 = vector.shape_cast %swap3A_439 : vector<1x16xf32> to vector<16xf32>
        %swap3A_441 = vector.shape_cast %mul3A_436 : vector<16xf32> to vector<1x16xf32>
        tpu.vector_store %arg8[%swap3A_437, %swap3A_438], %swap3A_441 {strides = array<i32>} : memref<128x128xf32, #tpu.memory_space<vmem>>, vector<1x16xf32>,
        %get3A_442 = arith.index_cast %scan3A_405 : i32 to index
        %get3A_443 = arith.constant 48 : index
        %get3A_444 = tpu.vector_load %arg8[%get3A_442, %get3A_443] {strides = array<i32>} : memref<128x128xf32, #tpu.memory_space<vmem>>, vector<1x16xf32>,
        %get3A_445 = vector.shape_cast %get3A_444 : vector<1x16xf32> to vector<16xf32>
        %mul3A_446 = arith.constant 11.3137083 : f32
        %mul3A_447 = vector.broadcast %mul3A_446 : f32 to vector<16xf32>
        %mul3A_448 = arith.mulf %get3A_445, %mul3A_447 : vector<16xf32>
        %swap3A_449 = arith.index_cast %scan3A_405 : i32 to index
        %swap3A_450 = arith.constant 48 : index
        %swap3A_451 = tpu.vector_load %arg8[%swap3A_449, %swap3A_450] {strides = array<i32>} : memref<128x128xf32, #tpu.memory_space<vmem>>, vector<1x16xf32>,
        %swap3A_452 = vector.shape_cast %swap3A_451 : vector<1x16xf32> to vector<16xf32>
        %swap3A_453 = vector.shape_cast %mul3A_448 : vector<16xf32> to vector<1x16xf32>
        tpu.vector_store %arg8[%swap3A_449, %swap3A_450], %swap3A_453 {strides = array<i32>} : memref<128x128xf32, #tpu.memory_space<vmem>>, vector<1x16xf32>,
        %get3A_454 = arith.index_cast %scan3A_405 : i32 to index
        %get3A_455 = arith.constant 64 : index
        %get3A_456 = tpu.vector_load %arg8[%get3A_454, %get3A_455] {strides = array<i32>} : memref<128x128xf32, #tpu.memory_space<vmem>>, vector<1x16xf32>,
        %get3A_457 = vector.shape_cast %get3A_456 : vector<1x16xf32> to vector<16xf32>
        %mul3A_458 = arith.constant 11.3137083 : f32
        %mul3A_459 = vector.broadcast %mul3A_458 : f32 to vector<16xf32>
        %mul3A_460 = arith.mulf %get3A_457, %mul3A_459 : vector<16xf32>
        %swap3A_461 = arith.index_cast %scan3A_405 : i32 to index
        %swap3A_462 = arith.constant 64 : index
        %swap3A_463 = tpu.vector_load %arg8[%swap3A_461, %swap3A_462] {strides = array<i32>} : memref<128x128xf32, #tpu.memory_space<vmem>>, vector<1x16xf32>,
        %swap3A_464 = vector.shape_cast %swap3A_463 : vector<1x16xf32> to vector<16xf32>
        %swap3A_465 = vector.shape_cast %mul3A_460 : vector<16xf32> to vector<1x16xf32>
        tpu.vector_store %arg8[%swap3A_461, %swap3A_462], %swap3A_465 {strides = array<i32>} : memref<128x128xf32, #tpu.memory_space<vmem>>, vector<1x16xf32>,
        %get3A_466 = arith.index_cast %scan3A_405 : i32 to index
        %get3A_467 = arith.constant 80 : index
        %get3A_468 = tpu.vector_load %arg8[%get3A_466, %get3A_467] {strides = array<i32>} : memref<128x128xf32, #tpu.memory_space<vmem>>, vector<1x16xf32>,
        %get3A_469 = vector.shape_cast %get3A_468 : vector<1x16xf32> to vector<16xf32>
        %mul3A_470 = arith.constant 11.3137083 : f32
        %mul3A_471 = vector.broadcast %mul3A_470 : f32 to vector<16xf32>
        %mul3A_472 = arith.mulf %get3A_469, %mul3A_471 : vector<16xf32>
        %swap3A_473 = arith.index_cast %scan3A_405 : i32 to index
        %swap3A_474 = arith.constant 80 : index
        %swap3A_475 = tpu.vector_load %arg8[%swap3A_473, %swap3A_474] {strides = array<i32>} : memref<128x128xf32, #tpu.memory_space<vmem>>, vector<1x16xf32>,
        %swap3A_476 = vector.shape_cast %swap3A_475 : vector<1x16xf32> to vector<16xf32>
        %swap3A_477 = vector.shape_cast %mul3A_472 : vector<16xf32> to vector<1x16xf32>
        tpu.vector_store %arg8[%swap3A_473, %swap3A_474], %swap3A_477 {strides = array<i32>} : memref<128x128xf32, #tpu.memory_space<vmem>>, vector<1x16xf32>,
        %get3A_478 = arith.index_cast %scan3A_405 : i32 to index
        %get3A_479 = arith.constant 96 : index
        %get3A_480 = tpu.vector_load %arg8[%get3A_478, %get3A_479] {strides = array<i32>} : memref<128x128xf32, #tpu.memory_space<vmem>>, vector<1x16xf32>,
        %get3A_481 = vector.shape_cast %get3A_480 : vector<1x16xf32> to vector<16xf32>
        %mul3A_482 = arith.constant 11.3137083 : f32
        %mul3A_483 = vector.broadcast %mul3A_482 : f32 to vector<16xf32>
        %mul3A_484 = arith.mulf %get3A_481, %mul3A_483 : vector<16xf32>
        %swap3A_485 = arith.index_cast %scan3A_405 : i32 to index
        %swap3A_486 = arith.constant 96 : index
        %swap3A_487 = tpu.vector_load %arg8[%swap3A_485, %swap3A_486] {strides = array<i32>} : memref<128x128xf32, #tpu.memory_space<vmem>>, vector<1x16xf32>,
        %swap3A_488 = vector.shape_cast %swap3A_487 : vector<1x16xf32> to vector<16xf32>
        %swap3A_489 = vector.shape_cast %mul3A_484 : vector<16xf32> to vector<1x16xf32>
        tpu.vector_store %arg8[%swap3A_485, %swap3A_486], %swap3A_489 {strides = array<i32>} : memref<128x128xf32, #tpu.memory_space<vmem>>, vector<1x16xf32>,
        %get3A_490 = arith.index_cast %scan3A_405 : i32 to index
        %get3A_491 = arith.constant 112 : index
        %get3A_492 = tpu.vector_load %arg8[%get3A_490, %get3A_491] {strides = array<i32>} : memref<128x128xf32, #tpu.memory_space<vmem>>, vector<1x16xf32>,
        %get3A_493 = vector.shape_cast %get3A_492 : vector<1x16xf32> to vector<16xf32>
        %mul3A_494 = arith.constant 11.3137083 : f32
        %mul3A_495 = vector.broadcast %mul3A_494 : f32 to vector<16xf32>
        %mul3A_496 = arith.mulf %get3A_493, %mul3A_495 : vector<16xf32>
        %swap3A_497 = arith.index_cast %scan3A_405 : i32 to index
        %swap3A_498 = arith.constant 112 : index
        %swap3A_499 = tpu.vector_load %arg8[%swap3A_497, %swap3A_498] {strides = array<i32>} : memref<128x128xf32, #tpu.memory_space<vmem>>, vector<1x16xf32>,
        %swap3A_500 = vector.shape_cast %swap3A_499 : vector<1x16xf32> to vector<16xf32>
        %swap3A_501 = vector.shape_cast %mul3A_496 : vector<16xf32> to vector<1x16xf32>
        tpu.vector_store %arg8[%swap3A_497, %swap3A_498], %swap3A_501 {strides = array<i32>} : memref<128x128xf32, #tpu.memory_space<vmem>>, vector<1x16xf32>,
        %scan3A_502 = arith.constant 0 : i32
        %scan3A_503 = arith.constant 3 : i32
        %scan3A_504 = arith.addi %scan3A_208, %scan3A_503 : i32
        %get3A_505 = arith.index_cast %scan3A_504 : i32 to index
        %get3A_506 = arith.constant 0 : index
        %get3A_507 = tpu.vector_load %arg8[%get3A_505, %get3A_506] {strides = array<i32>} : memref<128x128xf32, #tpu.memory_space<vmem>>, vector<1x16xf32>,
        %get3A_508 = vector.shape_cast %get3A_507 : vector<1x16xf32> to vector<16xf32>
        %mul3A_509 = arith.constant 11.3137083 : f32
        %mul3A_510 = vector.broadcast %mul3A_509 : f32 to vector<16xf32>
        %mul3A_511 = arith.mulf %get3A_508, %mul3A_510 : vector<16xf32>
        %swap3A_512 = arith.index_cast %scan3A_504 : i32 to index
        %swap3A_513 = arith.constant 0 : index
        %swap3A_514 = tpu.vector_load %arg8[%swap3A_512, %swap3A_513] {strides = array<i32>} : memref<128x128xf32, #tpu.memory_space<vmem>>, vector<1x16xf32>,
        %swap3A_515 = vector.shape_cast %swap3A_514 : vector<1x16xf32> to vector<16xf32>
        %swap3A_516 = vector.shape_cast %mul3A_511 : vector<16xf32> to vector<1x16xf32>
        tpu.vector_store %arg8[%swap3A_512, %swap3A_513], %swap3A_516 {strides = array<i32>} : memref<128x128xf32, #tpu.memory_space<vmem>>, vector<1x16xf32>,
        %get3A_517 = arith.index_cast %scan3A_504 : i32 to index
        %get3A_518 = arith.constant 16 : index
        %get3A_519 = tpu.vector_load %arg8[%get3A_517, %get3A_518] {strides = array<i32>} : memref<128x128xf32, #tpu.memory_space<vmem>>, vector<1x16xf32>,
        %get3A_520 = vector.shape_cast %get3A_519 : vector<1x16xf32> to vector<16xf32>
        %mul3A_521 = arith.constant 11.3137083 : f32
        %mul3A_522 = vector.broadcast %mul3A_521 : f32 to vector<16xf32>
        %mul3A_523 = arith.mulf %get3A_520, %mul3A_522 : vector<16xf32>
        %swap3A_524 = arith.index_cast %scan3A_504 : i32 to index
        %swap3A_525 = arith.constant 16 : index
        %swap3A_526 = tpu.vector_load %arg8[%swap3A_524, %swap3A_525] {strides = array<i32>} : memref<128x128xf32, #tpu.memory_space<vmem>>, vector<1x16xf32>,
        %swap3A_527 = vector.shape_cast %swap3A_526 : vector<1x16xf32> to vector<16xf32>
        %swap3A_528 = vector.shape_cast %mul3A_523 : vector<16xf32> to vector<1x16xf32>
        tpu.vector_store %arg8[%swap3A_524, %swap3A_525], %swap3A_528 {strides = array<i32>} : memref<128x128xf32, #tpu.memory_space<vmem>>, vector<1x16xf32>,
        %get3A_529 = arith.index_cast %scan3A_504 : i32 to index
        %get3A_530 = arith.constant 32 : index
        %get3A_531 = tpu.vector_load %arg8[%get3A_529, %get3A_530] {strides = array<i32>} : memref<128x128xf32, #tpu.memory_space<vmem>>, vector<1x16xf32>,
        %get3A_532 = vector.shape_cast %get3A_531 : vector<1x16xf32> to vector<16xf32>
        %mul3A_533 = arith.constant 11.3137083 : f32
        %mul3A_534 = vector.broadcast %mul3A_533 : f32 to vector<16xf32>
        %mul3A_535 = arith.mulf %get3A_532, %mul3A_534 : vector<16xf32>
        %swap3A_536 = arith.index_cast %scan3A_504 : i32 to index
        %swap3A_537 = arith.constant 32 : index
        %swap3A_538 = tpu.vector_load %arg8[%swap3A_536, %swap3A_537] {strides = array<i32>} : memref<128x128xf32, #tpu.memory_space<vmem>>, vector<1x16xf32>,
        %swap3A_539 = vector.shape_cast %swap3A_538 : vector<1x16xf32> to vector<16xf32>
        %swap3A_540 = vector.shape_cast %mul3A_535 : vector<16xf32> to vector<1x16xf32>
        tpu.vector_store %arg8[%swap3A_536, %swap3A_537], %swap3A_540 {strides = array<i32>} : memref<128x128xf32, #tpu.memory_space<vmem>>, vector<1x16xf32>,
        %get3A_541 = arith.index_cast %scan3A_504 : i32 to index
        %get3A_542 = arith.constant 48 : index
        %get3A_543 = tpu.vector_load %arg8[%get3A_541, %get3A_542] {strides = array<i32>} : memref<128x128xf32, #tpu.memory_space<vmem>>, vector<1x16xf32>,
        %get3A_544 = vector.shape_cast %get3A_543 : vector<1x16xf32> to vector<16xf32>
        %mul3A_545 = arith.constant 11.3137083 : f32
        %mul3A_546 = vector.broadcast %mul3A_545 : f32 to vector<16xf32>
        %mul3A_547 = arith.mulf %get3A_544, %mul3A_546 : vector<16xf32>
        %swap3A_548 = arith.index_cast %scan3A_504 : i32 to index
        %swap3A_549 = arith.constant 48 : index
        %swap3A_550 = tpu.vector_load %arg8[%swap3A_548, %swap3A_549] {strides = array<i32>} : memref<128x128xf32, #tpu.memory_space<vmem>>, vector<1x16xf32>,
        %swap3A_551 = vector.shape_cast %swap3A_550 : vector<1x16xf32> to vector<16xf32>
        %swap3A_552 = vector.shape_cast %mul3A_547 : vector<16xf32> to vector<1x16xf32>
        tpu.vector_store %arg8[%swap3A_548, %swap3A_549], %swap3A_552 {strides = array<i32>} : memref<128x128xf32, #tpu.memory_space<vmem>>, vector<1x16xf32>,
        %get3A_553 = arith.index_cast %scan3A_504 : i32 to index
        %get3A_554 = arith.constant 64 : index
        %get3A_555 = tpu.vector_load %arg8[%get3A_553, %get3A_554] {strides = array<i32>} : memref<128x128xf32, #tpu.memory_space<vmem>>, vector<1x16xf32>,
        %get3A_556 = vector.shape_cast %get3A_555 : vector<1x16xf32> to vector<16xf32>
        %mul3A_557 = arith.constant 11.3137083 : f32
        %mul3A_558 = vector.broadcast %mul3A_557 : f32 to vector<16xf32>
        %mul3A_559 = arith.mulf %get3A_556, %mul3A_558 : vector<16xf32>
        %swap3A_560 = arith.index_cast %scan3A_504 : i32 to index
        %swap3A_561 = arith.constant 64 : index
        %swap3A_562 = tpu.vector_load %arg8[%swap3A_560, %swap3A_561] {strides = array<i32>} : memref<128x128xf32, #tpu.memory_space<vmem>>, vector<1x16xf32>,
        %swap3A_563 = vector.shape_cast %swap3A_562 : vector<1x16xf32> to vector<16xf32>
        %swap3A_564 = vector.shape_cast %mul3A_559 : vector<16xf32> to vector<1x16xf32>
        tpu.vector_store %arg8[%swap3A_560, %swap3A_561], %swap3A_564 {strides = array<i32>} : memref<128x128xf32, #tpu.memory_space<vmem>>, vector<1x16xf32>,
        %get3A_565 = arith.index_cast %scan3A_504 : i32 to index
        %get3A_566 = arith.constant 80 : index
        %get3A_567 = tpu.vector_load %arg8[%get3A_565, %get3A_566] {strides = array<i32>} : memref<128x128xf32, #tpu.memory_space<vmem>>, vector<1x16xf32>,
        %get3A_568 = vector.shape_cast %get3A_567 : vector<1x16xf32> to vector<16xf32>
        %mul3A_569 = arith.constant 11.3137083 : f32
        %mul3A_570 = vector.broadcast %mul3A_569 : f32 to vector<16xf32>
        %mul3A_571 = arith.mulf %get3A_568, %mul3A_570 : vector<16xf32>
        %swap3A_572 = arith.index_cast %scan3A_504 : i32 to index
        %swap3A_573 = arith.constant 80 : index
        %swap3A_574 = tpu.vector_load %arg8[%swap3A_572, %swap3A_573] {strides = array<i32>} : memref<128x128xf32, #tpu.memory_space<vmem>>, vector<1x16xf32>,
        %swap3A_575 = vector.shape_cast %swap3A_574 : vector<1x16xf32> to vector<16xf32>
        %swap3A_576 = vector.shape_cast %mul3A_571 : vector<16xf32> to vector<1x16xf32>
        tpu.vector_store %arg8[%swap3A_572, %swap3A_573], %swap3A_576 {strides = array<i32>} : memref<128x128xf32, #tpu.memory_space<vmem>>, vector<1x16xf32>,
        %get3A_577 = arith.index_cast %scan3A_504 : i32 to index
        %get3A_578 = arith.constant 96 : index
        %get3A_579 = tpu.vector_load %arg8[%get3A_577, %get3A_578] {strides = array<i32>} : memref<128x128xf32, #tpu.memory_space<vmem>>, vector<1x16xf32>,
        %get3A_580 = vector.shape_cast %get3A_579 : vector<1x16xf32> to vector<16xf32>
        %mul3A_581 = arith.constant 11.3137083 : f32
        %mul3A_582 = vector.broadcast %mul3A_581 : f32 to vector<16xf32>
        %mul3A_583 = arith.mulf %get3A_580, %mul3A_582 : vector<16xf32>
        %swap3A_584 = arith.index_cast %scan3A_504 : i32 to index
        %swap3A_585 = arith.constant 96 : index
        %swap3A_586 = tpu.vector_load %arg8[%swap3A_584, %swap3A_585] {strides = array<i32>} : memref<128x128xf32, #tpu.memory_space<vmem>>, vector<1x16xf32>,
        %swap3A_587 = vector.shape_cast %swap3A_586 : vector<1x16xf32> to vector<16xf32>
        %swap3A_588 = vector.shape_cast %mul3A_583 : vector<16xf32> to vector<1x16xf32>
        tpu.vector_store %arg8[%swap3A_584, %swap3A_585], %swap3A_588 {strides = array<i32>} : memref<128x128xf32, #tpu.memory_space<vmem>>, vector<1x16xf32>,
        %get3A_589 = arith.index_cast %scan3A_504 : i32 to index
        %get3A_590 = arith.constant 112 : index
        %get3A_591 = tpu.vector_load %arg8[%get3A_589, %get3A_590] {strides = array<i32>} : memref<128x128xf32, #tpu.memory_space<vmem>>, vector<1x16xf32>,
        %get3A_592 = vector.shape_cast %get3A_591 : vector<1x16xf32> to vector<16xf32>
        %mul3A_593 = arith.constant 11.3137083 : f32
        %mul3A_594 = vector.broadcast %mul3A_593 : f32 to vector<16xf32>
        %mul3A_595 = arith.mulf %get3A_592, %mul3A_594 : vector<16xf32>
        %swap3A_596 = arith.index_cast %scan3A_504 : i32 to index
        %swap3A_597 = arith.constant 112 : index
        %swap3A_598 = tpu.vector_load %arg8[%swap3A_596, %swap3A_597] {strides = array<i32>} : memref<128x128xf32, #tpu.memory_space<vmem>>, vector<1x16xf32>,
        %swap3A_599 = vector.shape_cast %swap3A_598 : vector<1x16xf32> to vector<16xf32>
        %swap3A_600 = vector.shape_cast %mul3A_595 : vector<16xf32> to vector<1x16xf32>
        tpu.vector_store %arg8[%swap3A_596, %swap3A_597], %swap3A_600 {strides = array<i32>} : memref<128x128xf32, #tpu.memory_space<vmem>>, vector<1x16xf32>,
        %scan3A_601 = arith.constant 0 : i32
        scf.yield %scan3A_601 : i32
      }
      %scan3A_133 = arith.constant 128 : i32
      %dma_start3A_134 = arith.constant 0 : i32
      %dma_start3A_135 = tpu.memref_slice %arg4[%add3A_120, %mul3A_2, %dma_start3A_134] : memref<50x4096x128xf32, #tpu.memory_space<hbm>> -> memref<1x128x128xf32, #tpu.memory_space<hbm>>
      %dma_start3A_136 = tpu.memref_squeeze %dma_start3A_135 : memref<1x128x128xf32, #tpu.memory_space<hbm>> -> memref<128x128xf32, #tpu.memory_space<hbm>>
      %dma_start3A_137 = arith.constant 0 : i32
      %dma_start3A_138 = tpu.memref_slice %arg4[%add3A_120, %mul3A_2, %dma_start3A_137] : memref<50x4096x128xf32, #tpu.memory_space<hbm>> -> memref<1x128x128xf32, #tpu.memory_space<hbm>>
      %dma_start3A_139 = tpu.memref_squeeze %dma_start3A_138 : memref<1x128x128xf32, #tpu.memory_space<hbm>> -> memref<128x128xf32, #tpu.memory_space<hbm>>
      tpu.enqueue_dma source(%arg8 : memref<128x128xf32, #tpu.memory_space<vmem>>) target(%dma_start3A_139 : memref<128x128xf32, #tpu.memory_space<hbm>>) target_semaphore(%arg18 : memref<!tpu.dma_semaphore, #tpu.memory_space<semaphore_mem>>)
      %add3A_140 = arith.constant 3 : i32
      %add3A_141 = arith.addi %add3A_120, %add3A_140 : i32
      %lt3A_142 = arith.constant 50 : i32
      %lt3A_143 = arith.cmpi slt, %add3A_141, %lt3A_142 : i32
      %convert_element_type3A_144 = arith.extui %lt3A_143 : i1 to i32
      %cond3A_145 = arith.constant 0 : i32
      %cond3A_146 = arith.cmpi ne, %convert_element_type3A_144, %cond3A_145 : i32
      scf.if %cond3A_146 {
        %ge3A = arith.constant 2 : i32
        %ge3A_208 = arith.cmpi sge, %add3A_120, %ge3A : i32
        %convert_element_type3A_209 = arith.extui %ge3A_208 : i1 to i32
        %cond3A_210 = arith.constant 0 : i32
        %cond3A_211 = arith.cmpi ne, %convert_element_type3A_209, %cond3A_210 : i32
        scf.if %cond3A_211 {
          %dma_wait3A_220 = arith.constant 0 : i32
          %dma_wait3A_221 = arith.constant 0 : i32
          %dma_wait3A_222 = tpu.memref_slice %arg3[%dma_wait3A_220, %dma_wait3A_221] : memref<100000x128xf32, #tpu.memory_space<hbm>> -> memref<128x128xf32, #tpu.memory_space<hbm>>
          %dma_wait3A_223 = arith.constant 0 : i32
          %dma_wait3A_224 = arith.constant 0 : i32
          %dma_wait3A_225 = tpu.memref_slice %arg3[%dma_wait3A_223, %dma_wait3A_224] : memref<100000x128xf32, #tpu.memory_space<hbm>> -> memref<128x128xf32, #tpu.memory_space<hbm>>
          tpu.wait_dma2 semaphore(%arg16 : memref<!tpu.dma_semaphore, #tpu.memory_space<semaphore_mem>>) src(%dma_wait3A_225 : memref<128x128xf32, #tpu.memory_space<hbm>>) dst(%arg6 : memref<128x128xf32, #tpu.memory_space<vmem>>)
        } else {
        }
        %add3A_212 = arith.constant 3 : i32
        %add3A_213 = arith.addi %add3A_120, %add3A_212 : i32
        %dma_start3A_214 = arith.constant 0 : i32
        %dma_start3A_215 = tpu.memref_slice %arg5[%add3A_213, %dma_start3A_214] : memref<50x128xi32, #tpu.memory_space<vmem>> -> memref<1x128xi32, #tpu.memory_space<vmem>>
        %dma_start3A_216 = tpu.memref_squeeze %dma_start3A_215 : memref<1x128xi32, #tpu.memory_space<vmem>> -> memref<128xi32, #tpu.memory_space<vmem>>
        %dma_start3A_217 = arith.constant 0 : i32
        %dma_start3A_218 = arith.constant 0 : i32
        %dma_start3A_219 = tpu.memref_slice %arg3[%dma_start3A_217, %dma_start3A_218] : memref<100000x128xf32, #tpu.memory_space<hbm>> -> memref<100000x128xf32, #tpu.memory_space<hbm>>
        tpu.enqueue_indirect_dma source(%dma_start3A_219 : memref<100000x128xf32, #tpu.memory_space<hbm>>) target(%arg6 : memref<128x128xf32, #tpu.memory_space<vmem>>) offsets(%dma_start3A_216 : memref<128xi32, #tpu.memory_space<vmem>>) semaphore(%arg11 : memref<!tpu.dma_semaphore, #tpu.memory_space<semaphore_mem>>)
      } else {
      }
      %mul3A_147 = arith.constant 5 : i32
      %mul3A_148 = arith.muli %scan3A_58, %mul3A_147 : i32
      %add3A_149 = arith.constant 3 : i32
      %add3A_150 = arith.addi %mul3A_148, %add3A_149 : i32
      %dma_wait3A_151 = arith.constant 0 : i32
      %dma_wait3A_152 = arith.constant 0 : i32
      %dma_wait3A_153 = tpu.memref_slice %arg3[%dma_wait3A_151, %dma_wait3A_152] : memref<100000x128xf32, #tpu.memory_space<hbm>> -> memref<128x128xf32, #tpu.memory_space<hbm>>
      %dma_wait3A_154 = arith.constant 0 : i32
      %dma_wait3A_155 = arith.constant 0 : i32
      %dma_wait3A_156 = tpu.memref_slice %arg3[%dma_wait3A_154, %dma_wait3A_155] : memref<100000x128xf32, #tpu.memory_space<hbm>> -> memref<128x128xf32, #tpu.memory_space<hbm>>
      tpu.wait_dma2 semaphore(%arg14 : memref<!tpu.dma_semaphore, #tpu.memory_space<semaphore_mem>>) src(%dma_wait3A_156 : memref<128x128xf32, #tpu.memory_space<hbm>>) dst(%arg9 : memref<128x128xf32, #tpu.memory_space<vmem>>)
      %scan3A_157 = arith.constant 0 : i32
      %scan3A_158 = arith.constant 0 : i32
      %scan3A_159 = arith.constant 128 : i32
      %scan3A_160 = arith.addi %scan3A_158, %scan3A_159 : i32
      %scan3A_161 = arith.constant 4 : i32
      %scan3A_162 = scf.for %scan3A_208 = %scan3A_158 to %scan3A_160 step %scan3A_161 iter_args(%scan3A_209 = %scan3A_157) -> (i32)  : i32 {
        %get3A = arith.index_cast %scan3A_208 : i32 to index
        %get3A_210 = arith.constant 0 : index
        %get3A_211 = tpu.vector_load %arg9[%get3A, %get3A_210] {strides = array<i32>} : memref<128x128xf32, #tpu.memory_space<vmem>>, vector<1x16xf32>,
        %get3A_212 = vector.shape_cast %get3A_211 : vector<1x16xf32> to vector<16xf32>
        %mul3A_213 = arith.constant 11.3137083 : f32
        %mul3A_214 = vector.broadcast %mul3A_213 : f32 to vector<16xf32>
        %mul3A_215 = arith.mulf %get3A_212, %mul3A_214 : vector<16xf32>
        %swap3A = arith.index_cast %scan3A_208 : i32 to index
        %swap3A_216 = arith.constant 0 : index
        %swap3A_217 = tpu.vector_load %arg9[%swap3A, %swap3A_216] {strides = array<i32>} : memref<128x128xf32, #tpu.memory_space<vmem>>, vector<1x16xf32>,
        %swap3A_218 = vector.shape_cast %swap3A_217 : vector<1x16xf32> to vector<16xf32>
        %swap3A_219 = vector.shape_cast %mul3A_215 : vector<16xf32> to vector<1x16xf32>
        tpu.vector_store %arg9[%swap3A, %swap3A_216], %swap3A_219 {strides = array<i32>} : memref<128x128xf32, #tpu.memory_space<vmem>>, vector<1x16xf32>,
        %get3A_220 = arith.index_cast %scan3A_208 : i32 to index
        %get3A_221 = arith.constant 16 : index
        %get3A_222 = tpu.vector_load %arg9[%get3A_220, %get3A_221] {strides = array<i32>} : memref<128x128xf32, #tpu.memory_space<vmem>>, vector<1x16xf32>,
        %get3A_223 = vector.shape_cast %get3A_222 : vector<1x16xf32> to vector<16xf32>
        %mul3A_224 = arith.constant 11.3137083 : f32
        %mul3A_225 = vector.broadcast %mul3A_224 : f32 to vector<16xf32>
        %mul3A_226 = arith.mulf %get3A_223, %mul3A_225 : vector<16xf32>
        %swap3A_227 = arith.index_cast %scan3A_208 : i32 to index
        %swap3A_228 = arith.constant 16 : index
        %swap3A_229 = tpu.vector_load %arg9[%swap3A_227, %swap3A_228] {strides = array<i32>} : memref<128x128xf32, #tpu.memory_space<vmem>>, vector<1x16xf32>,
        %swap3A_230 = vector.shape_cast %swap3A_229 : vector<1x16xf32> to vector<16xf32>
        %swap3A_231 = vector.shape_cast %mul3A_226 : vector<16xf32> to vector<1x16xf32>
        tpu.vector_store %arg9[%swap3A_227, %swap3A_228], %swap3A_231 {strides = array<i32>} : memref<128x128xf32, #tpu.memory_space<vmem>>, vector<1x16xf32>,
        %get3A_232 = arith.index_cast %scan3A_208 : i32 to index
        %get3A_233 = arith.constant 32 : index
        %get3A_234 = tpu.vector_load %arg9[%get3A_232, %get3A_233] {strides = array<i32>} : memref<128x128xf32, #tpu.memory_space<vmem>>, vector<1x16xf32>,
        %get3A_235 = vector.shape_cast %get3A_234 : vector<1x16xf32> to vector<16xf32>
        %mul3A_236 = arith.constant 11.3137083 : f32
        %mul3A_237 = vector.broadcast %mul3A_236 : f32 to vector<16xf32>
        %mul3A_238 = arith.mulf %get3A_235, %mul3A_237 : vector<16xf32>
        %swap3A_239 = arith.index_cast %scan3A_208 : i32 to index
        %swap3A_240 = arith.constant 32 : index
        %swap3A_241 = tpu.vector_load %arg9[%swap3A_239, %swap3A_240] {strides = array<i32>} : memref<128x128xf32, #tpu.memory_space<vmem>>, vector<1x16xf32>,
        %swap3A_242 = vector.shape_cast %swap3A_241 : vector<1x16xf32> to vector<16xf32>
        %swap3A_243 = vector.shape_cast %mul3A_238 : vector<16xf32> to vector<1x16xf32>
        tpu.vector_store %arg9[%swap3A_239, %swap3A_240], %swap3A_243 {strides = array<i32>} : memref<128x128xf32, #tpu.memory_space<vmem>>, vector<1x16xf32>,
        %get3A_244 = arith.index_cast %scan3A_208 : i32 to index
        %get3A_245 = arith.constant 48 : index
        %get3A_246 = tpu.vector_load %arg9[%get3A_244, %get3A_245] {strides = array<i32>} : memref<128x128xf32, #tpu.memory_space<vmem>>, vector<1x16xf32>,
        %get3A_247 = vector.shape_cast %get3A_246 : vector<1x16xf32> to vector<16xf32>
        %mul3A_248 = arith.constant 11.3137083 : f32
        %mul3A_249 = vector.broadcast %mul3A_248 : f32 to vector<16xf32>
        %mul3A_250 = arith.mulf %get3A_247, %mul3A_249 : vector<16xf32>
        %swap3A_251 = arith.index_cast %scan3A_208 : i32 to index
        %swap3A_252 = arith.constant 48 : index
        %swap3A_253 = tpu.vector_load %arg9[%swap3A_251, %swap3A_252] {strides = array<i32>} : memref<128x128xf32, #tpu.memory_space<vmem>>, vector<1x16xf32>,
        %swap3A_254 = vector.shape_cast %swap3A_253 : vector<1x16xf32> to vector<16xf32>
        %swap3A_255 = vector.shape_cast %mul3A_250 : vector<16xf32> to vector<1x16xf32>
        tpu.vector_store %arg9[%swap3A_251, %swap3A_252], %swap3A_255 {strides = array<i32>} : memref<128x128xf32, #tpu.memory_space<vmem>>, vector<1x16xf32>,
        %get3A_256 = arith.index_cast %scan3A_208 : i32 to index
        %get3A_257 = arith.constant 64 : index
        %get3A_258 = tpu.vector_load %arg9[%get3A_256, %get3A_257] {strides = array<i32>} : memref<128x128xf32, #tpu.memory_space<vmem>>, vector<1x16xf32>,
        %get3A_259 = vector.shape_cast %get3A_258 : vector<1x16xf32> to vector<16xf32>
        %mul3A_260 = arith.constant 11.3137083 : f32
        %mul3A_261 = vector.broadcast %mul3A_260 : f32 to vector<16xf32>
        %mul3A_262 = arith.mulf %get3A_259, %mul3A_261 : vector<16xf32>
        %swap3A_263 = arith.index_cast %scan3A_208 : i32 to index
        %swap3A_264 = arith.constant 64 : index
        %swap3A_265 = tpu.vector_load %arg9[%swap3A_263, %swap3A_264] {strides = array<i32>} : memref<128x128xf32, #tpu.memory_space<vmem>>, vector<1x16xf32>,
        %swap3A_266 = vector.shape_cast %swap3A_265 : vector<1x16xf32> to vector<16xf32>
        %swap3A_267 = vector.shape_cast %mul3A_262 : vector<16xf32> to vector<1x16xf32>
        tpu.vector_store %arg9[%swap3A_263, %swap3A_264], %swap3A_267 {strides = array<i32>} : memref<128x128xf32, #tpu.memory_space<vmem>>, vector<1x16xf32>,
        %get3A_268 = arith.index_cast %scan3A_208 : i32 to index
        %get3A_269 = arith.constant 80 : index
        %get3A_270 = tpu.vector_load %arg9[%get3A_268, %get3A_269] {strides = array<i32>} : memref<128x128xf32, #tpu.memory_space<vmem>>, vector<1x16xf32>,
        %get3A_271 = vector.shape_cast %get3A_270 : vector<1x16xf32> to vector<16xf32>
        %mul3A_272 = arith.constant 11.3137083 : f32
        %mul3A_273 = vector.broadcast %mul3A_272 : f32 to vector<16xf32>
        %mul3A_274 = arith.mulf %get3A_271, %mul3A_273 : vector<16xf32>
        %swap3A_275 = arith.index_cast %scan3A_208 : i32 to index
        %swap3A_276 = arith.constant 80 : index
        %swap3A_277 = tpu.vector_load %arg9[%swap3A_275, %swap3A_276] {strides = array<i32>} : memref<128x128xf32, #tpu.memory_space<vmem>>, vector<1x16xf32>,
        %swap3A_278 = vector.shape_cast %swap3A_277 : vector<1x16xf32> to vector<16xf32>
        %swap3A_279 = vector.shape_cast %mul3A_274 : vector<16xf32> to vector<1x16xf32>
        tpu.vector_store %arg9[%swap3A_275, %swap3A_276], %swap3A_279 {strides = array<i32>} : memref<128x128xf32, #tpu.memory_space<vmem>>, vector<1x16xf32>,
        %get3A_280 = arith.index_cast %scan3A_208 : i32 to index
        %get3A_281 = arith.constant 96 : index
        %get3A_282 = tpu.vector_load %arg9[%get3A_280, %get3A_281] {strides = array<i32>} : memref<128x128xf32, #tpu.memory_space<vmem>>, vector<1x16xf32>,
        %get3A_283 = vector.shape_cast %get3A_282 : vector<1x16xf32> to vector<16xf32>
        %mul3A_284 = arith.constant 11.3137083 : f32
        %mul3A_285 = vector.broadcast %mul3A_284 : f32 to vector<16xf32>
        %mul3A_286 = arith.mulf %get3A_283, %mul3A_285 : vector<16xf32>
        %swap3A_287 = arith.index_cast %scan3A_208 : i32 to index
        %swap3A_288 = arith.constant 96 : index
        %swap3A_289 = tpu.vector_load %arg9[%swap3A_287, %swap3A_288] {strides = array<i32>} : memref<128x128xf32, #tpu.memory_space<vmem>>, vector<1x16xf32>,
        %swap3A_290 = vector.shape_cast %swap3A_289 : vector<1x16xf32> to vector<16xf32>
        %swap3A_291 = vector.shape_cast %mul3A_286 : vector<16xf32> to vector<1x16xf32>
        tpu.vector_store %arg9[%swap3A_287, %swap3A_288], %swap3A_291 {strides = array<i32>} : memref<128x128xf32, #tpu.memory_space<vmem>>, vector<1x16xf32>,
        %get3A_292 = arith.index_cast %scan3A_208 : i32 to index
        %get3A_293 = arith.constant 112 : index
        %get3A_294 = tpu.vector_load %arg9[%get3A_292, %get3A_293] {strides = array<i32>} : memref<128x128xf32, #tpu.memory_space<vmem>>, vector<1x16xf32>,
        %get3A_295 = vector.shape_cast %get3A_294 : vector<1x16xf32> to vector<16xf32>
        %mul3A_296 = arith.constant 11.3137083 : f32
        %mul3A_297 = vector.broadcast %mul3A_296 : f32 to vector<16xf32>
        %mul3A_298 = arith.mulf %get3A_295, %mul3A_297 : vector<16xf32>
        %swap3A_299 = arith.index_cast %scan3A_208 : i32 to index
        %swap3A_300 = arith.constant 112 : index
        %swap3A_301 = tpu.vector_load %arg9[%swap3A_299, %swap3A_300] {strides = array<i32>} : memref<128x128xf32, #tpu.memory_space<vmem>>, vector<1x16xf32>,
        %swap3A_302 = vector.shape_cast %swap3A_301 : vector<1x16xf32> to vector<16xf32>
        %swap3A_303 = vector.shape_cast %mul3A_298 : vector<16xf32> to vector<1x16xf32>
        tpu.vector_store %arg9[%swap3A_299, %swap3A_300], %swap3A_303 {strides = array<i32>} : memref<128x128xf32, #tpu.memory_space<vmem>>, vector<1x16xf32>,
        %scan3A_304 = arith.constant 0 : i32
        %scan3A_305 = arith.constant 1 : i32
        %scan3A_306 = arith.addi %scan3A_208, %scan3A_305 : i32
        %get3A_307 = arith.index_cast %scan3A_306 : i32 to index
        %get3A_308 = arith.constant 0 : index
        %get3A_309 = tpu.vector_load %arg9[%get3A_307, %get3A_308] {strides = array<i32>} : memref<128x128xf32, #tpu.memory_space<vmem>>, vector<1x16xf32>,
        %get3A_310 = vector.shape_cast %get3A_309 : vector<1x16xf32> to vector<16xf32>
        %mul3A_311 = arith.constant 11.3137083 : f32
        %mul3A_312 = vector.broadcast %mul3A_311 : f32 to vector<16xf32>
        %mul3A_313 = arith.mulf %get3A_310, %mul3A_312 : vector<16xf32>
        %swap3A_314 = arith.index_cast %scan3A_306 : i32 to index
        %swap3A_315 = arith.constant 0 : index
        %swap3A_316 = tpu.vector_load %arg9[%swap3A_314, %swap3A_315] {strides = array<i32>} : memref<128x128xf32, #tpu.memory_space<vmem>>, vector<1x16xf32>,
        %swap3A_317 = vector.shape_cast %swap3A_316 : vector<1x16xf32> to vector<16xf32>
        %swap3A_318 = vector.shape_cast %mul3A_313 : vector<16xf32> to vector<1x16xf32>
        tpu.vector_store %arg9[%swap3A_314, %swap3A_315], %swap3A_318 {strides = array<i32>} : memref<128x128xf32, #tpu.memory_space<vmem>>, vector<1x16xf32>,
        %get3A_319 = arith.index_cast %scan3A_306 : i32 to index
        %get3A_320 = arith.constant 16 : index
        %get3A_321 = tpu.vector_load %arg9[%get3A_319, %get3A_320] {strides = array<i32>} : memref<128x128xf32, #tpu.memory_space<vmem>>, vector<1x16xf32>,
        %get3A_322 = vector.shape_cast %get3A_321 : vector<1x16xf32> to vector<16xf32>
        %mul3A_323 = arith.constant 11.3137083 : f32
        %mul3A_324 = vector.broadcast %mul3A_323 : f32 to vector<16xf32>
        %mul3A_325 = arith.mulf %get3A_322, %mul3A_324 : vector<16xf32>
        %swap3A_326 = arith.index_cast %scan3A_306 : i32 to index
        %swap3A_327 = arith.constant 16 : index
        %swap3A_328 = tpu.vector_load %arg9[%swap3A_326, %swap3A_327] {strides = array<i32>} : memref<128x128xf32, #tpu.memory_space<vmem>>, vector<1x16xf32>,
        %swap3A_329 = vector.shape_cast %swap3A_328 : vector<1x16xf32> to vector<16xf32>
        %swap3A_330 = vector.shape_cast %mul3A_325 : vector<16xf32> to vector<1x16xf32>
        tpu.vector_store %arg9[%swap3A_326, %swap3A_327], %swap3A_330 {strides = array<i32>} : memref<128x128xf32, #tpu.memory_space<vmem>>, vector<1x16xf32>,
        %get3A_331 = arith.index_cast %scan3A_306 : i32 to index
        %get3A_332 = arith.constant 32 : index
        %get3A_333 = tpu.vector_load %arg9[%get3A_331, %get3A_332] {strides = array<i32>} : memref<128x128xf32, #tpu.memory_space<vmem>>, vector<1x16xf32>,
        %get3A_334 = vector.shape_cast %get3A_333 : vector<1x16xf32> to vector<16xf32>
        %mul3A_335 = arith.constant 11.3137083 : f32
        %mul3A_336 = vector.broadcast %mul3A_335 : f32 to vector<16xf32>
        %mul3A_337 = arith.mulf %get3A_334, %mul3A_336 : vector<16xf32>
        %swap3A_338 = arith.index_cast %scan3A_306 : i32 to index
        %swap3A_339 = arith.constant 32 : index
        %swap3A_340 = tpu.vector_load %arg9[%swap3A_338, %swap3A_339] {strides = array<i32>} : memref<128x128xf32, #tpu.memory_space<vmem>>, vector<1x16xf32>,
        %swap3A_341 = vector.shape_cast %swap3A_340 : vector<1x16xf32> to vector<16xf32>
        %swap3A_342 = vector.shape_cast %mul3A_337 : vector<16xf32> to vector<1x16xf32>
        tpu.vector_store %arg9[%swap3A_338, %swap3A_339], %swap3A_342 {strides = array<i32>} : memref<128x128xf32, #tpu.memory_space<vmem>>, vector<1x16xf32>,
        %get3A_343 = arith.index_cast %scan3A_306 : i32 to index
        %get3A_344 = arith.constant 48 : index
        %get3A_345 = tpu.vector_load %arg9[%get3A_343, %get3A_344] {strides = array<i32>} : memref<128x128xf32, #tpu.memory_space<vmem>>, vector<1x16xf32>,
        %get3A_346 = vector.shape_cast %get3A_345 : vector<1x16xf32> to vector<16xf32>
        %mul3A_347 = arith.constant 11.3137083 : f32
        %mul3A_348 = vector.broadcast %mul3A_347 : f32 to vector<16xf32>
        %mul3A_349 = arith.mulf %get3A_346, %mul3A_348 : vector<16xf32>
        %swap3A_350 = arith.index_cast %scan3A_306 : i32 to index
        %swap3A_351 = arith.constant 48 : index
        %swap3A_352 = tpu.vector_load %arg9[%swap3A_350, %swap3A_351] {strides = array<i32>} : memref<128x128xf32, #tpu.memory_space<vmem>>, vector<1x16xf32>,
        %swap3A_353 = vector.shape_cast %swap3A_352 : vector<1x16xf32> to vector<16xf32>
        %swap3A_354 = vector.shape_cast %mul3A_349 : vector<16xf32> to vector<1x16xf32>
        tpu.vector_store %arg9[%swap3A_350, %swap3A_351], %swap3A_354 {strides = array<i32>} : memref<128x128xf32, #tpu.memory_space<vmem>>, vector<1x16xf32>,
        %get3A_355 = arith.index_cast %scan3A_306 : i32 to index
        %get3A_356 = arith.constant 64 : index
        %get3A_357 = tpu.vector_load %arg9[%get3A_355, %get3A_356] {strides = array<i32>} : memref<128x128xf32, #tpu.memory_space<vmem>>, vector<1x16xf32>,
        %get3A_358 = vector.shape_cast %get3A_357 : vector<1x16xf32> to vector<16xf32>
        %mul3A_359 = arith.constant 11.3137083 : f32
        %mul3A_360 = vector.broadcast %mul3A_359 : f32 to vector<16xf32>
        %mul3A_361 = arith.mulf %get3A_358, %mul3A_360 : vector<16xf32>
        %swap3A_362 = arith.index_cast %scan3A_306 : i32 to index
        %swap3A_363 = arith.constant 64 : index
        %swap3A_364 = tpu.vector_load %arg9[%swap3A_362, %swap3A_363] {strides = array<i32>} : memref<128x128xf32, #tpu.memory_space<vmem>>, vector<1x16xf32>,
        %swap3A_365 = vector.shape_cast %swap3A_364 : vector<1x16xf32> to vector<16xf32>
        %swap3A_366 = vector.shape_cast %mul3A_361 : vector<16xf32> to vector<1x16xf32>
        tpu.vector_store %arg9[%swap3A_362, %swap3A_363], %swap3A_366 {strides = array<i32>} : memref<128x128xf32, #tpu.memory_space<vmem>>, vector<1x16xf32>,
        %get3A_367 = arith.index_cast %scan3A_306 : i32 to index
        %get3A_368 = arith.constant 80 : index
        %get3A_369 = tpu.vector_load %arg9[%get3A_367, %get3A_368] {strides = array<i32>} : memref<128x128xf32, #tpu.memory_space<vmem>>, vector<1x16xf32>,
        %get3A_370 = vector.shape_cast %get3A_369 : vector<1x16xf32> to vector<16xf32>
        %mul3A_371 = arith.constant 11.3137083 : f32
        %mul3A_372 = vector.broadcast %mul3A_371 : f32 to vector<16xf32>
        %mul3A_373 = arith.mulf %get3A_370, %mul3A_372 : vector<16xf32>
        %swap3A_374 = arith.index_cast %scan3A_306 : i32 to index
        %swap3A_375 = arith.constant 80 : index
        %swap3A_376 = tpu.vector_load %arg9[%swap3A_374, %swap3A_375] {strides = array<i32>} : memref<128x128xf32, #tpu.memory_space<vmem>>, vector<1x16xf32>,
        %swap3A_377 = vector.shape_cast %swap3A_376 : vector<1x16xf32> to vector<16xf32>
        %swap3A_378 = vector.shape_cast %mul3A_373 : vector<16xf32> to vector<1x16xf32>
        tpu.vector_store %arg9[%swap3A_374, %swap3A_375], %swap3A_378 {strides = array<i32>} : memref<128x128xf32, #tpu.memory_space<vmem>>, vector<1x16xf32>,
        %get3A_379 = arith.index_cast %scan3A_306 : i32 to index
        %get3A_380 = arith.constant 96 : index
        %get3A_381 = tpu.vector_load %arg9[%get3A_379, %get3A_380] {strides = array<i32>} : memref<128x128xf32, #tpu.memory_space<vmem>>, vector<1x16xf32>,
        %get3A_382 = vector.shape_cast %get3A_381 : vector<1x16xf32> to vector<16xf32>
        %mul3A_383 = arith.constant 11.3137083 : f32
        %mul3A_384 = vector.broadcast %mul3A_383 : f32 to vector<16xf32>
        %mul3A_385 = arith.mulf %get3A_382, %mul3A_384 : vector<16xf32>
        %swap3A_386 = arith.index_cast %scan3A_306 : i32 to index
        %swap3A_387 = arith.constant 96 : index
        %swap3A_388 = tpu.vector_load %arg9[%swap3A_386, %swap3A_387] {strides = array<i32>} : memref<128x128xf32, #tpu.memory_space<vmem>>, vector<1x16xf32>,
        %swap3A_389 = vector.shape_cast %swap3A_388 : vector<1x16xf32> to vector<16xf32>
        %swap3A_390 = vector.shape_cast %mul3A_385 : vector<16xf32> to vector<1x16xf32>
        tpu.vector_store %arg9[%swap3A_386, %swap3A_387], %swap3A_390 {strides = array<i32>} : memref<128x128xf32, #tpu.memory_space<vmem>>, vector<1x16xf32>,
        %get3A_391 = arith.index_cast %scan3A_306 : i32 to index
        %get3A_392 = arith.constant 112 : index
        %get3A_393 = tpu.vector_load %arg9[%get3A_391, %get3A_392] {strides = array<i32>} : memref<128x128xf32, #tpu.memory_space<vmem>>, vector<1x16xf32>,
        %get3A_394 = vector.shape_cast %get3A_393 : vector<1x16xf32> to vector<16xf32>
        %mul3A_395 = arith.constant 11.3137083 : f32
        %mul3A_396 = vector.broadcast %mul3A_395 : f32 to vector<16xf32>
        %mul3A_397 = arith.mulf %get3A_394, %mul3A_396 : vector<16xf32>
        %swap3A_398 = arith.index_cast %scan3A_306 : i32 to index
        %swap3A_399 = arith.constant 112 : index
        %swap3A_400 = tpu.vector_load %arg9[%swap3A_398, %swap3A_399] {strides = array<i32>} : memref<128x128xf32, #tpu.memory_space<vmem>>, vector<1x16xf32>,
        %swap3A_401 = vector.shape_cast %swap3A_400 : vector<1x16xf32> to vector<16xf32>
        %swap3A_402 = vector.shape_cast %mul3A_397 : vector<16xf32> to vector<1x16xf32>
        tpu.vector_store %arg9[%swap3A_398, %swap3A_399], %swap3A_402 {strides = array<i32>} : memref<128x128xf32, #tpu.memory_space<vmem>>, vector<1x16xf32>,
        %scan3A_403 = arith.constant 0 : i32
        %scan3A_404 = arith.constant 2 : i32
        %scan3A_405 = arith.addi %scan3A_208, %scan3A_404 : i32
        %get3A_406 = arith.index_cast %scan3A_405 : i32 to index
        %get3A_407 = arith.constant 0 : index
        %get3A_408 = tpu.vector_load %arg9[%get3A_406, %get3A_407] {strides = array<i32>} : memref<128x128xf32, #tpu.memory_space<vmem>>, vector<1x16xf32>,
        %get3A_409 = vector.shape_cast %get3A_408 : vector<1x16xf32> to vector<16xf32>
        %mul3A_410 = arith.constant 11.3137083 : f32
        %mul3A_411 = vector.broadcast %mul3A_410 : f32 to vector<16xf32>
        %mul3A_412 = arith.mulf %get3A_409, %mul3A_411 : vector<16xf32>
        %swap3A_413 = arith.index_cast %scan3A_405 : i32 to index
        %swap3A_414 = arith.constant 0 : index
        %swap3A_415 = tpu.vector_load %arg9[%swap3A_413, %swap3A_414] {strides = array<i32>} : memref<128x128xf32, #tpu.memory_space<vmem>>, vector<1x16xf32>,
        %swap3A_416 = vector.shape_cast %swap3A_415 : vector<1x16xf32> to vector<16xf32>
        %swap3A_417 = vector.shape_cast %mul3A_412 : vector<16xf32> to vector<1x16xf32>
        tpu.vector_store %arg9[%swap3A_413, %swap3A_414], %swap3A_417 {strides = array<i32>} : memref<128x128xf32, #tpu.memory_space<vmem>>, vector<1x16xf32>,
        %get3A_418 = arith.index_cast %scan3A_405 : i32 to index
        %get3A_419 = arith.constant 16 : index
        %get3A_420 = tpu.vector_load %arg9[%get3A_418, %get3A_419] {strides = array<i32>} : memref<128x128xf32, #tpu.memory_space<vmem>>, vector<1x16xf32>,
        %get3A_421 = vector.shape_cast %get3A_420 : vector<1x16xf32> to vector<16xf32>
        %mul3A_422 = arith.constant 11.3137083 : f32
        %mul3A_423 = vector.broadcast %mul3A_422 : f32 to vector<16xf32>
        %mul3A_424 = arith.mulf %get3A_421, %mul3A_423 : vector<16xf32>
        %swap3A_425 = arith.index_cast %scan3A_405 : i32 to index
        %swap3A_426 = arith.constant 16 : index
        %swap3A_427 = tpu.vector_load %arg9[%swap3A_425, %swap3A_426] {strides = array<i32>} : memref<128x128xf32, #tpu.memory_space<vmem>>, vector<1x16xf32>,
        %swap3A_428 = vector.shape_cast %swap3A_427 : vector<1x16xf32> to vector<16xf32>
        %swap3A_429 = vector.shape_cast %mul3A_424 : vector<16xf32> to vector<1x16xf32>
        tpu.vector_store %arg9[%swap3A_425, %swap3A_426], %swap3A_429 {strides = array<i32>} : memref<128x128xf32, #tpu.memory_space<vmem>>, vector<1x16xf32>,
        %get3A_430 = arith.index_cast %scan3A_405 : i32 to index
        %get3A_431 = arith.constant 32 : index
        %get3A_432 = tpu.vector_load %arg9[%get3A_430, %get3A_431] {strides = array<i32>} : memref<128x128xf32, #tpu.memory_space<vmem>>, vector<1x16xf32>,
        %get3A_433 = vector.shape_cast %get3A_432 : vector<1x16xf32> to vector<16xf32>
        %mul3A_434 = arith.constant 11.3137083 : f32
        %mul3A_435 = vector.broadcast %mul3A_434 : f32 to vector<16xf32>
        %mul3A_436 = arith.mulf %get3A_433, %mul3A_435 : vector<16xf32>
        %swap3A_437 = arith.index_cast %scan3A_405 : i32 to index
        %swap3A_438 = arith.constant 32 : index
        %swap3A_439 = tpu.vector_load %arg9[%swap3A_437, %swap3A_438] {strides = array<i32>} : memref<128x128xf32, #tpu.memory_space<vmem>>, vector<1x16xf32>,
        %swap3A_440 = vector.shape_cast %swap3A_439 : vector<1x16xf32> to vector<16xf32>
        %swap3A_441 = vector.shape_cast %mul3A_436 : vector<16xf32> to vector<1x16xf32>
        tpu.vector_store %arg9[%swap3A_437, %swap3A_438], %swap3A_441 {strides = array<i32>} : memref<128x128xf32, #tpu.memory_space<vmem>>, vector<1x16xf32>,
        %get3A_442 = arith.index_cast %scan3A_405 : i32 to index
        %get3A_443 = arith.constant 48 : index
        %get3A_444 = tpu.vector_load %arg9[%get3A_442, %get3A_443] {strides = array<i32>} : memref<128x128xf32, #tpu.memory_space<vmem>>, vector<1x16xf32>,
        %get3A_445 = vector.shape_cast %get3A_444 : vector<1x16xf32> to vector<16xf32>
        %mul3A_446 = arith.constant 11.3137083 : f32
        %mul3A_447 = vector.broadcast %mul3A_446 : f32 to vector<16xf32>
        %mul3A_448 = arith.mulf %get3A_445, %mul3A_447 : vector<16xf32>
        %swap3A_449 = arith.index_cast %scan3A_405 : i32 to index
        %swap3A_450 = arith.constant 48 : index
        %swap3A_451 = tpu.vector_load %arg9[%swap3A_449, %swap3A_450] {strides = array<i32>} : memref<128x128xf32, #tpu.memory_space<vmem>>, vector<1x16xf32>,
        %swap3A_452 = vector.shape_cast %swap3A_451 : vector<1x16xf32> to vector<16xf32>
        %swap3A_453 = vector.shape_cast %mul3A_448 : vector<16xf32> to vector<1x16xf32>
        tpu.vector_store %arg9[%swap3A_449, %swap3A_450], %swap3A_453 {strides = array<i32>} : memref<128x128xf32, #tpu.memory_space<vmem>>, vector<1x16xf32>,
        %get3A_454 = arith.index_cast %scan3A_405 : i32 to index
        %get3A_455 = arith.constant 64 : index
        %get3A_456 = tpu.vector_load %arg9[%get3A_454, %get3A_455] {strides = array<i32>} : memref<128x128xf32, #tpu.memory_space<vmem>>, vector<1x16xf32>,
        %get3A_457 = vector.shape_cast %get3A_456 : vector<1x16xf32> to vector<16xf32>
        %mul3A_458 = arith.constant 11.3137083 : f32
        %mul3A_459 = vector.broadcast %mul3A_458 : f32 to vector<16xf32>
        %mul3A_460 = arith.mulf %get3A_457, %mul3A_459 : vector<16xf32>
        %swap3A_461 = arith.index_cast %scan3A_405 : i32 to index
        %swap3A_462 = arith.constant 64 : index
        %swap3A_463 = tpu.vector_load %arg9[%swap3A_461, %swap3A_462] {strides = array<i32>} : memref<128x128xf32, #tpu.memory_space<vmem>>, vector<1x16xf32>,
        %swap3A_464 = vector.shape_cast %swap3A_463 : vector<1x16xf32> to vector<16xf32>
        %swap3A_465 = vector.shape_cast %mul3A_460 : vector<16xf32> to vector<1x16xf32>
        tpu.vector_store %arg9[%swap3A_461, %swap3A_462], %swap3A_465 {strides = array<i32>} : memref<128x128xf32, #tpu.memory_space<vmem>>, vector<1x16xf32>,
        %get3A_466 = arith.index_cast %scan3A_405 : i32 to index
        %get3A_467 = arith.constant 80 : index
        %get3A_468 = tpu.vector_load %arg9[%get3A_466, %get3A_467] {strides = array<i32>} : memref<128x128xf32, #tpu.memory_space<vmem>>, vector<1x16xf32>,
        %get3A_469 = vector.shape_cast %get3A_468 : vector<1x16xf32> to vector<16xf32>
        %mul3A_470 = arith.constant 11.3137083 : f32
        %mul3A_471 = vector.broadcast %mul3A_470 : f32 to vector<16xf32>
        %mul3A_472 = arith.mulf %get3A_469, %mul3A_471 : vector<16xf32>
        %swap3A_473 = arith.index_cast %scan3A_405 : i32 to index
        %swap3A_474 = arith.constant 80 : index
        %swap3A_475 = tpu.vector_load %arg9[%swap3A_473, %swap3A_474] {strides = array<i32>} : memref<128x128xf32, #tpu.memory_space<vmem>>, vector<1x16xf32>,
        %swap3A_476 = vector.shape_cast %swap3A_475 : vector<1x16xf32> to vector<16xf32>
        %swap3A_477 = vector.shape_cast %mul3A_472 : vector<16xf32> to vector<1x16xf32>
        tpu.vector_store %arg9[%swap3A_473, %swap3A_474], %swap3A_477 {strides = array<i32>} : memref<128x128xf32, #tpu.memory_space<vmem>>, vector<1x16xf32>,
        %get3A_478 = arith.index_cast %scan3A_405 : i32 to index
        %get3A_479 = arith.constant 96 : index
        %get3A_480 = tpu.vector_load %arg9[%get3A_478, %get3A_479] {strides = array<i32>} : memref<128x128xf32, #tpu.memory_space<vmem>>, vector<1x16xf32>,
        %get3A_481 = vector.shape_cast %get3A_480 : vector<1x16xf32> to vector<16xf32>
        %mul3A_482 = arith.constant 11.3137083 : f32
        %mul3A_483 = vector.broadcast %mul3A_482 : f32 to vector<16xf32>
        %mul3A_484 = arith.mulf %get3A_481, %mul3A_483 : vector<16xf32>
        %swap3A_485 = arith.index_cast %scan3A_405 : i32 to index
        %swap3A_486 = arith.constant 96 : index
        %swap3A_487 = tpu.vector_load %arg9[%swap3A_485, %swap3A_486] {strides = array<i32>} : memref<128x128xf32, #tpu.memory_space<vmem>>, vector<1x16xf32>,
        %swap3A_488 = vector.shape_cast %swap3A_487 : vector<1x16xf32> to vector<16xf32>
        %swap3A_489 = vector.shape_cast %mul3A_484 : vector<16xf32> to vector<1x16xf32>
        tpu.vector_store %arg9[%swap3A_485, %swap3A_486], %swap3A_489 {strides = array<i32>} : memref<128x128xf32, #tpu.memory_space<vmem>>, vector<1x16xf32>,
        %get3A_490 = arith.index_cast %scan3A_405 : i32 to index
        %get3A_491 = arith.constant 112 : index
        %get3A_492 = tpu.vector_load %arg9[%get3A_490, %get3A_491] {strides = array<i32>} : memref<128x128xf32, #tpu.memory_space<vmem>>, vector<1x16xf32>,
        %get3A_493 = vector.shape_cast %get3A_492 : vector<1x16xf32> to vector<16xf32>
        %mul3A_494 = arith.constant 11.3137083 : f32
        %mul3A_495 = vector.broadcast %mul3A_494 : f32 to vector<16xf32>
        %mul3A_496 = arith.mulf %get3A_493, %mul3A_495 : vector<16xf32>
        %swap3A_497 = arith.index_cast %scan3A_405 : i32 to index
        %swap3A_498 = arith.constant 112 : index
        %swap3A_499 = tpu.vector_load %arg9[%swap3A_497, %swap3A_498] {strides = array<i32>} : memref<128x128xf32, #tpu.memory_space<vmem>>, vector<1x16xf32>,
        %swap3A_500 = vector.shape_cast %swap3A_499 : vector<1x16xf32> to vector<16xf32>
        %swap3A_501 = vector.shape_cast %mul3A_496 : vector<16xf32> to vector<1x16xf32>
        tpu.vector_store %arg9[%swap3A_497, %swap3A_498], %swap3A_501 {strides = array<i32>} : memref<128x128xf32, #tpu.memory_space<vmem>>, vector<1x16xf32>,
        %scan3A_502 = arith.constant 0 : i32
        %scan3A_503 = arith.constant 3 : i32
        %scan3A_504 = arith.addi %scan3A_208, %scan3A_503 : i32
        %get3A_505 = arith.index_cast %scan3A_504 : i32 to index
        %get3A_506 = arith.constant 0 : index
        %get3A_507 = tpu.vector_load %arg9[%get3A_505, %get3A_506] {strides = array<i32>} : memref<128x128xf32, #tpu.memory_space<vmem>>, vector<1x16xf32>,
        %get3A_508 = vector.shape_cast %get3A_507 : vector<1x16xf32> to vector<16xf32>
        %mul3A_509 = arith.constant 11.3137083 : f32
        %mul3A_510 = vector.broadcast %mul3A_509 : f32 to vector<16xf32>
        %mul3A_511 = arith.mulf %get3A_508, %mul3A_510 : vector<16xf32>
        %swap3A_512 = arith.index_cast %scan3A_504 : i32 to index
        %swap3A_513 = arith.constant 0 : index
        %swap3A_514 = tpu.vector_load %arg9[%swap3A_512, %swap3A_513] {strides = array<i32>} : memref<128x128xf32, #tpu.memory_space<vmem>>, vector<1x16xf32>,
        %swap3A_515 = vector.shape_cast %swap3A_514 : vector<1x16xf32> to vector<16xf32>
        %swap3A_516 = vector.shape_cast %mul3A_511 : vector<16xf32> to vector<1x16xf32>
        tpu.vector_store %arg9[%swap3A_512, %swap3A_513], %swap3A_516 {strides = array<i32>} : memref<128x128xf32, #tpu.memory_space<vmem>>, vector<1x16xf32>,
        %get3A_517 = arith.index_cast %scan3A_504 : i32 to index
        %get3A_518 = arith.constant 16 : index
        %get3A_519 = tpu.vector_load %arg9[%get3A_517, %get3A_518] {strides = array<i32>} : memref<128x128xf32, #tpu.memory_space<vmem>>, vector<1x16xf32>,
        %get3A_520 = vector.shape_cast %get3A_519 : vector<1x16xf32> to vector<16xf32>
        %mul3A_521 = arith.constant 11.3137083 : f32
        %mul3A_522 = vector.broadcast %mul3A_521 : f32 to vector<16xf32>
        %mul3A_523 = arith.mulf %get3A_520, %mul3A_522 : vector<16xf32>
        %swap3A_524 = arith.index_cast %scan3A_504 : i32 to index
        %swap3A_525 = arith.constant 16 : index
        %swap3A_526 = tpu.vector_load %arg9[%swap3A_524, %swap3A_525] {strides = array<i32>} : memref<128x128xf32, #tpu.memory_space<vmem>>, vector<1x16xf32>,
        %swap3A_527 = vector.shape_cast %swap3A_526 : vector<1x16xf32> to vector<16xf32>
        %swap3A_528 = vector.shape_cast %mul3A_523 : vector<16xf32> to vector<1x16xf32>
        tpu.vector_store %arg9[%swap3A_524, %swap3A_525], %swap3A_528 {strides = array<i32>} : memref<128x128xf32, #tpu.memory_space<vmem>>, vector<1x16xf32>,
        %get3A_529 = arith.index_cast %scan3A_504 : i32 to index
        %get3A_530 = arith.constant 32 : index
        %get3A_531 = tpu.vector_load %arg9[%get3A_529, %get3A_530] {strides = array<i32>} : memref<128x128xf32, #tpu.memory_space<vmem>>, vector<1x16xf32>,
        %get3A_532 = vector.shape_cast %get3A_531 : vector<1x16xf32> to vector<16xf32>
        %mul3A_533 = arith.constant 11.3137083 : f32
        %mul3A_534 = vector.broadcast %mul3A_533 : f32 to vector<16xf32>
        %mul3A_535 = arith.mulf %get3A_532, %mul3A_534 : vector<16xf32>
        %swap3A_536 = arith.index_cast %scan3A_504 : i32 to index
        %swap3A_537 = arith.constant 32 : index
        %swap3A_538 = tpu.vector_load %arg9[%swap3A_536, %swap3A_537] {strides = array<i32>} : memref<128x128xf32, #tpu.memory_space<vmem>>, vector<1x16xf32>,
        %swap3A_539 = vector.shape_cast %swap3A_538 : vector<1x16xf32> to vector<16xf32>
        %swap3A_540 = vector.shape_cast %mul3A_535 : vector<16xf32> to vector<1x16xf32>
        tpu.vector_store %arg9[%swap3A_536, %swap3A_537], %swap3A_540 {strides = array<i32>} : memref<128x128xf32, #tpu.memory_space<vmem>>, vector<1x16xf32>,
        %get3A_541 = arith.index_cast %scan3A_504 : i32 to index
        %get3A_542 = arith.constant 48 : index
        %get3A_543 = tpu.vector_load %arg9[%get3A_541, %get3A_542] {strides = array<i32>} : memref<128x128xf32, #tpu.memory_space<vmem>>, vector<1x16xf32>,
        %get3A_544 = vector.shape_cast %get3A_543 : vector<1x16xf32> to vector<16xf32>
        %mul3A_545 = arith.constant 11.3137083 : f32
        %mul3A_546 = vector.broadcast %mul3A_545 : f32 to vector<16xf32>
        %mul3A_547 = arith.mulf %get3A_544, %mul3A_546 : vector<16xf32>
        %swap3A_548 = arith.index_cast %scan3A_504 : i32 to index
        %swap3A_549 = arith.constant 48 : index
        %swap3A_550 = tpu.vector_load %arg9[%swap3A_548, %swap3A_549] {strides = array<i32>} : memref<128x128xf32, #tpu.memory_space<vmem>>, vector<1x16xf32>,
        %swap3A_551 = vector.shape_cast %swap3A_550 : vector<1x16xf32> to vector<16xf32>
        %swap3A_552 = vector.shape_cast %mul3A_547 : vector<16xf32> to vector<1x16xf32>
        tpu.vector_store %arg9[%swap3A_548, %swap3A_549], %swap3A_552 {strides = array<i32>} : memref<128x128xf32, #tpu.memory_space<vmem>>, vector<1x16xf32>,
        %get3A_553 = arith.index_cast %scan3A_504 : i32 to index
        %get3A_554 = arith.constant 64 : index
        %get3A_555 = tpu.vector_load %arg9[%get3A_553, %get3A_554] {strides = array<i32>} : memref<128x128xf32, #tpu.memory_space<vmem>>, vector<1x16xf32>,
        %get3A_556 = vector.shape_cast %get3A_555 : vector<1x16xf32> to vector<16xf32>
        %mul3A_557 = arith.constant 11.3137083 : f32
        %mul3A_558 = vector.broadcast %mul3A_557 : f32 to vector<16xf32>
        %mul3A_559 = arith.mulf %get3A_556, %mul3A_558 : vector<16xf32>
        %swap3A_560 = arith.index_cast %scan3A_504 : i32 to index
        %swap3A_561 = arith.constant 64 : index
        %swap3A_562 = tpu.vector_load %arg9[%swap3A_560, %swap3A_561] {strides = array<i32>} : memref<128x128xf32, #tpu.memory_space<vmem>>, vector<1x16xf32>,
        %swap3A_563 = vector.shape_cast %swap3A_562 : vector<1x16xf32> to vector<16xf32>
        %swap3A_564 = vector.shape_cast %mul3A_559 : vector<16xf32> to vector<1x16xf32>
        tpu.vector_store %arg9[%swap3A_560, %swap3A_561], %swap3A_564 {strides = array<i32>} : memref<128x128xf32, #tpu.memory_space<vmem>>, vector<1x16xf32>,
        %get3A_565 = arith.index_cast %scan3A_504 : i32 to index
        %get3A_566 = arith.constant 80 : index
        %get3A_567 = tpu.vector_load %arg9[%get3A_565, %get3A_566] {strides = array<i32>} : memref<128x128xf32, #tpu.memory_space<vmem>>, vector<1x16xf32>,
        %get3A_568 = vector.shape_cast %get3A_567 : vector<1x16xf32> to vector<16xf32>
        %mul3A_569 = arith.constant 11.3137083 : f32
        %mul3A_570 = vector.broadcast %mul3A_569 : f32 to vector<16xf32>
        %mul3A_571 = arith.mulf %get3A_568, %mul3A_570 : vector<16xf32>
        %swap3A_572 = arith.index_cast %scan3A_504 : i32 to index
        %swap3A_573 = arith.constant 80 : index
        %swap3A_574 = tpu.vector_load %arg9[%swap3A_572, %swap3A_573] {strides = array<i32>} : memref<128x128xf32, #tpu.memory_space<vmem>>, vector<1x16xf32>,
        %swap3A_575 = vector.shape_cast %swap3A_574 : vector<1x16xf32> to vector<16xf32>
        %swap3A_576 = vector.shape_cast %mul3A_571 : vector<16xf32> to vector<1x16xf32>
        tpu.vector_store %arg9[%swap3A_572, %swap3A_573], %swap3A_576 {strides = array<i32>} : memref<128x128xf32, #tpu.memory_space<vmem>>, vector<1x16xf32>,
        %get3A_577 = arith.index_cast %scan3A_504 : i32 to index
        %get3A_578 = arith.constant 96 : index
        %get3A_579 = tpu.vector_load %arg9[%get3A_577, %get3A_578] {strides = array<i32>} : memref<128x128xf32, #tpu.memory_space<vmem>>, vector<1x16xf32>,
        %get3A_580 = vector.shape_cast %get3A_579 : vector<1x16xf32> to vector<16xf32>
        %mul3A_581 = arith.constant 11.3137083 : f32
        %mul3A_582 = vector.broadcast %mul3A_581 : f32 to vector<16xf32>
        %mul3A_583 = arith.mulf %get3A_580, %mul3A_582 : vector<16xf32>
        %swap3A_584 = arith.index_cast %scan3A_504 : i32 to index
        %swap3A_585 = arith.constant 96 : index
        %swap3A_586 = tpu.vector_load %arg9[%swap3A_584, %swap3A_585] {strides = array<i32>} : memref<128x128xf32, #tpu.memory_space<vmem>>, vector<1x16xf32>,
        %swap3A_587 = vector.shape_cast %swap3A_586 : vector<1x16xf32> to vector<16xf32>
        %swap3A_588 = vector.shape_cast %mul3A_583 : vector<16xf32> to vector<1x16xf32>
        tpu.vector_store %arg9[%swap3A_584, %swap3A_585], %swap3A_588 {strides = array<i32>} : memref<128x128xf32, #tpu.memory_space<vmem>>, vector<1x16xf32>,
        %get3A_589 = arith.index_cast %scan3A_504 : i32 to index
        %get3A_590 = arith.constant 112 : index
        %get3A_591 = tpu.vector_load %arg9[%get3A_589, %get3A_590] {strides = array<i32>} : memref<128x128xf32, #tpu.memory_space<vmem>>, vector<1x16xf32>,
        %get3A_592 = vector.shape_cast %get3A_591 : vector<1x16xf32> to vector<16xf32>
        %mul3A_593 = arith.constant 11.3137083 : f32
        %mul3A_594 = vector.broadcast %mul3A_593 : f32 to vector<16xf32>
        %mul3A_595 = arith.mulf %get3A_592, %mul3A_594 : vector<16xf32>
        %swap3A_596 = arith.index_cast %scan3A_504 : i32 to index
        %swap3A_597 = arith.constant 112 : index
        %swap3A_598 = tpu.vector_load %arg9[%swap3A_596, %swap3A_597] {strides = array<i32>} : memref<128x128xf32, #tpu.memory_space<vmem>>, vector<1x16xf32>,
        %swap3A_599 = vector.shape_cast %swap3A_598 : vector<1x16xf32> to vector<16xf32>
        %swap3A_600 = vector.shape_cast %mul3A_595 : vector<16xf32> to vector<1x16xf32>
        tpu.vector_store %arg9[%swap3A_596, %swap3A_597], %swap3A_600 {strides = array<i32>} : memref<128x128xf32, #tpu.memory_space<vmem>>, vector<1x16xf32>,
        %scan3A_601 = arith.constant 0 : i32
        scf.yield %scan3A_601 : i32
      }
      %scan3A_163 = arith.constant 128 : i32
      %dma_start3A_164 = arith.constant 0 : i32
      %dma_start3A_165 = tpu.memref_slice %arg4[%add3A_150, %mul3A_2, %dma_start3A_164] : memref<50x4096x128xf32, #tpu.memory_space<hbm>> -> memref<1x128x128xf32, #tpu.memory_space<hbm>>
      %dma_start3A_166 = tpu.memref_squeeze %dma_start3A_165 : memref<1x128x128xf32, #tpu.memory_space<hbm>> -> memref<128x128xf32, #tpu.memory_space<hbm>>
      %dma_start3A_167 = arith.constant 0 : i32
      %dma_start3A_168 = tpu.memref_slice %arg4[%add3A_150, %mul3A_2, %dma_start3A_167] : memref<50x4096x128xf32, #tpu.memory_space<hbm>> -> memref<1x128x128xf32, #tpu.memory_space<hbm>>
      %dma_start3A_169 = tpu.memref_squeeze %dma_start3A_168 : memref<1x128x128xf32, #tpu.memory_space<hbm>> -> memref<128x128xf32, #tpu.memory_space<hbm>>
      tpu.enqueue_dma source(%arg9 : memref<128x128xf32, #tpu.memory_space<vmem>>) target(%dma_start3A_169 : memref<128x128xf32, #tpu.memory_space<hbm>>) target_semaphore(%arg19 : memref<!tpu.dma_semaphore, #tpu.memory_space<semaphore_mem>>)
      %add3A_170 = arith.constant 3 : i32
      %add3A_171 = arith.addi %add3A_150, %add3A_170 : i32
      %lt3A_172 = arith.constant 50 : i32
      %lt3A_173 = arith.cmpi slt, %add3A_171, %lt3A_172 : i32
      %convert_element_type3A_174 = arith.extui %lt3A_173 : i1 to i32
      %cond3A_175 = arith.constant 0 : i32
      %cond3A_176 = arith.cmpi ne, %convert_element_type3A_174, %cond3A_175 : i32
      scf.if %cond3A_176 {
        %ge3A = arith.constant 2 : i32
        %ge3A_208 = arith.cmpi sge, %add3A_150, %ge3A : i32
        %convert_element_type3A_209 = arith.extui %ge3A_208 : i1 to i32
        %cond3A_210 = arith.constant 0 : i32
        %cond3A_211 = arith.cmpi ne, %convert_element_type3A_209, %cond3A_210 : i32
        scf.if %cond3A_211 {
          %dma_wait3A_220 = arith.constant 0 : i32
          %dma_wait3A_221 = arith.constant 0 : i32
          %dma_wait3A_222 = tpu.memref_slice %arg3[%dma_wait3A_220, %dma_wait3A_221] : memref<100000x128xf32, #tpu.memory_space<hbm>> -> memref<128x128xf32, #tpu.memory_space<hbm>>
          %dma_wait3A_223 = arith.constant 0 : i32
          %dma_wait3A_224 = arith.constant 0 : i32
          %dma_wait3A_225 = tpu.memref_slice %arg3[%dma_wait3A_223, %dma_wait3A_224] : memref<100000x128xf32, #tpu.memory_space<hbm>> -> memref<128x128xf32, #tpu.memory_space<hbm>>
          tpu.wait_dma2 semaphore(%arg17 : memref<!tpu.dma_semaphore, #tpu.memory_space<semaphore_mem>>) src(%dma_wait3A_225 : memref<128x128xf32, #tpu.memory_space<hbm>>) dst(%arg7 : memref<128x128xf32, #tpu.memory_space<vmem>>)
        } else {
        }
        %add3A_212 = arith.constant 3 : i32
        %add3A_213 = arith.addi %add3A_150, %add3A_212 : i32
        %dma_start3A_214 = arith.constant 0 : i32
        %dma_start3A_215 = tpu.memref_slice %arg5[%add3A_213, %dma_start3A_214] : memref<50x128xi32, #tpu.memory_space<vmem>> -> memref<1x128xi32, #tpu.memory_space<vmem>>
        %dma_start3A_216 = tpu.memref_squeeze %dma_start3A_215 : memref<1x128xi32, #tpu.memory_space<vmem>> -> memref<128xi32, #tpu.memory_space<vmem>>
        %dma_start3A_217 = arith.constant 0 : i32
        %dma_start3A_218 = arith.constant 0 : i32
        %dma_start3A_219 = tpu.memref_slice %arg3[%dma_start3A_217, %dma_start3A_218] : memref<100000x128xf32, #tpu.memory_space<hbm>> -> memref<100000x128xf32, #tpu.memory_space<hbm>>
        tpu.enqueue_indirect_dma source(%dma_start3A_219 : memref<100000x128xf32, #tpu.memory_space<hbm>>) target(%arg7 : memref<128x128xf32, #tpu.memory_space<vmem>>) offsets(%dma_start3A_216 : memref<128xi32, #tpu.memory_space<vmem>>) semaphore(%arg12 : memref<!tpu.dma_semaphore, #tpu.memory_space<semaphore_mem>>)
      } else {
      }
      %mul3A_177 = arith.constant 5 : i32
      %mul3A_178 = arith.muli %scan3A_58, %mul3A_177 : i32
      %add3A_179 = arith.constant 4 : i32
      %add3A_180 = arith.addi %mul3A_178, %add3A_179 : i32
      %dma_wait3A_181 = arith.constant 0 : i32
      %dma_wait3A_182 = arith.constant 0 : i32
      %dma_wait3A_183 = tpu.memref_slice %arg3[%dma_wait3A_181, %dma_wait3A_182] : memref<100000x128xf32, #tpu.memory_space<hbm>> -> memref<128x128xf32, #tpu.memory_space<hbm>>
      %dma_wait3A_184 = arith.constant 0 : i32
      %dma_wait3A_185 = arith.constant 0 : i32
      %dma_wait3A_186 = tpu.memref_slice %arg3[%dma_wait3A_184, %dma_wait3A_185] : memref<100000x128xf32, #tpu.memory_space<hbm>> -> memref<128x128xf32, #tpu.memory_space<hbm>>
      tpu.wait_dma2 semaphore(%arg15 : memref<!tpu.dma_semaphore, #tpu.memory_space<semaphore_mem>>) src(%dma_wait3A_186 : memref<128x128xf32, #tpu.memory_space<hbm>>) dst(%arg10 : memref<128x128xf32, #tpu.memory_space<vmem>>)
      %scan3A_187 = arith.constant 0 : i32
      %scan3A_188 = arith.constant 0 : i32
      %scan3A_189 = arith.constant 128 : i32
      %scan3A_190 = arith.addi %scan3A_188, %scan3A_189 : i32
      %scan3A_191 = arith.constant 4 : i32
      %scan3A_192 = scf.for %scan3A_208 = %scan3A_188 to %scan3A_190 step %scan3A_191 iter_args(%scan3A_209 = %scan3A_187) -> (i32)  : i32 {
        %get3A = arith.index_cast %scan3A_208 : i32 to index
        %get3A_210 = arith.constant 0 : index
        %get3A_211 = tpu.vector_load %arg10[%get3A, %get3A_210] {strides = array<i32>} : memref<128x128xf32, #tpu.memory_space<vmem>>, vector<1x16xf32>,
        %get3A_212 = vector.shape_cast %get3A_211 : vector<1x16xf32> to vector<16xf32>
        %mul3A_213 = arith.constant 11.3137083 : f32
        %mul3A_214 = vector.broadcast %mul3A_213 : f32 to vector<16xf32>
        %mul3A_215 = arith.mulf %get3A_212, %mul3A_214 : vector<16xf32>
        %swap3A = arith.index_cast %scan3A_208 : i32 to index
        %swap3A_216 = arith.constant 0 : index
        %swap3A_217 = tpu.vector_load %arg10[%swap3A, %swap3A_216] {strides = array<i32>} : memref<128x128xf32, #tpu.memory_space<vmem>>, vector<1x16xf32>,
        %swap3A_218 = vector.shape_cast %swap3A_217 : vector<1x16xf32> to vector<16xf32>
        %swap3A_219 = vector.shape_cast %mul3A_215 : vector<16xf32> to vector<1x16xf32>
        tpu.vector_store %arg10[%swap3A, %swap3A_216], %swap3A_219 {strides = array<i32>} : memref<128x128xf32, #tpu.memory_space<vmem>>, vector<1x16xf32>,
        %get3A_220 = arith.index_cast %scan3A_208 : i32 to index
        %get3A_221 = arith.constant 16 : index
        %get3A_222 = tpu.vector_load %arg10[%get3A_220, %get3A_221] {strides = array<i32>} : memref<128x128xf32, #tpu.memory_space<vmem>>, vector<1x16xf32>,
        %get3A_223 = vector.shape_cast %get3A_222 : vector<1x16xf32> to vector<16xf32>
        %mul3A_224 = arith.constant 11.3137083 : f32
        %mul3A_225 = vector.broadcast %mul3A_224 : f32 to vector<16xf32>
        %mul3A_226 = arith.mulf %get3A_223, %mul3A_225 : vector<16xf32>
        %swap3A_227 = arith.index_cast %scan3A_208 : i32 to index
        %swap3A_228 = arith.constant 16 : index
        %swap3A_229 = tpu.vector_load %arg10[%swap3A_227, %swap3A_228] {strides = array<i32>} : memref<128x128xf32, #tpu.memory_space<vmem>>, vector<1x16xf32>,
        %swap3A_230 = vector.shape_cast %swap3A_229 : vector<1x16xf32> to vector<16xf32>
        %swap3A_231 = vector.shape_cast %mul3A_226 : vector<16xf32> to vector<1x16xf32>
        tpu.vector_store %arg10[%swap3A_227, %swap3A_228], %swap3A_231 {strides = array<i32>} : memref<128x128xf32, #tpu.memory_space<vmem>>, vector<1x16xf32>,
        %get3A_232 = arith.index_cast %scan3A_208 : i32 to index
        %get3A_233 = arith.constant 32 : index
        %get3A_234 = tpu.vector_load %arg10[%get3A_232, %get3A_233] {strides = array<i32>} : memref<128x128xf32, #tpu.memory_space<vmem>>, vector<1x16xf32>,
        %get3A_235 = vector.shape_cast %get3A_234 : vector<1x16xf32> to vector<16xf32>
        %mul3A_236 = arith.constant 11.3137083 : f32
        %mul3A_237 = vector.broadcast %mul3A_236 : f32 to vector<16xf32>
        %mul3A_238 = arith.mulf %get3A_235, %mul3A_237 : vector<16xf32>
        %swap3A_239 = arith.index_cast %scan3A_208 : i32 to index
        %swap3A_240 = arith.constant 32 : index
        %swap3A_241 = tpu.vector_load %arg10[%swap3A_239, %swap3A_240] {strides = array<i32>} : memref<128x128xf32, #tpu.memory_space<vmem>>, vector<1x16xf32>,
        %swap3A_242 = vector.shape_cast %swap3A_241 : vector<1x16xf32> to vector<16xf32>
        %swap3A_243 = vector.shape_cast %mul3A_238 : vector<16xf32> to vector<1x16xf32>
        tpu.vector_store %arg10[%swap3A_239, %swap3A_240], %swap3A_243 {strides = array<i32>} : memref<128x128xf32, #tpu.memory_space<vmem>>, vector<1x16xf32>,
        %get3A_244 = arith.index_cast %scan3A_208 : i32 to index
        %get3A_245 = arith.constant 48 : index
        %get3A_246 = tpu.vector_load %arg10[%get3A_244, %get3A_245] {strides = array<i32>} : memref<128x128xf32, #tpu.memory_space<vmem>>, vector<1x16xf32>,
        %get3A_247 = vector.shape_cast %get3A_246 : vector<1x16xf32> to vector<16xf32>
        %mul3A_248 = arith.constant 11.3137083 : f32
        %mul3A_249 = vector.broadcast %mul3A_248 : f32 to vector<16xf32>
        %mul3A_250 = arith.mulf %get3A_247, %mul3A_249 : vector<16xf32>
        %swap3A_251 = arith.index_cast %scan3A_208 : i32 to index
        %swap3A_252 = arith.constant 48 : index
        %swap3A_253 = tpu.vector_load %arg10[%swap3A_251, %swap3A_252] {strides = array<i32>} : memref<128x128xf32, #tpu.memory_space<vmem>>, vector<1x16xf32>,
        %swap3A_254 = vector.shape_cast %swap3A_253 : vector<1x16xf32> to vector<16xf32>
        %swap3A_255 = vector.shape_cast %mul3A_250 : vector<16xf32> to vector<1x16xf32>
        tpu.vector_store %arg10[%swap3A_251, %swap3A_252], %swap3A_255 {strides = array<i32>} : memref<128x128xf32, #tpu.memory_space<vmem>>, vector<1x16xf32>,
        %get3A_256 = arith.index_cast %scan3A_208 : i32 to index
        %get3A_257 = arith.constant 64 : index
        %get3A_258 = tpu.vector_load %arg10[%get3A_256, %get3A_257] {strides = array<i32>} : memref<128x128xf32, #tpu.memory_space<vmem>>, vector<1x16xf32>,
        %get3A_259 = vector.shape_cast %get3A_258 : vector<1x16xf32> to vector<16xf32>
        %mul3A_260 = arith.constant 11.3137083 : f32
        %mul3A_261 = vector.broadcast %mul3A_260 : f32 to vector<16xf32>
        %mul3A_262 = arith.mulf %get3A_259, %mul3A_261 : vector<16xf32>
        %swap3A_263 = arith.index_cast %scan3A_208 : i32 to index
        %swap3A_264 = arith.constant 64 : index
        %swap3A_265 = tpu.vector_load %arg10[%swap3A_263, %swap3A_264] {strides = array<i32>} : memref<128x128xf32, #tpu.memory_space<vmem>>, vector<1x16xf32>,
        %swap3A_266 = vector.shape_cast %swap3A_265 : vector<1x16xf32> to vector<16xf32>
        %swap3A_267 = vector.shape_cast %mul3A_262 : vector<16xf32> to vector<1x16xf32>
        tpu.vector_store %arg10[%swap3A_263, %swap3A_264], %swap3A_267 {strides = array<i32>} : memref<128x128xf32, #tpu.memory_space<vmem>>, vector<1x16xf32>,
        %get3A_268 = arith.index_cast %scan3A_208 : i32 to index
        %get3A_269 = arith.constant 80 : index
        %get3A_270 = tpu.vector_load %arg10[%get3A_268, %get3A_269] {strides = array<i32>} : memref<128x128xf32, #tpu.memory_space<vmem>>, vector<1x16xf32>,
        %get3A_271 = vector.shape_cast %get3A_270 : vector<1x16xf32> to vector<16xf32>
        %mul3A_272 = arith.constant 11.3137083 : f32
        %mul3A_273 = vector.broadcast %mul3A_272 : f32 to vector<16xf32>
        %mul3A_274 = arith.mulf %get3A_271, %mul3A_273 : vector<16xf32>
        %swap3A_275 = arith.index_cast %scan3A_208 : i32 to index
        %swap3A_276 = arith.constant 80 : index
        %swap3A_277 = tpu.vector_load %arg10[%swap3A_275, %swap3A_276] {strides = array<i32>} : memref<128x128xf32, #tpu.memory_space<vmem>>, vector<1x16xf32>,
        %swap3A_278 = vector.shape_cast %swap3A_277 : vector<1x16xf32> to vector<16xf32>
        %swap3A_279 = vector.shape_cast %mul3A_274 : vector<16xf32> to vector<1x16xf32>
        tpu.vector_store %arg10[%swap3A_275, %swap3A_276], %swap3A_279 {strides = array<i32>} : memref<128x128xf32, #tpu.memory_space<vmem>>, vector<1x16xf32>,
        %get3A_280 = arith.index_cast %scan3A_208 : i32 to index
        %get3A_281 = arith.constant 96 : index
        %get3A_282 = tpu.vector_load %arg10[%get3A_280, %get3A_281] {strides = array<i32>} : memref<128x128xf32, #tpu.memory_space<vmem>>, vector<1x16xf32>,
        %get3A_283 = vector.shape_cast %get3A_282 : vector<1x16xf32> to vector<16xf32>
        %mul3A_284 = arith.constant 11.3137083 : f32
        %mul3A_285 = vector.broadcast %mul3A_284 : f32 to vector<16xf32>
        %mul3A_286 = arith.mulf %get3A_283, %mul3A_285 : vector<16xf32>
        %swap3A_287 = arith.index_cast %scan3A_208 : i32 to index
        %swap3A_288 = arith.constant 96 : index
        %swap3A_289 = tpu.vector_load %arg10[%swap3A_287, %swap3A_288] {strides = array<i32>} : memref<128x128xf32, #tpu.memory_space<vmem>>, vector<1x16xf32>,
        %swap3A_290 = vector.shape_cast %swap3A_289 : vector<1x16xf32> to vector<16xf32>
        %swap3A_291 = vector.shape_cast %mul3A_286 : vector<16xf32> to vector<1x16xf32>
        tpu.vector_store %arg10[%swap3A_287, %swap3A_288], %swap3A_291 {strides = array<i32>} : memref<128x128xf32, #tpu.memory_space<vmem>>, vector<1x16xf32>,
        %get3A_292 = arith.index_cast %scan3A_208 : i32 to index
        %get3A_293 = arith.constant 112 : index
        %get3A_294 = tpu.vector_load %arg10[%get3A_292, %get3A_293] {strides = array<i32>} : memref<128x128xf32, #tpu.memory_space<vmem>>, vector<1x16xf32>,
        %get3A_295 = vector.shape_cast %get3A_294 : vector<1x16xf32> to vector<16xf32>
        %mul3A_296 = arith.constant 11.3137083 : f32
        %mul3A_297 = vector.broadcast %mul3A_296 : f32 to vector<16xf32>
        %mul3A_298 = arith.mulf %get3A_295, %mul3A_297 : vector<16xf32>
        %swap3A_299 = arith.index_cast %scan3A_208 : i32 to index
        %swap3A_300 = arith.constant 112 : index
        %swap3A_301 = tpu.vector_load %arg10[%swap3A_299, %swap3A_300] {strides = array<i32>} : memref<128x128xf32, #tpu.memory_space<vmem>>, vector<1x16xf32>,
        %swap3A_302 = vector.shape_cast %swap3A_301 : vector<1x16xf32> to vector<16xf32>
        %swap3A_303 = vector.shape_cast %mul3A_298 : vector<16xf32> to vector<1x16xf32>
        tpu.vector_store %arg10[%swap3A_299, %swap3A_300], %swap3A_303 {strides = array<i32>} : memref<128x128xf32, #tpu.memory_space<vmem>>, vector<1x16xf32>,
        %scan3A_304 = arith.constant 0 : i32
        %scan3A_305 = arith.constant 1 : i32
        %scan3A_306 = arith.addi %scan3A_208, %scan3A_305 : i32
        %get3A_307 = arith.index_cast %scan3A_306 : i32 to index
        %get3A_308 = arith.constant 0 : index
        %get3A_309 = tpu.vector_load %arg10[%get3A_307, %get3A_308] {strides = array<i32>} : memref<128x128xf32, #tpu.memory_space<vmem>>, vector<1x16xf32>,
        %get3A_310 = vector.shape_cast %get3A_309 : vector<1x16xf32> to vector<16xf32>
        %mul3A_311 = arith.constant 11.3137083 : f32
        %mul3A_312 = vector.broadcast %mul3A_311 : f32 to vector<16xf32>
        %mul3A_313 = arith.mulf %get3A_310, %mul3A_312 : vector<16xf32>
        %swap3A_314 = arith.index_cast %scan3A_306 : i32 to index
        %swap3A_315 = arith.constant 0 : index
        %swap3A_316 = tpu.vector_load %arg10[%swap3A_314, %swap3A_315] {strides = array<i32>} : memref<128x128xf32, #tpu.memory_space<vmem>>, vector<1x16xf32>,
        %swap3A_317 = vector.shape_cast %swap3A_316 : vector<1x16xf32> to vector<16xf32>
        %swap3A_318 = vector.shape_cast %mul3A_313 : vector<16xf32> to vector<1x16xf32>
        tpu.vector_store %arg10[%swap3A_314, %swap3A_315], %swap3A_318 {strides = array<i32>} : memref<128x128xf32, #tpu.memory_space<vmem>>, vector<1x16xf32>,
        %get3A_319 = arith.index_cast %scan3A_306 : i32 to index
        %get3A_320 = arith.constant 16 : index
        %get3A_321 = tpu.vector_load %arg10[%get3A_319, %get3A_320] {strides = array<i32>} : memref<128x128xf32, #tpu.memory_space<vmem>>, vector<1x16xf32>,
        %get3A_322 = vector.shape_cast %get3A_321 : vector<1x16xf32> to vector<16xf32>
        %mul3A_323 = arith.constant 11.3137083 : f32
        %mul3A_324 = vector.broadcast %mul3A_323 : f32 to vector<16xf32>
        %mul3A_325 = arith.mulf %get3A_322, %mul3A_324 : vector<16xf32>
        %swap3A_326 = arith.index_cast %scan3A_306 : i32 to index
        %swap3A_327 = arith.constant 16 : index
        %swap3A_328 = tpu.vector_load %arg10[%swap3A_326, %swap3A_327] {strides = array<i32>} : memref<128x128xf32, #tpu.memory_space<vmem>>, vector<1x16xf32>,
        %swap3A_329 = vector.shape_cast %swap3A_328 : vector<1x16xf32> to vector<16xf32>
        %swap3A_330 = vector.shape_cast %mul3A_325 : vector<16xf32> to vector<1x16xf32>
        tpu.vector_store %arg10[%swap3A_326, %swap3A_327], %swap3A_330 {strides = array<i32>} : memref<128x128xf32, #tpu.memory_space<vmem>>, vector<1x16xf32>,
        %get3A_331 = arith.index_cast %scan3A_306 : i32 to index
        %get3A_332 = arith.constant 32 : index
        %get3A_333 = tpu.vector_load %arg10[%get3A_331, %get3A_332] {strides = array<i32>} : memref<128x128xf32, #tpu.memory_space<vmem>>, vector<1x16xf32>,
        %get3A_334 = vector.shape_cast %get3A_333 : vector<1x16xf32> to vector<16xf32>
        %mul3A_335 = arith.constant 11.3137083 : f32
        %mul3A_336 = vector.broadcast %mul3A_335 : f32 to vector<16xf32>
        %mul3A_337 = arith.mulf %get3A_334, %mul3A_336 : vector<16xf32>
        %swap3A_338 = arith.index_cast %scan3A_306 : i32 to index
        %swap3A_339 = arith.constant 32 : index
        %swap3A_340 = tpu.vector_load %arg10[%swap3A_338, %swap3A_339] {strides = array<i32>} : memref<128x128xf32, #tpu.memory_space<vmem>>, vector<1x16xf32>,
        %swap3A_341 = vector.shape_cast %swap3A_340 : vector<1x16xf32> to vector<16xf32>
        %swap3A_342 = vector.shape_cast %mul3A_337 : vector<16xf32> to vector<1x16xf32>
        tpu.vector_store %arg10[%swap3A_338, %swap3A_339], %swap3A_342 {strides = array<i32>} : memref<128x128xf32, #tpu.memory_space<vmem>>, vector<1x16xf32>,
        %get3A_343 = arith.index_cast %scan3A_306 : i32 to index
        %get3A_344 = arith.constant 48 : index
        %get3A_345 = tpu.vector_load %arg10[%get3A_343, %get3A_344] {strides = array<i32>} : memref<128x128xf32, #tpu.memory_space<vmem>>, vector<1x16xf32>,
        %get3A_346 = vector.shape_cast %get3A_345 : vector<1x16xf32> to vector<16xf32>
        %mul3A_347 = arith.constant 11.3137083 : f32
        %mul3A_348 = vector.broadcast %mul3A_347 : f32 to vector<16xf32>
        %mul3A_349 = arith.mulf %get3A_346, %mul3A_348 : vector<16xf32>
        %swap3A_350 = arith.index_cast %scan3A_306 : i32 to index
        %swap3A_351 = arith.constant 48 : index
        %swap3A_352 = tpu.vector_load %arg10[%swap3A_350, %swap3A_351] {strides = array<i32>} : memref<128x128xf32, #tpu.memory_space<vmem>>, vector<1x16xf32>,
        %swap3A_353 = vector.shape_cast %swap3A_352 : vector<1x16xf32> to vector<16xf32>
        %swap3A_354 = vector.shape_cast %mul3A_349 : vector<16xf32> to vector<1x16xf32>
        tpu.vector_store %arg10[%swap3A_350, %swap3A_351], %swap3A_354 {strides = array<i32>} : memref<128x128xf32, #tpu.memory_space<vmem>>, vector<1x16xf32>,
        %get3A_355 = arith.index_cast %scan3A_306 : i32 to index
        %get3A_356 = arith.constant 64 : index
        %get3A_357 = tpu.vector_load %arg10[%get3A_355, %get3A_356] {strides = array<i32>} : memref<128x128xf32, #tpu.memory_space<vmem>>, vector<1x16xf32>,
        %get3A_358 = vector.shape_cast %get3A_357 : vector<1x16xf32> to vector<16xf32>
        %mul3A_359 = arith.constant 11.3137083 : f32
        %mul3A_360 = vector.broadcast %mul3A_359 : f32 to vector<16xf32>
        %mul3A_361 = arith.mulf %get3A_358, %mul3A_360 : vector<16xf32>
        %swap3A_362 = arith.index_cast %scan3A_306 : i32 to index
        %swap3A_363 = arith.constant 64 : index
        %swap3A_364 = tpu.vector_load %arg10[%swap3A_362, %swap3A_363] {strides = array<i32>} : memref<128x128xf32, #tpu.memory_space<vmem>>, vector<1x16xf32>,
        %swap3A_365 = vector.shape_cast %swap3A_364 : vector<1x16xf32> to vector<16xf32>
        %swap3A_366 = vector.shape_cast %mul3A_361 : vector<16xf32> to vector<1x16xf32>
        tpu.vector_store %arg10[%swap3A_362, %swap3A_363], %swap3A_366 {strides = array<i32>} : memref<128x128xf32, #tpu.memory_space<vmem>>, vector<1x16xf32>,
        %get3A_367 = arith.index_cast %scan3A_306 : i32 to index
        %get3A_368 = arith.constant 80 : index
        %get3A_369 = tpu.vector_load %arg10[%get3A_367, %get3A_368] {strides = array<i32>} : memref<128x128xf32, #tpu.memory_space<vmem>>, vector<1x16xf32>,
        %get3A_370 = vector.shape_cast %get3A_369 : vector<1x16xf32> to vector<16xf32>
        %mul3A_371 = arith.constant 11.3137083 : f32
        %mul3A_372 = vector.broadcast %mul3A_371 : f32 to vector<16xf32>
        %mul3A_373 = arith.mulf %get3A_370, %mul3A_372 : vector<16xf32>
        %swap3A_374 = arith.index_cast %scan3A_306 : i32 to index
        %swap3A_375 = arith.constant 80 : index
        %swap3A_376 = tpu.vector_load %arg10[%swap3A_374, %swap3A_375] {strides = array<i32>} : memref<128x128xf32, #tpu.memory_space<vmem>>, vector<1x16xf32>,
        %swap3A_377 = vector.shape_cast %swap3A_376 : vector<1x16xf32> to vector<16xf32>
        %swap3A_378 = vector.shape_cast %mul3A_373 : vector<16xf32> to vector<1x16xf32>
        tpu.vector_store %arg10[%swap3A_374, %swap3A_375], %swap3A_378 {strides = array<i32>} : memref<128x128xf32, #tpu.memory_space<vmem>>, vector<1x16xf32>,
        %get3A_379 = arith.index_cast %scan3A_306 : i32 to index
        %get3A_380 = arith.constant 96 : index
        %get3A_381 = tpu.vector_load %arg10[%get3A_379, %get3A_380] {strides = array<i32>} : memref<128x128xf32, #tpu.memory_space<vmem>>, vector<1x16xf32>,
        %get3A_382 = vector.shape_cast %get3A_381 : vector<1x16xf32> to vector<16xf32>
        %mul3A_383 = arith.constant 11.3137083 : f32
        %mul3A_384 = vector.broadcast %mul3A_383 : f32 to vector<16xf32>
        %mul3A_385 = arith.mulf %get3A_382, %mul3A_384 : vector<16xf32>
        %swap3A_386 = arith.index_cast %scan3A_306 : i32 to index
        %swap3A_387 = arith.constant 96 : index
        %swap3A_388 = tpu.vector_load %arg10[%swap3A_386, %swap3A_387] {strides = array<i32>} : memref<128x128xf32, #tpu.memory_space<vmem>>, vector<1x16xf32>,
        %swap3A_389 = vector.shape_cast %swap3A_388 : vector<1x16xf32> to vector<16xf32>
        %swap3A_390 = vector.shape_cast %mul3A_385 : vector<16xf32> to vector<1x16xf32>
        tpu.vector_store %arg10[%swap3A_386, %swap3A_387], %swap3A_390 {strides = array<i32>} : memref<128x128xf32, #tpu.memory_space<vmem>>, vector<1x16xf32>,
        %get3A_391 = arith.index_cast %scan3A_306 : i32 to index
        %get3A_392 = arith.constant 112 : index
        %get3A_393 = tpu.vector_load %arg10[%get3A_391, %get3A_392] {strides = array<i32>} : memref<128x128xf32, #tpu.memory_space<vmem>>, vector<1x16xf32>,
        %get3A_394 = vector.shape_cast %get3A_393 : vector<1x16xf32> to vector<16xf32>
        %mul3A_395 = arith.constant 11.3137083 : f32
        %mul3A_396 = vector.broadcast %mul3A_395 : f32 to vector<16xf32>
        %mul3A_397 = arith.mulf %get3A_394, %mul3A_396 : vector<16xf32>
        %swap3A_398 = arith.index_cast %scan3A_306 : i32 to index
        %swap3A_399 = arith.constant 112 : index
        %swap3A_400 = tpu.vector_load %arg10[%swap3A_398, %swap3A_399] {strides = array<i32>} : memref<128x128xf32, #tpu.memory_space<vmem>>, vector<1x16xf32>,
        %swap3A_401 = vector.shape_cast %swap3A_400 : vector<1x16xf32> to vector<16xf32>
        %swap3A_402 = vector.shape_cast %mul3A_397 : vector<16xf32> to vector<1x16xf32>
        tpu.vector_store %arg10[%swap3A_398, %swap3A_399], %swap3A_402 {strides = array<i32>} : memref<128x128xf32, #tpu.memory_space<vmem>>, vector<1x16xf32>,
        %scan3A_403 = arith.constant 0 : i32
        %scan3A_404 = arith.constant 2 : i32
        %scan3A_405 = arith.addi %scan3A_208, %scan3A_404 : i32
        %get3A_406 = arith.index_cast %scan3A_405 : i32 to index
        %get3A_407 = arith.constant 0 : index
        %get3A_408 = tpu.vector_load %arg10[%get3A_406, %get3A_407] {strides = array<i32>} : memref<128x128xf32, #tpu.memory_space<vmem>>, vector<1x16xf32>,
        %get3A_409 = vector.shape_cast %get3A_408 : vector<1x16xf32> to vector<16xf32>
        %mul3A_410 = arith.constant 11.3137083 : f32
        %mul3A_411 = vector.broadcast %mul3A_410 : f32 to vector<16xf32>
        %mul3A_412 = arith.mulf %get3A_409, %mul3A_411 : vector<16xf32>
        %swap3A_413 = arith.index_cast %scan3A_405 : i32 to index
        %swap3A_414 = arith.constant 0 : index
        %swap3A_415 = tpu.vector_load %arg10[%swap3A_413, %swap3A_414] {strides = array<i32>} : memref<128x128xf32, #tpu.memory_space<vmem>>, vector<1x16xf32>,
        %swap3A_416 = vector.shape_cast %swap3A_415 : vector<1x16xf32> to vector<16xf32>
        %swap3A_417 = vector.shape_cast %mul3A_412 : vector<16xf32> to vector<1x16xf32>
        tpu.vector_store %arg10[%swap3A_413, %swap3A_414], %swap3A_417 {strides = array<i32>} : memref<128x128xf32, #tpu.memory_space<vmem>>, vector<1x16xf32>,
        %get3A_418 = arith.index_cast %scan3A_405 : i32 to index
        %get3A_419 = arith.constant 16 : index
        %get3A_420 = tpu.vector_load %arg10[%get3A_418, %get3A_419] {strides = array<i32>} : memref<128x128xf32, #tpu.memory_space<vmem>>, vector<1x16xf32>,
        %get3A_421 = vector.shape_cast %get3A_420 : vector<1x16xf32> to vector<16xf32>
        %mul3A_422 = arith.constant 11.3137083 : f32
        %mul3A_423 = vector.broadcast %mul3A_422 : f32 to vector<16xf32>
        %mul3A_424 = arith.mulf %get3A_421, %mul3A_423 : vector<16xf32>
        %swap3A_425 = arith.index_cast %scan3A_405 : i32 to index
        %swap3A_426 = arith.constant 16 : index
        %swap3A_427 = tpu.vector_load %arg10[%swap3A_425, %swap3A_426] {strides = array<i32>} : memref<128x128xf32, #tpu.memory_space<vmem>>, vector<1x16xf32>,
        %swap3A_428 = vector.shape_cast %swap3A_427 : vector<1x16xf32> to vector<16xf32>
        %swap3A_429 = vector.shape_cast %mul3A_424 : vector<16xf32> to vector<1x16xf32>
        tpu.vector_store %arg10[%swap3A_425, %swap3A_426], %swap3A_429 {strides = array<i32>} : memref<128x128xf32, #tpu.memory_space<vmem>>, vector<1x16xf32>,
        %get3A_430 = arith.index_cast %scan3A_405 : i32 to index
        %get3A_431 = arith.constant 32 : index
        %get3A_432 = tpu.vector_load %arg10[%get3A_430, %get3A_431] {strides = array<i32>} : memref<128x128xf32, #tpu.memory_space<vmem>>, vector<1x16xf32>,
        %get3A_433 = vector.shape_cast %get3A_432 : vector<1x16xf32> to vector<16xf32>
        %mul3A_434 = arith.constant 11.3137083 : f32
        %mul3A_435 = vector.broadcast %mul3A_434 : f32 to vector<16xf32>
        %mul3A_436 = arith.mulf %get3A_433, %mul3A_435 : vector<16xf32>
        %swap3A_437 = arith.index_cast %scan3A_405 : i32 to index
        %swap3A_438 = arith.constant 32 : index
        %swap3A_439 = tpu.vector_load %arg10[%swap3A_437, %swap3A_438] {strides = array<i32>} : memref<128x128xf32, #tpu.memory_space<vmem>>, vector<1x16xf32>,
        %swap3A_440 = vector.shape_cast %swap3A_439 : vector<1x16xf32> to vector<16xf32>
        %swap3A_441 = vector.shape_cast %mul3A_436 : vector<16xf32> to vector<1x16xf32>
        tpu.vector_store %arg10[%swap3A_437, %swap3A_438], %swap3A_441 {strides = array<i32>} : memref<128x128xf32, #tpu.memory_space<vmem>>, vector<1x16xf32>,
        %get3A_442 = arith.index_cast %scan3A_405 : i32 to index
        %get3A_443 = arith.constant 48 : index
        %get3A_444 = tpu.vector_load %arg10[%get3A_442, %get3A_443] {strides = array<i32>} : memref<128x128xf32, #tpu.memory_space<vmem>>, vector<1x16xf32>,
        %get3A_445 = vector.shape_cast %get3A_444 : vector<1x16xf32> to vector<16xf32>
        %mul3A_446 = arith.constant 11.3137083 : f32
        %mul3A_447 = vector.broadcast %mul3A_446 : f32 to vector<16xf32>
        %mul3A_448 = arith.mulf %get3A_445, %mul3A_447 : vector<16xf32>
        %swap3A_449 = arith.index_cast %scan3A_405 : i32 to index
        %swap3A_450 = arith.constant 48 : index
        %swap3A_451 = tpu.vector_load %arg10[%swap3A_449, %swap3A_450] {strides = array<i32>} : memref<128x128xf32, #tpu.memory_space<vmem>>, vector<1x16xf32>,
        %swap3A_452 = vector.shape_cast %swap3A_451 : vector<1x16xf32> to vector<16xf32>
        %swap3A_453 = vector.shape_cast %mul3A_448 : vector<16xf32> to vector<1x16xf32>
        tpu.vector_store %arg10[%swap3A_449, %swap3A_450], %swap3A_453 {strides = array<i32>} : memref<128x128xf32, #tpu.memory_space<vmem>>, vector<1x16xf32>,
        %get3A_454 = arith.index_cast %scan3A_405 : i32 to index
        %get3A_455 = arith.constant 64 : index
        %get3A_456 = tpu.vector_load %arg10[%get3A_454, %get3A_455] {strides = array<i32>} : memref<128x128xf32, #tpu.memory_space<vmem>>, vector<1x16xf32>,
        %get3A_457 = vector.shape_cast %get3A_456 : vector<1x16xf32> to vector<16xf32>
        %mul3A_458 = arith.constant 11.3137083 : f32
        %mul3A_459 = vector.broadcast %mul3A_458 : f32 to vector<16xf32>
        %mul3A_460 = arith.mulf %get3A_457, %mul3A_459 : vector<16xf32>
        %swap3A_461 = arith.index_cast %scan3A_405 : i32 to index
        %swap3A_462 = arith.constant 64 : index
        %swap3A_463 = tpu.vector_load %arg10[%swap3A_461, %swap3A_462] {strides = array<i32>} : memref<128x128xf32, #tpu.memory_space<vmem>>, vector<1x16xf32>,
        %swap3A_464 = vector.shape_cast %swap3A_463 : vector<1x16xf32> to vector<16xf32>
        %swap3A_465 = vector.shape_cast %mul3A_460 : vector<16xf32> to vector<1x16xf32>
        tpu.vector_store %arg10[%swap3A_461, %swap3A_462], %swap3A_465 {strides = array<i32>} : memref<128x128xf32, #tpu.memory_space<vmem>>, vector<1x16xf32>,
        %get3A_466 = arith.index_cast %scan3A_405 : i32 to index
        %get3A_467 = arith.constant 80 : index
        %get3A_468 = tpu.vector_load %arg10[%get3A_466, %get3A_467] {strides = array<i32>} : memref<128x128xf32, #tpu.memory_space<vmem>>, vector<1x16xf32>,
        %get3A_469 = vector.shape_cast %get3A_468 : vector<1x16xf32> to vector<16xf32>
        %mul3A_470 = arith.constant 11.3137083 : f32
        %mul3A_471 = vector.broadcast %mul3A_470 : f32 to vector<16xf32>
        %mul3A_472 = arith.mulf %get3A_469, %mul3A_471 : vector<16xf32>
        %swap3A_473 = arith.index_cast %scan3A_405 : i32 to index
        %swap3A_474 = arith.constant 80 : index
        %swap3A_475 = tpu.vector_load %arg10[%swap3A_473, %swap3A_474] {strides = array<i32>} : memref<128x128xf32, #tpu.memory_space<vmem>>, vector<1x16xf32>,
        %swap3A_476 = vector.shape_cast %swap3A_475 : vector<1x16xf32> to vector<16xf32>
        %swap3A_477 = vector.shape_cast %mul3A_472 : vector<16xf32> to vector<1x16xf32>
        tpu.vector_store %arg10[%swap3A_473, %swap3A_474], %swap3A_477 {strides = array<i32>} : memref<128x128xf32, #tpu.memory_space<vmem>>, vector<1x16xf32>,
        %get3A_478 = arith.index_cast %scan3A_405 : i32 to index
        %get3A_479 = arith.constant 96 : index
        %get3A_480 = tpu.vector_load %arg10[%get3A_478, %get3A_479] {strides = array<i32>} : memref<128x128xf32, #tpu.memory_space<vmem>>, vector<1x16xf32>,
        %get3A_481 = vector.shape_cast %get3A_480 : vector<1x16xf32> to vector<16xf32>
        %mul3A_482 = arith.constant 11.3137083 : f32
        %mul3A_483 = vector.broadcast %mul3A_482 : f32 to vector<16xf32>
        %mul3A_484 = arith.mulf %get3A_481, %mul3A_483 : vector<16xf32>
        %swap3A_485 = arith.index_cast %scan3A_405 : i32 to index
        %swap3A_486 = arith.constant 96 : index
        %swap3A_487 = tpu.vector_load %arg10[%swap3A_485, %swap3A_486] {strides = array<i32>} : memref<128x128xf32, #tpu.memory_space<vmem>>, vector<1x16xf32>,
        %swap3A_488 = vector.shape_cast %swap3A_487 : vector<1x16xf32> to vector<16xf32>
        %swap3A_489 = vector.shape_cast %mul3A_484 : vector<16xf32> to vector<1x16xf32>
        tpu.vector_store %arg10[%swap3A_485, %swap3A_486], %swap3A_489 {strides = array<i32>} : memref<128x128xf32, #tpu.memory_space<vmem>>, vector<1x16xf32>,
        %get3A_490 = arith.index_cast %scan3A_405 : i32 to index
        %get3A_491 = arith.constant 112 : index
        %get3A_492 = tpu.vector_load %arg10[%get3A_490, %get3A_491] {strides = array<i32>} : memref<128x128xf32, #tpu.memory_space<vmem>>, vector<1x16xf32>,
        %get3A_493 = vector.shape_cast %get3A_492 : vector<1x16xf32> to vector<16xf32>
        %mul3A_494 = arith.constant 11.3137083 : f32
        %mul3A_495 = vector.broadcast %mul3A_494 : f32 to vector<16xf32>
        %mul3A_496 = arith.mulf %get3A_493, %mul3A_495 : vector<16xf32>
        %swap3A_497 = arith.index_cast %scan3A_405 : i32 to index
        %swap3A_498 = arith.constant 112 : index
        %swap3A_499 = tpu.vector_load %arg10[%swap3A_497, %swap3A_498] {strides = array<i32>} : memref<128x128xf32, #tpu.memory_space<vmem>>, vector<1x16xf32>,
        %swap3A_500 = vector.shape_cast %swap3A_499 : vector<1x16xf32> to vector<16xf32>
        %swap3A_501 = vector.shape_cast %mul3A_496 : vector<16xf32> to vector<1x16xf32>
        tpu.vector_store %arg10[%swap3A_497, %swap3A_498], %swap3A_501 {strides = array<i32>} : memref<128x128xf32, #tpu.memory_space<vmem>>, vector<1x16xf32>,
        %scan3A_502 = arith.constant 0 : i32
        %scan3A_503 = arith.constant 3 : i32
        %scan3A_504 = arith.addi %scan3A_208, %scan3A_503 : i32
        %get3A_505 = arith.index_cast %scan3A_504 : i32 to index
        %get3A_506 = arith.constant 0 : index
        %get3A_507 = tpu.vector_load %arg10[%get3A_505, %get3A_506] {strides = array<i32>} : memref<128x128xf32, #tpu.memory_space<vmem>>, vector<1x16xf32>,
        %get3A_508 = vector.shape_cast %get3A_507 : vector<1x16xf32> to vector<16xf32>
        %mul3A_509 = arith.constant 11.3137083 : f32
        %mul3A_510 = vector.broadcast %mul3A_509 : f32 to vector<16xf32>
        %mul3A_511 = arith.mulf %get3A_508, %mul3A_510 : vector<16xf32>
        %swap3A_512 = arith.index_cast %scan3A_504 : i32 to index
        %swap3A_513 = arith.constant 0 : index
        %swap3A_514 = tpu.vector_load %arg10[%swap3A_512, %swap3A_513] {strides = array<i32>} : memref<128x128xf32, #tpu.memory_space<vmem>>, vector<1x16xf32>,
        %swap3A_515 = vector.shape_cast %swap3A_514 : vector<1x16xf32> to vector<16xf32>
        %swap3A_516 = vector.shape_cast %mul3A_511 : vector<16xf32> to vector<1x16xf32>
        tpu.vector_store %arg10[%swap3A_512, %swap3A_513], %swap3A_516 {strides = array<i32>} : memref<128x128xf32, #tpu.memory_space<vmem>>, vector<1x16xf32>,
        %get3A_517 = arith.index_cast %scan3A_504 : i32 to index
        %get3A_518 = arith.constant 16 : index
        %get3A_519 = tpu.vector_load %arg10[%get3A_517, %get3A_518] {strides = array<i32>} : memref<128x128xf32, #tpu.memory_space<vmem>>, vector<1x16xf32>,
        %get3A_520 = vector.shape_cast %get3A_519 : vector<1x16xf32> to vector<16xf32>
        %mul3A_521 = arith.constant 11.3137083 : f32
        %mul3A_522 = vector.broadcast %mul3A_521 : f32 to vector<16xf32>
        %mul3A_523 = arith.mulf %get3A_520, %mul3A_522 : vector<16xf32>
        %swap3A_524 = arith.index_cast %scan3A_504 : i32 to index
        %swap3A_525 = arith.constant 16 : index
        %swap3A_526 = tpu.vector_load %arg10[%swap3A_524, %swap3A_525] {strides = array<i32>} : memref<128x128xf32, #tpu.memory_space<vmem>>, vector<1x16xf32>,
        %swap3A_527 = vector.shape_cast %swap3A_526 : vector<1x16xf32> to vector<16xf32>
        %swap3A_528 = vector.shape_cast %mul3A_523 : vector<16xf32> to vector<1x16xf32>
        tpu.vector_store %arg10[%swap3A_524, %swap3A_525], %swap3A_528 {strides = array<i32>} : memref<128x128xf32, #tpu.memory_space<vmem>>, vector<1x16xf32>,
        %get3A_529 = arith.index_cast %scan3A_504 : i32 to index
        %get3A_530 = arith.constant 32 : index
        %get3A_531 = tpu.vector_load %arg10[%get3A_529, %get3A_530] {strides = array<i32>} : memref<128x128xf32, #tpu.memory_space<vmem>>, vector<1x16xf32>,
        %get3A_532 = vector.shape_cast %get3A_531 : vector<1x16xf32> to vector<16xf32>
        %mul3A_533 = arith.constant 11.3137083 : f32
        %mul3A_534 = vector.broadcast %mul3A_533 : f32 to vector<16xf32>
        %mul3A_535 = arith.mulf %get3A_532, %mul3A_534 : vector<16xf32>
        %swap3A_536 = arith.index_cast %scan3A_504 : i32 to index
        %swap3A_537 = arith.constant 32 : index
        %swap3A_538 = tpu.vector_load %arg10[%swap3A_536, %swap3A_537] {strides = array<i32>} : memref<128x128xf32, #tpu.memory_space<vmem>>, vector<1x16xf32>,
        %swap3A_539 = vector.shape_cast %swap3A_538 : vector<1x16xf32> to vector<16xf32>
        %swap3A_540 = vector.shape_cast %mul3A_535 : vector<16xf32> to vector<1x16xf32>
        tpu.vector_store %arg10[%swap3A_536, %swap3A_537], %swap3A_540 {strides = array<i32>} : memref<128x128xf32, #tpu.memory_space<vmem>>, vector<1x16xf32>,
        %get3A_541 = arith.index_cast %scan3A_504 : i32 to index
        %get3A_542 = arith.constant 48 : index
        %get3A_543 = tpu.vector_load %arg10[%get3A_541, %get3A_542] {strides = array<i32>} : memref<128x128xf32, #tpu.memory_space<vmem>>, vector<1x16xf32>,
        %get3A_544 = vector.shape_cast %get3A_543 : vector<1x16xf32> to vector<16xf32>
        %mul3A_545 = arith.constant 11.3137083 : f32
        %mul3A_546 = vector.broadcast %mul3A_545 : f32 to vector<16xf32>
        %mul3A_547 = arith.mulf %get3A_544, %mul3A_546 : vector<16xf32>
        %swap3A_548 = arith.index_cast %scan3A_504 : i32 to index
        %swap3A_549 = arith.constant 48 : index
        %swap3A_550 = tpu.vector_load %arg10[%swap3A_548, %swap3A_549] {strides = array<i32>} : memref<128x128xf32, #tpu.memory_space<vmem>>, vector<1x16xf32>,
        %swap3A_551 = vector.shape_cast %swap3A_550 : vector<1x16xf32> to vector<16xf32>
        %swap3A_552 = vector.shape_cast %mul3A_547 : vector<16xf32> to vector<1x16xf32>
        tpu.vector_store %arg10[%swap3A_548, %swap3A_549], %swap3A_552 {strides = array<i32>} : memref<128x128xf32, #tpu.memory_space<vmem>>, vector<1x16xf32>,
        %get3A_553 = arith.index_cast %scan3A_504 : i32 to index
        %get3A_554 = arith.constant 64 : index
        %get3A_555 = tpu.vector_load %arg10[%get3A_553, %get3A_554] {strides = array<i32>} : memref<128x128xf32, #tpu.memory_space<vmem>>, vector<1x16xf32>,
        %get3A_556 = vector.shape_cast %get3A_555 : vector<1x16xf32> to vector<16xf32>
        %mul3A_557 = arith.constant 11.3137083 : f32
        %mul3A_558 = vector.broadcast %mul3A_557 : f32 to vector<16xf32>
        %mul3A_559 = arith.mulf %get3A_556, %mul3A_558 : vector<16xf32>
        %swap3A_560 = arith.index_cast %scan3A_504 : i32 to index
        %swap3A_561 = arith.constant 64 : index
        %swap3A_562 = tpu.vector_load %arg10[%swap3A_560, %swap3A_561] {strides = array<i32>} : memref<128x128xf32, #tpu.memory_space<vmem>>, vector<1x16xf32>,
        %swap3A_563 = vector.shape_cast %swap3A_562 : vector<1x16xf32> to vector<16xf32>
        %swap3A_564 = vector.shape_cast %mul3A_559 : vector<16xf32> to vector<1x16xf32>
        tpu.vector_store %arg10[%swap3A_560, %swap3A_561], %swap3A_564 {strides = array<i32>} : memref<128x128xf32, #tpu.memory_space<vmem>>, vector<1x16xf32>,
        %get3A_565 = arith.index_cast %scan3A_504 : i32 to index
        %get3A_566 = arith.constant 80 : index
        %get3A_567 = tpu.vector_load %arg10[%get3A_565, %get3A_566] {strides = array<i32>} : memref<128x128xf32, #tpu.memory_space<vmem>>, vector<1x16xf32>,
        %get3A_568 = vector.shape_cast %get3A_567 : vector<1x16xf32> to vector<16xf32>
        %mul3A_569 = arith.constant 11.3137083 : f32
        %mul3A_570 = vector.broadcast %mul3A_569 : f32 to vector<16xf32>
        %mul3A_571 = arith.mulf %get3A_568, %mul3A_570 : vector<16xf32>
        %swap3A_572 = arith.index_cast %scan3A_504 : i32 to index
        %swap3A_573 = arith.constant 80 : index
        %swap3A_574 = tpu.vector_load %arg10[%swap3A_572, %swap3A_573] {strides = array<i32>} : memref<128x128xf32, #tpu.memory_space<vmem>>, vector<1x16xf32>,
        %swap3A_575 = vector.shape_cast %swap3A_574 : vector<1x16xf32> to vector<16xf32>
        %swap3A_576 = vector.shape_cast %mul3A_571 : vector<16xf32> to vector<1x16xf32>
        tpu.vector_store %arg10[%swap3A_572, %swap3A_573], %swap3A_576 {strides = array<i32>} : memref<128x128xf32, #tpu.memory_space<vmem>>, vector<1x16xf32>,
        %get3A_577 = arith.index_cast %scan3A_504 : i32 to index
        %get3A_578 = arith.constant 96 : index
        %get3A_579 = tpu.vector_load %arg10[%get3A_577, %get3A_578] {strides = array<i32>} : memref<128x128xf32, #tpu.memory_space<vmem>>, vector<1x16xf32>,
        %get3A_580 = vector.shape_cast %get3A_579 : vector<1x16xf32> to vector<16xf32>
        %mul3A_581 = arith.constant 11.3137083 : f32
        %mul3A_582 = vector.broadcast %mul3A_581 : f32 to vector<16xf32>
        %mul3A_583 = arith.mulf %get3A_580, %mul3A_582 : vector<16xf32>
        %swap3A_584 = arith.index_cast %scan3A_504 : i32 to index
        %swap3A_585 = arith.constant 96 : index
        %swap3A_586 = tpu.vector_load %arg10[%swap3A_584, %swap3A_585] {strides = array<i32>} : memref<128x128xf32, #tpu.memory_space<vmem>>, vector<1x16xf32>,
        %swap3A_587 = vector.shape_cast %swap3A_586 : vector<1x16xf32> to vector<16xf32>
        %swap3A_588 = vector.shape_cast %mul3A_583 : vector<16xf32> to vector<1x16xf32>
        tpu.vector_store %arg10[%swap3A_584, %swap3A_585], %swap3A_588 {strides = array<i32>} : memref<128x128xf32, #tpu.memory_space<vmem>>, vector<1x16xf32>,
        %get3A_589 = arith.index_cast %scan3A_504 : i32 to index
        %get3A_590 = arith.constant 112 : index
        %get3A_591 = tpu.vector_load %arg10[%get3A_589, %get3A_590] {strides = array<i32>} : memref<128x128xf32, #tpu.memory_space<vmem>>, vector<1x16xf32>,
        %get3A_592 = vector.shape_cast %get3A_591 : vector<1x16xf32> to vector<16xf32>
        %mul3A_593 = arith.constant 11.3137083 : f32
        %mul3A_594 = vector.broadcast %mul3A_593 : f32 to vector<16xf32>
        %mul3A_595 = arith.mulf %get3A_592, %mul3A_594 : vector<16xf32>
        %swap3A_596 = arith.index_cast %scan3A_504 : i32 to index
        %swap3A_597 = arith.constant 112 : index
        %swap3A_598 = tpu.vector_load %arg10[%swap3A_596, %swap3A_597] {strides = array<i32>} : memref<128x128xf32, #tpu.memory_space<vmem>>, vector<1x16xf32>,
        %swap3A_599 = vector.shape_cast %swap3A_598 : vector<1x16xf32> to vector<16xf32>
        %swap3A_600 = vector.shape_cast %mul3A_595 : vector<16xf32> to vector<1x16xf32>
        tpu.vector_store %arg10[%swap3A_596, %swap3A_597], %swap3A_600 {strides = array<i32>} : memref<128x128xf32, #tpu.memory_space<vmem>>, vector<1x16xf32>,
        %scan3A_601 = arith.constant 0 : i32
        scf.yield %scan3A_601 : i32
      }
      %scan3A_193 = arith.constant 128 : i32
      %dma_start3A_194 = arith.constant 0 : i32
      %dma_start3A_195 = tpu.memref_slice %arg4[%add3A_180, %mul3A_2, %dma_start3A_194] : memref<50x4096x128xf32, #tpu.memory_space<hbm>> -> memref<1x128x128xf32, #tpu.memory_space<hbm>>
      %dma_start3A_196 = tpu.memref_squeeze %dma_start3A_195 : memref<1x128x128xf32, #tpu.memory_space<hbm>> -> memref<128x128xf32, #tpu.memory_space<hbm>>
      %dma_start3A_197 = arith.constant 0 : i32
      %dma_start3A_198 = tpu.memref_slice %arg4[%add3A_180, %mul3A_2, %dma_start3A_197] : memref<50x4096x128xf32, #tpu.memory_space<hbm>> -> memref<1x128x128xf32, #tpu.memory_space<hbm>>
      %dma_start3A_199 = tpu.memref_squeeze %dma_start3A_198 : memref<1x128x128xf32, #tpu.memory_space<hbm>> -> memref<128x128xf32, #tpu.memory_space<hbm>>
      tpu.enqueue_dma source(%arg10 : memref<128x128xf32, #tpu.memory_space<vmem>>) target(%dma_start3A_199 : memref<128x128xf32, #tpu.memory_space<hbm>>) target_semaphore(%arg20 : memref<!tpu.dma_semaphore, #tpu.memory_space<semaphore_mem>>)
      %add3A_200 = arith.constant 3 : i32
      %add3A_201 = arith.addi %add3A_180, %add3A_200 : i32
      %lt3A_202 = arith.constant 50 : i32
      %lt3A_203 = arith.cmpi slt, %add3A_201, %lt3A_202 : i32
      %convert_element_type3A_204 = arith.extui %lt3A_203 : i1 to i32
      %cond3A_205 = arith.constant 0 : i32
      %cond3A_206 = arith.cmpi ne, %convert_element_type3A_204, %cond3A_205 : i32
      scf.if %cond3A_206 {
        %ge3A = arith.constant 2 : i32
        %ge3A_208 = arith.cmpi sge, %add3A_180, %ge3A : i32
        %convert_element_type3A_209 = arith.extui %ge3A_208 : i1 to i32
        %cond3A_210 = arith.constant 0 : i32
        %cond3A_211 = arith.cmpi ne, %convert_element_type3A_209, %cond3A_210 : i32
        scf.if %cond3A_211 {
          %dma_wait3A_220 = arith.constant 0 : i32
          %dma_wait3A_221 = arith.constant 0 : i32
          %dma_wait3A_222 = tpu.memref_slice %arg3[%dma_wait3A_220, %dma_wait3A_221] : memref<100000x128xf32, #tpu.memory_space<hbm>> -> memref<128x128xf32, #tpu.memory_space<hbm>>
          %dma_wait3A_223 = arith.constant 0 : i32
          %dma_wait3A_224 = arith.constant 0 : i32
          %dma_wait3A_225 = tpu.memref_slice %arg3[%dma_wait3A_223, %dma_wait3A_224] : memref<100000x128xf32, #tpu.memory_space<hbm>> -> memref<128x128xf32, #tpu.memory_space<hbm>>
          tpu.wait_dma2 semaphore(%arg18 : memref<!tpu.dma_semaphore, #tpu.memory_space<semaphore_mem>>) src(%dma_wait3A_225 : memref<128x128xf32, #tpu.memory_space<hbm>>) dst(%arg8 : memref<128x128xf32, #tpu.memory_space<vmem>>)
        } else {
        }
        %add3A_212 = arith.constant 3 : i32
        %add3A_213 = arith.addi %add3A_180, %add3A_212 : i32
        %dma_start3A_214 = arith.constant 0 : i32
        %dma_start3A_215 = tpu.memref_slice %arg5[%add3A_213, %dma_start3A_214] : memref<50x128xi32, #tpu.memory_space<vmem>> -> memref<1x128xi32, #tpu.memory_space<vmem>>
        %dma_start3A_216 = tpu.memref_squeeze %dma_start3A_215 : memref<1x128xi32, #tpu.memory_space<vmem>> -> memref<128xi32, #tpu.memory_space<vmem>>
        %dma_start3A_217 = arith.constant 0 : i32
        %dma_start3A_218 = arith.constant 0 : i32
        %dma_start3A_219 = tpu.memref_slice %arg3[%dma_start3A_217, %dma_start3A_218] : memref<100000x128xf32, #tpu.memory_space<hbm>> -> memref<100000x128xf32, #tpu.memory_space<hbm>>
        tpu.enqueue_indirect_dma source(%dma_start3A_219 : memref<100000x128xf32, #tpu.memory_space<hbm>>) target(%arg8 : memref<128x128xf32, #tpu.memory_space<vmem>>) offsets(%dma_start3A_216 : memref<128xi32, #tpu.memory_space<vmem>>) semaphore(%arg13 : memref<!tpu.dma_semaphore, #tpu.memory_space<semaphore_mem>>)
      } else {
      }
      %scan3A_207 = arith.constant 0 : i32
      scf.yield %scan3A_207 : i32
    }
    %scan3A_28 = arith.constant 10 : i32
    %dma_wait3A = arith.constant 0 : i32
    %dma_wait3A_29 = arith.constant 0 : i32
    %dma_wait3A_30 = tpu.memref_slice %arg3[%dma_wait3A, %dma_wait3A_29] : memref<100000x128xf32, #tpu.memory_space<hbm>> -> memref<128x128xf32, #tpu.memory_space<hbm>>
    %dma_wait3A_31 = arith.constant 0 : i32
    %dma_wait3A_32 = arith.constant 0 : i32
    %dma_wait3A_33 = tpu.memref_slice %arg3[%dma_wait3A_31, %dma_wait3A_32] : memref<100000x128xf32, #tpu.memory_space<hbm>> -> memref<128x128xf32, #tpu.memory_space<hbm>>
    tpu.wait_dma2 semaphore(%arg16 : memref<!tpu.dma_semaphore, #tpu.memory_space<semaphore_mem>>) src(%dma_wait3A_33 : memref<128x128xf32, #tpu.memory_space<hbm>>) dst(%arg6 : memref<128x128xf32, #tpu.memory_space<vmem>>)
    %dma_wait3A_34 = arith.constant 0 : i32
    %dma_wait3A_35 = arith.constant 0 : i32
    %dma_wait3A_36 = tpu.memref_slice %arg3[%dma_wait3A_34, %dma_wait3A_35] : memref<100000x128xf32, #tpu.memory_space<hbm>> -> memref<128x128xf32, #tpu.memory_space<hbm>>
    %dma_wait3A_37 = arith.constant 0 : i32
    %dma_wait3A_38 = arith.constant 0 : i32
    %dma_wait3A_39 = tpu.memref_slice %arg3[%dma_wait3A_37, %dma_wait3A_38] : memref<100000x128xf32, #tpu.memory_space<hbm>> -> memref<128x128xf32, #tpu.memory_space<hbm>>
    tpu.wait_dma2 semaphore(%arg17 : memref<!tpu.dma_semaphore, #tpu.memory_space<semaphore_mem>>) src(%dma_wait3A_39 : memref<128x128xf32, #tpu.memory_space<hbm>>) dst(%arg7 : memref<128x128xf32, #tpu.memory_space<vmem>>)
    %dma_wait3A_40 = arith.constant 0 : i32
    %dma_wait3A_41 = arith.constant 0 : i32
    %dma_wait3A_42 = tpu.memref_slice %arg3[%dma_wait3A_40, %dma_wait3A_41] : memref<100000x128xf32, #tpu.memory_space<hbm>> -> memref<128x128xf32, #tpu.memory_space<hbm>>
    %dma_wait3A_43 = arith.constant 0 : i32
    %dma_wait3A_44 = arith.constant 0 : i32
    %dma_wait3A_45 = tpu.memref_slice %arg3[%dma_wait3A_43, %dma_wait3A_44] : memref<100000x128xf32, #tpu.memory_space<hbm>> -> memref<128x128xf32, #tpu.memory_space<hbm>>
    tpu.wait_dma2 semaphore(%arg18 : memref<!tpu.dma_semaphore, #tpu.memory_space<semaphore_mem>>) src(%dma_wait3A_45 : memref<128x128xf32, #tpu.memory_space<hbm>>) dst(%arg8 : memref<128x128xf32, #tpu.memory_space<vmem>>)
    %dma_wait3A_46 = arith.constant 0 : i32
    %dma_wait3A_47 = arith.constant 0 : i32
    %dma_wait3A_48 = tpu.memref_slice %arg3[%dma_wait3A_46, %dma_wait3A_47] : memref<100000x128xf32, #tpu.memory_space<hbm>> -> memref<128x128xf32, #tpu.memory_space<hbm>>
    %dma_wait3A_49 = arith.constant 0 : i32
    %dma_wait3A_50 = arith.constant 0 : i32
    %dma_wait3A_51 = tpu.memref_slice %arg3[%dma_wait3A_49, %dma_wait3A_50] : memref<100000x128xf32, #tpu.memory_space<hbm>> -> memref<128x128xf32, #tpu.memory_space<hbm>>
    tpu.wait_dma2 semaphore(%arg19 : memref<!tpu.dma_semaphore, #tpu.memory_space<semaphore_mem>>) src(%dma_wait3A_51 : memref<128x128xf32, #tpu.memory_space<hbm>>) dst(%arg9 : memref<128x128xf32, #tpu.memory_space<vmem>>)
    %dma_wait3A_52 = arith.constant 0 : i32
    %dma_wait3A_53 = arith.constant 0 : i32
    %dma_wait3A_54 = tpu.memref_slice %arg3[%dma_wait3A_52, %dma_wait3A_53] : memref<100000x128xf32, #tpu.memory_space<hbm>> -> memref<128x128xf32, #tpu.memory_space<hbm>>
    %dma_wait3A_55 = arith.constant 0 : i32
    %dma_wait3A_56 = arith.constant 0 : i32
    %dma_wait3A_57 = tpu.memref_slice %arg3[%dma_wait3A_55, %dma_wait3A_56] : memref<100000x128xf32, #tpu.memory_space<hbm>> -> memref<128x128xf32, #tpu.memory_space<hbm>>
    tpu.wait_dma2 semaphore(%arg20 : memref<!tpu.dma_semaphore, #tpu.memory_space<semaphore_mem>>) src(%dma_wait3A_57 : memref<128x128xf32, #tpu.memory_space<hbm>>) dst(%arg10 : memref<128x128xf32, #tpu.memory_space<vmem>>)
    return
  }
}

</mosaic_0001>

<sc_bundles>
// kernel: kernel.3.cloned.1.call-start
scs
__scs_entry_jumppad:
0x0: {  	(pc) =	sbr.rel $0x88, $3  }
0x1: {  	(tag) =	ssettag $0x0;
	lr =	simm.s32 $0x1  }
0x2: {  	[smem:$0x3F9F] =	sst lr;
	_ =	strace $0xD0000000  }
0x3: {  	_ = 	snop  }
0x4: {  	_ = 	snop  }
0x5: {  	_ = 	snop  }
0x6: {  	_ = 	snop  }
0x7: {  	_ = 	snop  }
__scs_overlays_trampoline_lowered:
0x8: {  	[smem:$0x3FAE] =	sst s0  }
0x9: {  	[smem:$0x3FAF] =	sst s1  }
0xa: {  	[smem:$0x3FB0] =	sst s2  }
0xb: {  	[smem:$0x3FB1] =	sst s3  }
0xc: {  	[smem:$0x3FB2] =	sst s4  }
0xd: {  	[smem:$0x3FB3] =	sst s5  }
0xe: {  	[smem:$0x3FB4] =	sst s6  }
0xf: {  	[smem:$0x3FB5] =	sst s7  }
0x10: {  	[smem:$0x3FB6] =	sst s8  }
0x11: {  	[smem:$0x3FB7] =	sst s9;
	s0 =	simm.s32 @!p0 $0x0  }
0x12: {  	s1 =	sld [smem:$0x3F9D];
	s0 =	simm.s32 @p0 $0x1  }
0x13: {  	[smem:$0x3FB8] =	sst s0;
	s0 =	simm.s32 @!p1 $0x0  }
0x14: {  	s2 =	sld [smem:$0x3F9C];
	s0 =	simm.s32 @p1 $0x1  }
0x15: {  	[smem:$0x3FB9] =	sst s0;
	s0 =	simm.s32 @!p2 $0x0  }
0x16: {  	s3 =	sld [smem:$0x3FDB];
	s0 =	simm.s32 @p2 $0x1  }
0x17: {  	s4 =	simm.s32 $0x1BF5;
	[smem:$0x3FBB] =	sst s0  }
0x18: {  	s0 =	sld [smem:$0x3F9E];
	_ =	swait.ge [sflag:s4], $0x0  }
0x19: {  	s7 =	sld [smem:$0x3F9F]  }
0x1a: {  	s8 =	sadd.s32 $0xFFFFE003, lr  }
0x1b: {  	s9 =	sadd.s32 $0xFFFFFEF7, lr;
	s5 =	simm.s32 $0xFFFFFFFF;
	p2 =	slt.u32 s8, $0xFFFFF086  }
0x1c: {  	p1 =	slt.u32 s9, $0xF7A;
	s5 =	simm.s32 @!p2 $0x0  }
0x1d: {  	s5 =	simm.s32 @p1 $0x1;
	p0 =	seq.s32 s7, s2  }
0x1e: {  	s7 =	smul.u32 @!p0 $0xF7A, s2;
	p2 =	seq.s32 @!p0 s5, $0x0  }
0x1f: {  	s9 =	smul.u32 $0xF7A, s1;
	s8 =	simm.s32 @!p0 $0x1BF5;
	p2 =	por !p2, p0  }
0x20: {  	[sflag:s8] =	ssyncset.s32 @!p0 $0xFFFFF086;
	s6 =	sadd.s32 @!p0 s3, s7;
	s7 =	simm.s32 @!p0 $0x108  }
0x21: {  	s3 =	sadd.s32 s3, s9;
	s6 =	sadd.s32 @!p0 $0x88, s6;
	s7 =	simm.s32 @p2 $0x1082  }
0x22: {  	[simem:s7], [sflag:s8] =	dma.local @!p0 [hbm:s6], $0xF7A  }
0x23: {  	s9 =	sor.u32 $0xD0000000, s2;
	s6 =	simm.s32 $0x108;
	_ =	swait.ge @!p0 [sflag:s8], $0x0  }
0x24: {  	s3 =	sadd.s32 $0x88, s3;
	s6 =	simm.s32 @!p1 $0x1082;
	[sflag:s4] =	ssyncset.s32 $0xFFFFF086  }
0x25: {  	[simem:s6], [sflag:s4] =	dma.local [hbm:s3], $0xF7A  }
0x26: {  	[smem:$0x3F9F] =	sst s1;
	(tag) =	ssettag s2;
	_ =	strace s9  }
0x27: {  	s1 =	sld [smem:$0x3FAF]  }
0x28: {  	s2 =	sld [smem:$0x3FB0]  }
0x29: {  	s4 =	sld [smem:$0x3FB2]  }
0x2a: {  	p0 =	seq.s32 s5, $0x0;
	s5 =	sld [smem:$0x3FB3]  }
0x2b: {  	s6 =	sld [smem:$0x3FB4]  }
0x2c: {  	s7 =	sld [smem:$0x3FB5]  }
0x2d: {  	s3 =	simm.s32 $0x108;
	s8 =	sld [smem:$0x3FB6]  }
0x2e: {  	s3 =	simm.s32 @!p0 $0x1082;
	s9 =	sld [smem:$0x3FB7]  }
0x2f: {  	lr =	sadd.s32 s0, s3;
	s0 =	sld [smem:$0x3FAE]  }
0x30: {  	s3 =	sld [smem:$0x3FB1]  }
0x31: {  	[smem:$0x3FBA] =	sst s10  }
0x32: {  	s10 =	sld [smem:$0x3FB8];
	_ =	sdelay $0x3  }
0x33: {  	p0 =	seq.s32 s10, $0x1;
	s10 =	sld [smem:$0x3FBA];
	_ =	sdelay $0x3  }
0x34: {  	[smem:$0x3FBA] =	sst s10  }
0x35: {  	s10 =	sld [smem:$0x3FB9];
	_ =	sdelay $0x3  }
0x36: {  	p1 =	seq.s32 s10, $0x1;
	s10 =	sld [smem:$0x3FBA];
	_ =	sdelay $0x3  }
0x37: {  	[smem:$0x3FBA] =	sst s10  }
0x38: {  	s10 =	sld [smem:$0x3FBB]  }
0x39: {  	_ = 	snop;
	(pc) =	sbr.ind lr, $3  }
0x3a: {  	_ = 	snop  }
0x3b: {  	_ = 	snop  }
0x3c: {  	p2 =	seq.s32 s10, $0x1;
	s10 =	sld [smem:$0x3FBA]  }
0x3d: {  	_ =	shalt  }
0x3e: {  	_ =	shalt  }
0x3f: {  	_ =	shalt  }
0x40: {  	_ =	shalt  }
0x41: {  	_ =	shalt  }
0x42: {  	_ =	shalt  }
0x43: {  	_ =	shalt  }
0x44: {  	_ =	shalt  }
0x45: {  	_ =	shalt  }
0x46: {  	_ =	shalt  }
0x47: {  	_ =	shalt  }
0x48: {  	_ =	shalt  }
0x49: {  	_ =	shalt  }
0x4a: {  	_ =	shalt  }
0x4b: {  	_ =	shalt  }
0x4c: {  	_ =	shalt  }
0x4d: {  	_ =	shalt  }
0x4e: {  	_ =	shalt  }
0x4f: {  	_ =	shalt  }
0x50: {  	_ =	shalt  }
0x51: {  	_ =	shalt  }
0x52: {  	_ =	shalt  }
0x53: {  	_ =	shalt  }
0x54: {  	_ =	shalt  }
0x55: {  	_ =	shalt  }
0x56: {  	_ =	shalt  }
0x57: {  	_ =	shalt  }
0x58: {  	_ =	shalt  }
0x59: {  	_ =	shalt  }
0x5a: {  	_ =	shalt  }
0x5b: {  	_ =	shalt  }
0x5c: {  	_ =	shalt  }
0x5d: {  	_ =	shalt  }
0x5e: {  	_ =	shalt  }
0x5f: {  	_ =	shalt  }
0x60: {  	_ =	shalt  }
0x61: {  	_ =	shalt  }
0x62: {  	_ =	shalt  }
0x63: {  	_ =	shalt  }
0x64: {  	_ =	shalt  }
0x65: {  	_ =	shalt  }
0x66: {  	_ =	shalt  }
0x67: {  	_ =	shalt  }
0x68: {  	_ =	shalt  }
0x69: {  	_ =	shalt  }
0x6a: {  	_ =	shalt  }
0x6b: {  	_ =	shalt  }
0x6c: {  	_ =	shalt  }
0x6d: {  	_ =	shalt  }
0x6e: {  	_ =	shalt  }
0x6f: {  	_ =	shalt  }
0x70: {  	_ =	shalt  }
0x71: {  	_ =	shalt  }
0x72: {  	_ =	shalt  }
0x73: {  	_ =	shalt  }
0x74: {  	_ =	shalt  }
0x75: {  	_ =	shalt  }
0x76: {  	_ =	shalt  }
0x77: {  	_ =	shalt  }
0x78: {  	_ =	shalt  }
0x79: {  	_ =	shalt  }
0x7a: {  	_ =	shalt  }
0x7b: {  	_ =	shalt  }
0x7c: {  	_ =	shalt  }
0x7d: {  	_ =	shalt  }
0x7e: {  	_ =	shalt  }
0x7f: {  	_ =	shalt  }
0x80: {  	_ =	shalt  }
0x81: {  	_ =	shalt  }
0x82: {  	_ =	shalt  }
0x83: {  	_ =	shalt  }
0x84: {  	_ =	shalt  }
0x85: {  	_ =	shalt  }
0x86: {  	_ =	shalt  }
0x87: {  	_ =	shalt  }
.Lfunc_end0:
.L_simem_size_0:
called_computation_lowered:
.L_overlay_start_0:
0x88: {  	s2 =	sld [smem:$0x3FD9]  }
0x89: {  	s3 =	sld [smem:$0x3FFE];
	_ =	sdelay $0x1  }
0x8a: {  	s1 =	srdreg.scid  }
0x8b: {  	s0 =	sand.u32 $0x1, s1  }
0x8c: {  	s18 =	sshll.u32 s0, $0xA;
	s2 =	sadd.s32 s3, s2  }
0x8d: {  	s2 =	sadd.s32 s2, s18  }
0x8e: {  	[smem:$0x3FC6] =	sst s2  }
0x8f: {  	_ = 	snop  }
0x90: {  	s2 =	sld [smem:$0x3FC9]  }
0x91: {  	s19 =	sld [smem:$0x3FC8]  }
0x92: {  	s4 =	sld [smem:$0x3FD0];
	(tm) =	ssettm $0x1  }
0x93: {  	s5 =	sld [smem:$0x3FFB];
	_ =	sdelay $0x3  }
0x94: {  	_ =	strace s5  }
0x95: {  	s5 =	sld [smem:$0x3FFC];
	_ =	sdelay $0x3  }
0x96: {  	_ =	strace s5  }
0x97: {  	s5 =	sld [smem:$0x3FFD];
	_ =	sdelay $0x3  }
0x98: {  	_ =	strace s5  }
0x99: {  	_ =	strace $0x8FFFFFFF  }
0x9a: {  	s20 =	sld [smem:$0x3FDB];
	_ =	sdelay $0x1  }
0x9b: {  	s6 =	simm.s32 $_scs_section_size  }
0x9c: {  	s7 =	simm.s32 $_size__tile_overlayer_lowered;
	s8 =	simm.s32 $_tile_overlayer_lowered  }
0x9d: {  	s23 =	simm.s32 $0x1BFF;
	s22 =	sshll.u32 s8, $0x1;
	s5 =	sadd.s32 s6, s20  }
0x9e: {  	s9 =	simm.s32 $0x0;
	s21 =	sshll.u32 s7, $0x1;
	s7 =	sadd.s32 s22, s5  }
0x9f: {  	[timem:s9], [sflag:s23] =	dma.local [hbm:s7], s21  }
0xa0: {  	_ =	swait.ge [sflag:s23], s21  }
0xa1: {  	s6 =	ssub.s32 $0x0, s21;
	[sflag:s23] =	ssyncset.done $0x0  }
0xa2: {  	[sflag:s23] =	ssyncadd.s32 s6;
	_ =	sdelay $0x1  }
0xa3: {  	s24 =	simm.s32 $0x1B8B  }
0xa4: {  	_ =	swait.ge [sflag:s24], $0x1  }
0xa5: {  	[sflag:s24] =	ssyncset.done $0x0  }
0xa6: {  	s25 =	simm.s32 $0x1B8E;
	[sflag:s24] =	ssyncadd.s32 $0xFFFFFFFF  }
0xa7: {  	s26 =	simm.s32 $execute0_lowered;
	[smem:$0x3FD2] =	sst s25  }
0xa8: {  	s6 =	sshll.u32 s26, $0x1;
	_ =	strace $0x80000046;
	[dreg:$0x1] =	wrdreg $0xFFFFFFFF  }
0xa9: {  	s28 =	simm.s32 $_size_execute0_lowered;
	s5 =	sadd.s32 s5, s6;
	[dreg:$0x0] =	wrdreg $0x0  }
0xaa: {  	s6 =	sshll.u32 s28, $0x1;
	[dreg:$0x2] =	wrdreg s5  }
0xab: {  	[dreg:$0x3] =	wrdreg s6  }
0xac: {  	[dreg:$0x4] =	wrdreg $0xC0  }
0xad: {  	_ =	task [dreg:s9], $0x5FFFF  }
0xae: {  	[dreg:$0x1] =	wrdreg $0xFFFFFFFF  }
0xaf: {  	[dreg:$0x0] =	wrdreg $0x60  }
0xb0: {  	[dreg:$0x2] =	wrdreg s2  }
0xb1: {  	[dreg:$0x3] =	wrdreg s19  }
0xb2: {  	[dreg:$0x4] =	wrdreg s4  }
0xb3: {  	[dreg:$0x5] =	wrdreg $0x9  }
0xb4: {  	_ =	task.clear_ibuf [dreg:s9], $0x6FFFF;
	_ =	strace $0x90000046  }
0xb5: {  	s29 =	simm.s32 $0x9;
	_ =	strace $0x80000048  }
0xb6: {  	_ =	swait.ge [sflag:s29], $0x1  }
0xb7: {  	[sflag:s29] =	ssyncadd.s32 $0xFFFFFFFF  }
0xb8: {  	_ =	strace $0x90000048  }
0xb9: {  	_ =	sfence  }
0xba: {  	s30 =	sld [smem:$0x0];
	_ =	sdelay $0x2  }
0xbb: {  	s31 =	sshll.u32 s1, $0xD;
	s1 =	sshrl.u32 s1, $0x2  }
0xbc: {  	s3 =	sand.u32 $0x4000, s31;
	s1 =	sadd.s32 s1, s30  }
0xbd: {  	s0 =	sor.u32 s3, s0;
	s1 =	sshll.u32 s1, $0x11  }
0xbe: {  	s0 =	sor.u32 s1, s0  }
0xbf: {  	s0 =	sadd.s32 $0x8F2B, s0  }
0xc0: {  	[sflag:s0] =	ssyncadd.remote.s32 $0x1  }
0xc1: {  	_ =	sfence.sel $0xFFFF  }
0xc2: {  	[dreg:$0x0] =	wrdreg $0xFFFFFFFF;
	(pc) =	sbr.abs _section_cstart, $3  }
0xc3: {  	[dreg:$0x1] =	wrdreg $0xFFFFFFFF  }
0xc4: {  	_ =	task.clear_ibuf [dreg:s9], $0x2FFFF;
	_ =	strace $0x9FFFFFFF  }
0xc5: {  	(tm) =	ssettm $0x7FFFFFFF  }
tec
execute0_lowered:
.L_overlay_start_1:
0x0: {  	(tag) =	ssettag $0x1  }
0x1: {  	s0 =	rddreg [dreg:$0x0]  }
0x2: {  	s1 =	rddreg [dreg:$0x1]  }
0x3: {  	s3 =	rddreg [dreg:$0x2];
	s2 =	srdreg.scid  }
0x4: {  	s4 =	simm.s32 $0x0;
	s5 =	stileid.u32;
	s14 =	simm.s32 $0xB  }
0x5: {  	s15 =	simm.s32 $0x80;
	s16 =	simm.s32 $0x1C00;
	s17 =	simm.s32 $0x5C00  }
0x6: {  	s19 =	simm.s32 $0x9C00;
	s20 =	simm.s32 $0x1;
	s21 =	simm.s32 $0xDC00  }
0x7: {  	s22 =	simm.s32 $0x2;
	s23 =	simm.s32 $0x11C00;
	s24 =	simm.s32 $0x3  }
0x8: {  	s28 =	simm.s32 $0x6;
	s29 =	simm.s32 $0x7;
	s30 =	simm.s32 $0x8  }
0x9: {  	s31 =	simm.s32 $0x9;
	s2 =	sand.u32 $0x1, s2;
	[smem:$0x7FF] =	sst s4  }
0xa: {  	s5 =	sshll.u32 s5, $0x8;
	s6 =	sshll.u32 s2, $0x7;
	s2 =	ssub.s32 $0x2, s2  }
0xb: {  	_ =	strace $0x80000047;
	s5 =	sor.u32 s6, s5;
	s7 =	sshrl.u32 s2, $0x1  }
.Ltmp0:
0xc: {  	s8 =	sadd.s32 s0, s5;
	s6 =	sshll.u32 s5, $0x7;
	(pc) =	sbr.rel .LBB2_1-.Ltmp0, $4  }
0xd: {  	s25 =	ssub.s32 s2, s7;
	s2 =	simm.s32 $0x0;
	[dreg:$0x4] =	wrdreg s8  }
0xe: {  	s26 =	sadd.s32 $0x6000, s8;
	s8 =	sor.u32 $0x80000, s6;
	s9 =	sor.u32 $0x100000, s6  }
0xf: {  	s0 =	smax.u32 s25, $0x1;
	s25 =	simm.s32 $0x4;
	[dreg:$0x5] =	wrdreg s26  }
0x10: {  	[dreg:$0x6] =	wrdreg s0;
	s26 =	simm.s32 $0x5;
	s0 =	simm.s32 $0xA  }
.LBB2_14:
0x11: {  	_ =	swait.ge [sflag:s28], $0x4000  }
0x12: {  	[sflag:s28] =	ssyncset.done $0x0  }
0x13: {  	[sflag:s28] =	ssyncadd.s32 $0xFFFFC000  }
0x14: {  	_ =	swait.ge [sflag:s29], $0x4000  }
0x15: {  	[sflag:s29] =	ssyncset.done $0x0  }
0x16: {  	[sflag:s29] =	ssyncadd.s32 $0xFFFFC000  }
0x17: {  	_ =	swait.ge [sflag:s30], $0x4000  }
0x18: {  	[sflag:s30] =	ssyncset.done $0x0  }
0x19: {  	[sflag:s30] =	ssyncadd.s32 $0xFFFFC000  }
0x1a: {  	_ =	swait.ge [sflag:s31], $0x4000  }
0x1b: {  	[sflag:s31] =	ssyncset.done $0x0  }
0x1c: {  	[sflag:s31] =	ssyncadd.s32 $0xFFFFC000  }
0x1d: {  	_ =	swait.ge [sflag:s0], $0x4000  }
0x1e: {  	s2 =	sadd.s32 $0x1, s2;
	s5 =	rddreg [dreg:$0x6]  }
0x1f: {  	p0 =	sne.s32 s2, s5  }
.Ltmp1:
0x20: {  	_ = 	snop;
	(pc) =	sbr.rel @!p0 .LBB2_15-.Ltmp1, $3  }
0x21: {  	_ =	sdelay $0x1  }
0x22: {  	[sflag:s0] =	ssyncset.done $0x0  }
0x23: {  	[sflag:s0] =	ssyncadd.s32 $0xFFFFC000  }
.LBB2_1:
0x24: {  	s5 =	rddreg [dreg:$0x4];
	s7 =	simm.s32 $0x400;
	s10 =	simm.s32 $0x8000  }
0x25: {  	[tilespmem:s4], [sflag:$0xB] =	stream.strided.gather [hbm4b:s5+s7], $0x1800, s10, s7, $0x38;
	[tilespmem:$0x15C00] =	vst v63  }
0x26: {  	s12 =	rddreg [dreg:$0x5];
	s13 =	simm.s32 $0x1800  }
0x27: {  	[tilespmem:s13], [sflag:$0xB] =	stream.linear.gather [hbm4b:s12+s4], $0x100, $0x38;
	[tilespmem:$0x15C00] =	vst v63  }
0x28: {  	_ =	swait.ge [sflag:s14], $0x1900  }
0x29: {  	[sflag:s14] =	ssyncset.done $0x0  }
0x2a: {  	[sflag:s14] =	ssyncadd.s32 $0xFFFFE700  }
0x2b: {  	[tilespmem:s16], [sflag:$0x1] =	stream.indirect.gather [hbm4b:s1+s15], $0x80, s4, s15, $0xb8;
	[tilespmem:$0x15C00] =	vst v63  }
0x2c: {  	_ = 	snop  }
0x2d: {  	[tilespmem:s17], [sflag:$0x2] =	stream.indirect.gather [hbm4b:s1+s15], $0x80, s15, s15, $0xb8;
	[tilespmem:$0x15C00] =	vst v63  }
0x2e: {  	s18 =	simm.s32 $0x100;
	s11 =	simm.s32 $0x0  }
0x2f: {  	[tilespmem:s19], [sflag:$0x3] =	stream.indirect.gather [hbm4b:s1+s15], $0x80, s18, s15, $0xb8;
	[tilespmem:$0x15C00] =	vst v63  }
.LBB2_2:
0x30: {  	_ =	swait.ge [sflag:s20], $0x4000  }
0x31: {  	[sflag:s20] =	ssyncset.done $0x0  }
0x32: {  	s12 =	simm.s32 $0x1D00;
	[sflag:s20] =	ssyncadd.s32 $0xFFFFC000  }
0x33: {  	v0 =	vld [tilespmem:s12+$0xFFFFFF00]  }
0x34: {  	v1 =	vld [tilespmem:s12+$0xFFFFFF10]  }
0x35: {  	v2 =	vld [tilespmem:s12+$0xFFFFFF20]  }
0x36: {  	v3 =	vld [tilespmem:s12+$0xFFFFFF30]  }
0x37: {  	v4 =	vld [tilespmem:s12+$0xFFFFFF40]  }
0x38: {  	v5 =	vld [tilespmem:s12+$0xFFFFFF50];
	v0 =	vmul.f32 $1.131370830e+01, v0  }
0x39: {  	v6 =	vld [tilespmem:s12+$0xFFFFFF60];
	v1 =	vmul.f32 $1.131370830e+01, v1  }
0x3a: {  	[tilespmem:s12+$0xFFFFFF00] =	vst v0;
	v0 =	vmul.f32 $1.131370830e+01, v2;
	v2 =	vld [tilespmem:s12+$0xFFFFFF70]  }
0x3b: {  	[tilespmem:s12+$0xFFFFFF10] =	vst v1;
	v1 =	vmul.f32 $1.131370830e+01, v3;
	v3 =	vld [tilespmem:s12+$0xFFFFFF80]  }
0x3c: {  	[tilespmem:s12+$0xFFFFFF20] =	vst v0;
	v0 =	vmul.f32 $1.131370830e+01, v4;
	v4 =	vld [tilespmem:s12+$0xFFFFFF90]  }
0x3d: {  	[tilespmem:s12+$0xFFFFFF30] =	vst v1;
	v1 =	vmul.f32 $1.131370830e+01, v5;
	v5 =	vld [tilespmem:s12+$0xFFFFFFA0]  }
0x3e: {  	[tilespmem:s12+$0xFFFFFF40] =	vst v0;
	v0 =	vmul.f32 $1.131370830e+01, v6;
	v6 =	vld [tilespmem:s12+$0xFFFFFFB0]  }
0x3f: {  	[tilespmem:s12+$0xFFFFFF50] =	vst v1;
	v1 =	vmul.f32 $1.131370830e+01, v2;
	v2 =	vld [tilespmem:s12+$0xFFFFFFC0]  }
0x40: {  	[tilespmem:s12+$0xFFFFFF60] =	vst v0;
	v0 =	vmul.f32 $1.131370830e+01, v3;
	v3 =	vld [tilespmem:s12+$0xFFFFFFD0]  }
0x41: {  	[tilespmem:s12+$0xFFFFFF70] =	vst v1;
	v1 =	vmul.f32 $1.131370830e+01, v4;
	v4 =	vld [tilespmem:s12+$0xFFFFFFE0]  }
0x42: {  	[tilespmem:s12+$0xFFFFFF80] =	vst v0;
	v0 =	vmul.f32 $1.131370830e+01, v5;
	v5 =	vld [tilespmem:s12+$0x0]  }
0x43: {  	[tilespmem:s12+$0xFFFFFF90] =	vst v1;
	v1 =	vmul.f32 $1.131370830e+01, v6;
	v6 =	vld [tilespmem:s12+$0x10]  }
0x44: {  	[tilespmem:s12+$0xFFFFFFA0] =	vst v0;
	v0 =	vmul.f32 $1.131370830e+01, v2;
	v2 =	vld [tilespmem:s12+$0x20]  }
0x45: {  	[tilespmem:s12+$0xFFFFFFB0] =	vst v1;
	v1 =	vmul.f32 $1.131370830e+01, v3;
	v3 =	vld [tilespmem:s12+$0x30]  }
0x46: {  	[tilespmem:s12+$0xFFFFFFC0] =	vst v0;
	v0 =	vmul.f32 $1.131370830e+01, v4;
	v4 =	vld [tilespmem:s12+$0x40]  }
0x47: {  	[tilespmem:s12+$0xFFFFFFD0] =	vst v1;
	v1 =	vmul.f32 $1.131370830e+01, v5;
	v5 =	vld [tilespmem:s12+$0x50]  }
0x48: {  	[tilespmem:s12+$0xFFFFFFE0] =	vst v0;
	v0 =	vmul.f32 $1.131370830e+01, v6;
	v6 =	vld [tilespmem:s12+$0x60]  }
0x49: {  	[tilespmem:s12+$0x0] =	vst v1;
	v1 =	vmul.f32 $1.131370830e+01, v2;
	v2 =	vld [tilespmem:s12+$0x70]  }
0x4a: {  	[tilespmem:s12+$0x10] =	vst v0;
	v0 =	vmul.f32 $1.131370830e+01, v3;
	v3 =	vld [tilespmem:s12+$0x80]  }
0x4b: {  	[tilespmem:s12+$0x20] =	vst v1;
	v1 =	vmul.f32 $1.131370830e+01, v4;
	v4 =	vld [tilespmem:s12+$0x90]  }
0x4c: {  	[tilespmem:s12+$0x30] =	vst v0;
	v0 =	vmul.f32 $1.131370830e+01, v5;
	v5 =	vld [tilespmem:s12+$0xA0]  }
0x4d: {  	[tilespmem:s12+$0x40] =	vst v1;
	v1 =	vmul.f32 $1.131370830e+01, v6;
	v6 =	vld [tilespmem:s12+$0xB0]  }
0x4e: {  	[tilespmem:s12+$0x50] =	vst v0;
	v2 =	vmul.f32 $1.131370830e+01, v2;
	v0 =	vld [tilespmem:s12+$0xC0]  }
0x4f: {  	[tilespmem:s12+$0x60] =	vst v1;
	v7 =	vmul.f32 $1.131370830e+01, v3;
	v1 =	vld [tilespmem:s12+$0xD0]  }
0x50: {  	v3 =	vld [tilespmem:s12+$0xE0];
	[tilespmem:s12+$0x70] =	vst v2;
	v8 =	vmul.f32 $1.131370830e+01, v4  }
0x51: {  	v2 =	vld [tilespmem:s12+$0xF0];
	[tilespmem:s12+$0x80] =	vst v7;
	v5 =	vmul.f32 $1.131370830e+01, v5  }
0x52: {  	s7 =	simm.s32 $0x0;
	s10 =	simm.s32 $0x1F00;
	v4 =	vld [tilespmem:s12+$0xFFFFFFF0];
	[tilespmem:s12+$0x90] =	vst v8;
	v6 =	vmul.f32 $1.131370830e+01, v6  }
.LBB2_3:
0x53: {  	v7 =	vld [tilespmem:s10+$0xFFFFFF00];
	[tilespmem:s12+$0xA0] =	vst v5;
	v0 =	vmul.f32 $1.131370830e+01, v0  }
0x54: {  	v5 =	vld [tilespmem:s10+$0xFFFFFF10];
	[tilespmem:s12+$0xB0] =	vst v6;
	v1 =	vmul.f32 $1.131370830e+01, v1  }
0x55: {  	v6 =	vld [tilespmem:s10+$0xFFFFFF20];
	[tilespmem:s12+$0xC0] =	vst v0;
	v0 =	vmul.f32 $1.131370830e+01, v3  }
0x56: {  	v3 =	vld [tilespmem:s10+$0xFFFFFF30];
	[tilespmem:s12+$0xD0] =	vst v1;
	v1 =	vmul.f32 $1.131370830e+01, v2  }
0x57: {  	v2 =	vld [tilespmem:s10+$0xFFFFFF40];
	v4 =	vmul.f32 $1.131370830e+01, v4;
	[tilespmem:s12+$0xE0] =	vst v0  }
0x58: {  	v0 =	vmul.f32 $1.131370830e+01, v7;
	v7 =	vld [tilespmem:s10+$0xFFFFFF50];
	[tilespmem:s12+$0xF0] =	vst v1  }
0x59: {  	v1 =	vmul.f32 $1.131370830e+01, v5;
	v5 =	vld [tilespmem:s10+$0xFFFFFF60];
	[tilespmem:s12+$0xFFFFFFF0] =	vst v4;
	s12 =	smov.u32 s10  }
0x5a: {  	[tilespmem:s10+$0xFFFFFF00] =	vst v0;
	v0 =	vmul.f32 $1.131370830e+01, v6;
	v4 =	vld [tilespmem:s10+$0xFFFFFF70]  }
0x5b: {  	[tilespmem:s10+$0xFFFFFF10] =	vst v1;
	v1 =	vmul.f32 $1.131370830e+01, v3;
	v3 =	vld [tilespmem:s10+$0xFFFFFF80]  }
0x5c: {  	[tilespmem:s10+$0xFFFFFF20] =	vst v0;
	v0 =	vmul.f32 $1.131370830e+01, v2;
	v2 =	vld [tilespmem:s10+$0xFFFFFF90]  }
0x5d: {  	[tilespmem:s10+$0xFFFFFF30] =	vst v1;
	v1 =	vmul.f32 $1.131370830e+01, v7;
	v6 =	vld [tilespmem:s10+$0xFFFFFFA0]  }
0x5e: {  	[tilespmem:s10+$0xFFFFFF40] =	vst v0;
	v0 =	vmul.f32 $1.131370830e+01, v5;
	v5 =	vld [tilespmem:s10+$0xFFFFFFB0]  }
0x5f: {  	[tilespmem:s10+$0xFFFFFF50] =	vst v1;
	v1 =	vmul.f32 $1.131370830e+01, v4;
	v4 =	vld [tilespmem:s10+$0xFFFFFFC0]  }
0x60: {  	[tilespmem:s10+$0xFFFFFF60] =	vst v0;
	v0 =	vmul.f32 $1.131370830e+01, v3;
	v3 =	vld [tilespmem:s10+$0xFFFFFFD0]  }
0x61: {  	[tilespmem:s10+$0xFFFFFF70] =	vst v1;
	v1 =	vmul.f32 $1.131370830e+01, v2;
	v2 =	vld [tilespmem:s10+$0xFFFFFFE0]  }
0x62: {  	[tilespmem:s10+$0xFFFFFF80] =	vst v0;
	v0 =	vmul.f32 $1.131370830e+01, v6;
	v6 =	vld [tilespmem:s10+$0x0]  }
0x63: {  	[tilespmem:s10+$0xFFFFFF90] =	vst v1;
	v1 =	vmul.f32 $1.131370830e+01, v5;
	v5 =	vld [tilespmem:s10+$0x10]  }
0x64: {  	[tilespmem:s10+$0xFFFFFFA0] =	vst v0;
	v0 =	vmul.f32 $1.131370830e+01, v4;
	v4 =	vld [tilespmem:s10+$0x20]  }
0x65: {  	[tilespmem:s10+$0xFFFFFFB0] =	vst v1;
	v1 =	vmul.f32 $1.131370830e+01, v3;
	v3 =	vld [tilespmem:s10+$0x30]  }
0x66: {  	[tilespmem:s10+$0xFFFFFFC0] =	vst v0;
	v0 =	vmul.f32 $1.131370830e+01, v2;
	v2 =	vld [tilespmem:s10+$0x40]  }
0x67: {  	[tilespmem:s10+$0xFFFFFFD0] =	vst v1;
	v1 =	vmul.f32 $1.131370830e+01, v6;
	v6 =	vld [tilespmem:s10+$0x50]  }
0x68: {  	[tilespmem:s10+$0xFFFFFFE0] =	vst v0;
	v0 =	vmul.f32 $1.131370830e+01, v5;
	v5 =	vld [tilespmem:s10+$0x60]  }
0x69: {  	[tilespmem:s10+$0x0] =	vst v1;
	v1 =	vmul.f32 $1.131370830e+01, v4;
	v4 =	vld [tilespmem:s10+$0x70]  }
0x6a: {  	[tilespmem:s10+$0x10] =	vst v0;
	v0 =	vmul.f32 $1.131370830e+01, v3;
	v3 =	vld [tilespmem:s10+$0x80]  }
0x6b: {  	[tilespmem:s10+$0x20] =	vst v1;
	v1 =	vmul.f32 $1.131370830e+01, v2;
	v2 =	vld [tilespmem:s10+$0x90]  }
0x6c: {  	s7 =	sadd.s32 $0x4, s7;
	[tilespmem:s10+$0x30] =	vst v0;
	v0 =	vmul.f32 $1.131370830e+01, v6;
	v6 =	vld [tilespmem:s10+$0xA0]  }
0x6d: {  	p0 =	slt.u32 s7, $0x7C;
	[tilespmem:s10+$0x40] =	vst v1;
	v1 =	vmul.f32 $1.131370830e+01, v5;
	v7 =	vld [tilespmem:s10+$0xB0]  }
.Ltmp2:
0x6e: {  	[tilespmem:s10+$0x50] =	vst v0;
	v4 =	vmul.f32 $1.131370830e+01, v4;
	v0 =	vld [tilespmem:s10+$0xC0];
	(pc) =	sbr.rel @p0 .LBB2_3-.Ltmp2, $4  }
0x6f: {  	[tilespmem:s10+$0x60] =	vst v1;
	v5 =	vmul.f32 $1.131370830e+01, v3;
	v1 =	vld [tilespmem:s10+$0xD0]  }
0x70: {  	[tilespmem:s10+$0x70] =	vst v4;
	v8 =	vmul.f32 $1.131370830e+01, v2;
	v3 =	vld [tilespmem:s10+$0xE0]  }
0x71: {  	[tilespmem:s10+$0x80] =	vst v5;
	v5 =	vmul.f32 $1.131370830e+01, v6;
	v2 =	vld [tilespmem:s10+$0xF0]  }
0x72: {  	s10 =	sadd.s32 $0x200, s10;
	v4 =	vld [tilespmem:s12+$0xFFFFFFF0];
	[tilespmem:s12+$0x90] =	vst v8;
	v6 =	vmul.f32 $1.131370830e+01, v7  }
0x73: {  	[tilespmem:s12+$0xA0] =	vst v5;
	v0 =	vmul.f32 $1.131370830e+01, v0  }
0x74: {  	[tilespmem:s12+$0xB0] =	vst v6;
	v1 =	vmul.f32 $1.131370830e+01, v1  }
0x75: {  	s18 =	smul.u32 $0x280000, s11;
	[tilespmem:s12+$0xC0] =	vst v0;
	v0 =	vmul.f32 $1.131370830e+01, v3  }
0x76: {  	[tilespmem:s12+$0xD0] =	vst v1;
	v1 =	vmul.f32 $1.131370830e+01, v2  }
0x77: {  	s5 =	sor.u32 s6, s18;
	v2 =	vmul.f32 $1.131370830e+01, v4;
	[tilespmem:s12+$0xE0] =	vst v0  }
0x78: {  	s5 =	sshrl.u32 s5, $0x3;
	[tilespmem:s12+$0xF0] =	vst v1  }
0x79: {  	p0 =	seq.s32 s11, $0x0;
	s5 =	sadd.s32 s3, s5;
	[tilespmem:s12+$0xFFFFFFF0] =	vst v2;
	s12 =	smul.u32 $0x5, s11  }
0x7a: {  	[hbm4b:s5+s4] =	stream.linear.scatter [tilespmem:s16], [sflag:$0x6], $0x4000, $0x38;
	[tilespmem:$0x15C00] =	vst v63  }
0x7b: {  	s5 =	simm.s32 @!p0 $0x9  }
0x7c: {  	s13 =	sadd.s32 $0x3, s12;
	_ =	swait.ge @!p0 [sflag:s5], $0x4000  }
0x7d: {  	[sflag:s5] =	ssyncset.done @!p0 $0x0;
	s7 =	sshll.u32 s13, $0x7  }
0x7e: {  	[sflag:s5] =	ssyncadd.s32 @!p0 $0xFFFFC000;
	s10 =	sand.u32 $0x3FFFFF80, s7  }
0x7f: {  	[tilespmem:s21], [sflag:$0x4] =	stream.indirect.gather [hbm4b:s1+s15], $0x80, s10, s15, $0xb8;
	[tilespmem:$0x15C00] =	vst v63  }
0x80: {  	_ =	swait.ge [sflag:s22], $0x4000  }
0x81: {  	[sflag:s22] =	ssyncset.done $0x0  }
0x82: {  	s7 =	simm.s32 $0x5D00;
	[sflag:s22] =	ssyncadd.s32 $0xFFFFC000  }
0x83: {  	v0 =	vld [tilespmem:s7+$0xFFFFFF00]  }
0x84: {  	v1 =	vld [tilespmem:s7+$0xFFFFFF10]  }
0x85: {  	v2 =	vld [tilespmem:s7+$0xFFFFFF20]  }
0x86: {  	v3 =	vld [tilespmem:s7+$0xFFFFFF30]  }
0x87: {  	v4 =	vld [tilespmem:s7+$0xFFFFFF40]  }
0x88: {  	v5 =	vld [tilespmem:s7+$0xFFFFFF50];
	v0 =	vmul.f32 $1.131370830e+01, v0  }
0x89: {  	v6 =	vld [tilespmem:s7+$0xFFFFFF60];
	v1 =	vmul.f32 $1.131370830e+01, v1  }
0x8a: {  	[tilespmem:s7+$0xFFFFFF00] =	vst v0;
	v0 =	vmul.f32 $1.131370830e+01, v2;
	v2 =	vld [tilespmem:s7+$0xFFFFFF70]  }
0x8b: {  	[tilespmem:s7+$0xFFFFFF10] =	vst v1;
	v1 =	vmul.f32 $1.131370830e+01, v3;
	v3 =	vld [tilespmem:s7+$0xFFFFFF80]  }
0x8c: {  	[tilespmem:s7+$0xFFFFFF20] =	vst v0;
	v0 =	vmul.f32 $1.131370830e+01, v4;
	v4 =	vld [tilespmem:s7+$0xFFFFFF90]  }
0x8d: {  	[tilespmem:s7+$0xFFFFFF30] =	vst v1;
	v1 =	vmul.f32 $1.131370830e+01, v5;
	v5 =	vld [tilespmem:s7+$0xFFFFFFA0]  }
0x8e: {  	[tilespmem:s7+$0xFFFFFF40] =	vst v0;
	v0 =	vmul.f32 $1.131370830e+01, v6;
	v6 =	vld [tilespmem:s7+$0xFFFFFFB0]  }
0x8f: {  	[tilespmem:s7+$0xFFFFFF50] =	vst v1;
	v1 =	vmul.f32 $1.131370830e+01, v2;
	v2 =	vld [tilespmem:s7+$0xFFFFFFC0]  }
0x90: {  	[tilespmem:s7+$0xFFFFFF60] =	vst v0;
	v0 =	vmul.f32 $1.131370830e+01, v3;
	v3 =	vld [tilespmem:s7+$0xFFFFFFD0]  }
0x91: {  	[tilespmem:s7+$0xFFFFFF70] =	vst v1;
	v1 =	vmul.f32 $1.131370830e+01, v4;
	v4 =	vld [tilespmem:s7+$0xFFFFFFE0]  }
0x92: {  	[tilespmem:s7+$0xFFFFFF80] =	vst v0;
	v0 =	vmul.f32 $1.131370830e+01, v5;
	v5 =	vld [tilespmem:s7+$0x0]  }
0x93: {  	[tilespmem:s7+$0xFFFFFF90] =	vst v1;
	v1 =	vmul.f32 $1.131370830e+01, v6;
	v6 =	vld [tilespmem:s7+$0x10]  }
0x94: {  	[tilespmem:s7+$0xFFFFFFA0] =	vst v0;
	v0 =	vmul.f32 $1.131370830e+01, v2;
	v2 =	vld [tilespmem:s7+$0x20]  }
0x95: {  	[tilespmem:s7+$0xFFFFFFB0] =	vst v1;
	v1 =	vmul.f32 $1.131370830e+01, v3;
	v3 =	vld [tilespmem:s7+$0x30]  }
0x96: {  	[tilespmem:s7+$0xFFFFFFC0] =	vst v0;
	v0 =	vmul.f32 $1.131370830e+01, v4;
	v4 =	vld [tilespmem:s7+$0x40]  }
0x97: {  	[tilespmem:s7+$0xFFFFFFD0] =	vst v1;
	v1 =	vmul.f32 $1.131370830e+01, v5;
	v5 =	vld [tilespmem:s7+$0x50]  }
0x98: {  	[tilespmem:s7+$0xFFFFFFE0] =	vst v0;
	v0 =	vmul.f32 $1.131370830e+01, v6;
	v6 =	vld [tilespmem:s7+$0x60]  }
0x99: {  	[tilespmem:s7+$0x0] =	vst v1;
	v1 =	vmul.f32 $1.131370830e+01, v2;
	v2 =	vld [tilespmem:s7+$0x70]  }
0x9a: {  	[tilespmem:s7+$0x10] =	vst v0;
	v0 =	vmul.f32 $1.131370830e+01, v3;
	v3 =	vld [tilespmem:s7+$0x80]  }
0x9b: {  	[tilespmem:s7+$0x20] =	vst v1;
	v1 =	vmul.f32 $1.131370830e+01, v4;
	v4 =	vld [tilespmem:s7+$0x90]  }
0x9c: {  	[tilespmem:s7+$0x30] =	vst v0;
	v0 =	vmul.f32 $1.131370830e+01, v5;
	v5 =	vld [tilespmem:s7+$0xA0]  }
0x9d: {  	[tilespmem:s7+$0x40] =	vst v1;
	v1 =	vmul.f32 $1.131370830e+01, v6;
	v6 =	vld [tilespmem:s7+$0xB0]  }
0x9e: {  	[tilespmem:s7+$0x50] =	vst v0;
	v2 =	vmul.f32 $1.131370830e+01, v2;
	v0 =	vld [tilespmem:s7+$0xC0]  }
0x9f: {  	[tilespmem:s7+$0x60] =	vst v1;
	v3 =	vmul.f32 $1.131370830e+01, v3;
	v1 =	vld [tilespmem:s7+$0xD0]  }
0xa0: {  	[tilespmem:s7+$0x70] =	vst v2;
	v7 =	vmul.f32 $1.131370830e+01, v4;
	v2 =	vld [tilespmem:s7+$0xE0]  }
0xa1: {  	[tilespmem:s7+$0x80] =	vst v3;
	v3 =	vld [tilespmem:s7+$0xF0];
	v5 =	vmul.f32 $1.131370830e+01, v5  }
0xa2: {  	s5 =	simm.s32 $0x5F00;
	s10 =	simm.s32 $0x0;
	v4 =	vld [tilespmem:s7+$0xFFFFFFF0];
	[tilespmem:s7+$0x90] =	vst v7;
	v6 =	vmul.f32 $1.131370830e+01, v6  }
.LBB2_5:
0xa3: {  	v7 =	vld [tilespmem:s5+$0xFFFFFF00];
	[tilespmem:s7+$0xA0] =	vst v5;
	v0 =	vmul.f32 $1.131370830e+01, v0  }
0xa4: {  	v5 =	vld [tilespmem:s5+$0xFFFFFF10];
	[tilespmem:s7+$0xB0] =	vst v6;
	v1 =	vmul.f32 $1.131370830e+01, v1  }
0xa5: {  	v6 =	vld [tilespmem:s5+$0xFFFFFF20];
	[tilespmem:s7+$0xC0] =	vst v0;
	v0 =	vmul.f32 $1.131370830e+01, v2  }
0xa6: {  	v2 =	vld [tilespmem:s5+$0xFFFFFF30];
	[tilespmem:s7+$0xD0] =	vst v1;
	v1 =	vmul.f32 $1.131370830e+01, v3  }
0xa7: {  	v3 =	vld [tilespmem:s5+$0xFFFFFF40];
	v4 =	vmul.f32 $1.131370830e+01, v4;
	[tilespmem:s7+$0xE0] =	vst v0  }
0xa8: {  	v0 =	vmul.f32 $1.131370830e+01, v7;
	v7 =	vld [tilespmem:s5+$0xFFFFFF50];
	[tilespmem:s7+$0xF0] =	vst v1  }
0xa9: {  	v1 =	vmul.f32 $1.131370830e+01, v5;
	v5 =	vld [tilespmem:s5+$0xFFFFFF60];
	[tilespmem:s7+$0xFFFFFFF0] =	vst v4;
	s7 =	smov.u32 s5  }
0xaa: {  	[tilespmem:s5+$0xFFFFFF00] =	vst v0;
	v0 =	vmul.f32 $1.131370830e+01, v6;
	v4 =	vld [tilespmem:s5+$0xFFFFFF70]  }
0xab: {  	[tilespmem:s5+$0xFFFFFF10] =	vst v1;
	v1 =	vmul.f32 $1.131370830e+01, v2;
	v2 =	vld [tilespmem:s5+$0xFFFFFF80]  }
0xac: {  	[tilespmem:s5+$0xFFFFFF20] =	vst v0;
	v0 =	vmul.f32 $1.131370830e+01, v3;
	v3 =	vld [tilespmem:s5+$0xFFFFFF90]  }
0xad: {  	[tilespmem:s5+$0xFFFFFF30] =	vst v1;
	v1 =	vmul.f32 $1.131370830e+01, v7;
	v6 =	vld [tilespmem:s5+$0xFFFFFFA0]  }
0xae: {  	[tilespmem:s5+$0xFFFFFF40] =	vst v0;
	v0 =	vmul.f32 $1.131370830e+01, v5;
	v5 =	vld [tilespmem:s5+$0xFFFFFFB0]  }
0xaf: {  	[tilespmem:s5+$0xFFFFFF50] =	vst v1;
	v1 =	vmul.f32 $1.131370830e+01, v4;
	v4 =	vld [tilespmem:s5+$0xFFFFFFC0]  }
0xb0: {  	[tilespmem:s5+$0xFFFFFF60] =	vst v0;
	v0 =	vmul.f32 $1.131370830e+01, v2;
	v2 =	vld [tilespmem:s5+$0xFFFFFFD0]  }
0xb1: {  	[tilespmem:s5+$0xFFFFFF70] =	vst v1;
	v1 =	vmul.f32 $1.131370830e+01, v3;
	v3 =	vld [tilespmem:s5+$0xFFFFFFE0]  }
0xb2: {  	[tilespmem:s5+$0xFFFFFF80] =	vst v0;
	v0 =	vmul.f32 $1.131370830e+01, v6;
	v6 =	vld [tilespmem:s5+$0x0]  }
0xb3: {  	[tilespmem:s5+$0xFFFFFF90] =	vst v1;
	v1 =	vmul.f32 $1.131370830e+01, v5;
	v5 =	vld [tilespmem:s5+$0x10]  }
0xb4: {  	[tilespmem:s5+$0xFFFFFFA0] =	vst v0;
	v0 =	vmul.f32 $1.131370830e+01, v4;
	v4 =	vld [tilespmem:s5+$0x20]  }
0xb5: {  	[tilespmem:s5+$0xFFFFFFB0] =	vst v1;
	v1 =	vmul.f32 $1.131370830e+01, v2;
	v2 =	vld [tilespmem:s5+$0x30]  }
0xb6: {  	[tilespmem:s5+$0xFFFFFFC0] =	vst v0;
	v0 =	vmul.f32 $1.131370830e+01, v3;
	v3 =	vld [tilespmem:s5+$0x40]  }
0xb7: {  	[tilespmem:s5+$0xFFFFFFD0] =	vst v1;
	v1 =	vmul.f32 $1.131370830e+01, v6;
	v6 =	vld [tilespmem:s5+$0x50]  }
0xb8: {  	[tilespmem:s5+$0xFFFFFFE0] =	vst v0;
	v0 =	vmul.f32 $1.131370830e+01, v5;
	v5 =	vld [tilespmem:s5+$0x60]  }
0xb9: {  	[tilespmem:s5+$0x0] =	vst v1;
	v1 =	vmul.f32 $1.131370830e+01, v4;
	v4 =	vld [tilespmem:s5+$0x70]  }
0xba: {  	[tilespmem:s5+$0x10] =	vst v0;
	v0 =	vmul.f32 $1.131370830e+01, v2;
	v2 =	vld [tilespmem:s5+$0x80]  }
0xbb: {  	[tilespmem:s5+$0x20] =	vst v1;
	v1 =	vmul.f32 $1.131370830e+01, v3;
	v3 =	vld [tilespmem:s5+$0x90]  }
0xbc: {  	s10 =	sadd.s32 $0x4, s10;
	[tilespmem:s5+$0x30] =	vst v0;
	v0 =	vmul.f32 $1.131370830e+01, v6;
	v6 =	vld [tilespmem:s5+$0xA0]  }
0xbd: {  	p1 =	slt.u32 s10, $0x7C;
	[tilespmem:s5+$0x40] =	vst v1;
	v1 =	vmul.f32 $1.131370830e+01, v5;
	v7 =	vld [tilespmem:s5+$0xB0]  }
.Ltmp3:
0xbe: {  	[tilespmem:s5+$0x50] =	vst v0;
	v4 =	vmul.f32 $1.131370830e+01, v4;
	v0 =	vld [tilespmem:s5+$0xC0];
	(pc) =	sbr.rel @p1 .LBB2_5-.Ltmp3, $4  }
0xbf: {  	[tilespmem:s5+$0x60] =	vst v1;
	v5 =	vmul.f32 $1.131370830e+01, v2;
	v1 =	vld [tilespmem:s5+$0xD0]  }
0xc0: {  	[tilespmem:s5+$0x70] =	vst v4;
	v8 =	vmul.f32 $1.131370830e+01, v3;
	v2 =	vld [tilespmem:s5+$0xE0]  }
0xc1: {  	[tilespmem:s5+$0x80] =	vst v5;
	v5 =	vmul.f32 $1.131370830e+01, v6;
	v3 =	vld [tilespmem:s5+$0xF0]  }
0xc2: {  	s5 =	sadd.s32 $0x200, s5;
	v4 =	vld [tilespmem:s7+$0xFFFFFFF0];
	[tilespmem:s7+$0x90] =	vst v8;
	v6 =	vmul.f32 $1.131370830e+01, v7  }
0xc3: {  	[tilespmem:s7+$0xA0] =	vst v5;
	v0 =	vmul.f32 $1.131370830e+01, v0  }
0xc4: {  	[tilespmem:s7+$0xB0] =	vst v6;
	v1 =	vmul.f32 $1.131370830e+01, v1  }
0xc5: {  	[tilespmem:s7+$0xC0] =	vst v0;
	v0 =	vmul.f32 $1.131370830e+01, v2  }
0xc6: {  	[tilespmem:s7+$0xD0] =	vst v1;
	v1 =	vmul.f32 $1.131370830e+01, v3  }
0xc7: {  	s5 =	sadd.s32 s8, s18;
	v2 =	vmul.f32 $1.131370830e+01, v4;
	[tilespmem:s7+$0xE0] =	vst v0  }
0xc8: {  	s5 =	sshrl.u32 s5, $0x3;
	[tilespmem:s7+$0xF0] =	vst v1  }
0xc9: {  	s5 =	sadd.s32 s3, s5;
	[tilespmem:s7+$0xFFFFFFF0] =	vst v2  }
0xca: {  	[hbm4b:s5+s4] =	stream.linear.scatter [tilespmem:s17], [sflag:$0x7], $0x4000, $0x38;
	[tilespmem:$0x15C00] =	vst v63  }
0xcb: {  	s5 =	simm.s32 @!p0 $0xA  }
0xcc: {  	s12 =	sadd.s32 $0x4, s12;
	_ =	swait.ge @!p0 [sflag:s5], $0x4000  }
0xcd: {  	s10 =	sshll.u32 s12, $0x7;
	[sflag:s5] =	ssyncset.done @!p0 $0x0  }
0xce: {  	s10 =	sand.u32 $0x3FFFFF80, s10;
	[sflag:s5] =	ssyncadd.s32 @!p0 $0xFFFFC000  }
0xcf: {  	[tilespmem:s23], [sflag:$0x5] =	stream.indirect.gather [hbm4b:s1+s15], $0x80, s10, s15, $0xb8;
	[tilespmem:$0x15C00] =	vst v63  }
0xd0: {  	_ =	swait.ge [sflag:s24], $0x4000  }
0xd1: {  	[sflag:s24] =	ssyncset.done $0x0  }
0xd2: {  	s7 =	simm.s32 $0x9D00;
	[sflag:s24] =	ssyncadd.s32 $0xFFFFC000  }
0xd3: {  	v0 =	vld [tilespmem:s7+$0xFFFFFF00]  }
0xd4: {  	v1 =	vld [tilespmem:s7+$0xFFFFFF10]  }
0xd5: {  	v2 =	vld [tilespmem:s7+$0xFFFFFF20]  }
0xd6: {  	v3 =	vld [tilespmem:s7+$0xFFFFFF30]  }
0xd7: {  	v4 =	vld [tilespmem:s7+$0xFFFFFF40]  }
0xd8: {  	v5 =	vld [tilespmem:s7+$0xFFFFFF50];
	v0 =	vmul.f32 $1.131370830e+01, v0  }
0xd9: {  	v6 =	vld [tilespmem:s7+$0xFFFFFF60];
	v1 =	vmul.f32 $1.131370830e+01, v1  }
0xda: {  	[tilespmem:s7+$0xFFFFFF00] =	vst v0;
	v0 =	vmul.f32 $1.131370830e+01, v2;
	v2 =	vld [tilespmem:s7+$0xFFFFFF70]  }
0xdb: {  	[tilespmem:s7+$0xFFFFFF10] =	vst v1;
	v1 =	vmul.f32 $1.131370830e+01, v3;
	v3 =	vld [tilespmem:s7+$0xFFFFFF80]  }
0xdc: {  	[tilespmem:s7+$0xFFFFFF20] =	vst v0;
	v0 =	vmul.f32 $1.131370830e+01, v4;
	v4 =	vld [tilespmem:s7+$0xFFFFFF90]  }
0xdd: {  	[tilespmem:s7+$0xFFFFFF30] =	vst v1;
	v1 =	vmul.f32 $1.131370830e+01, v5;
	v5 =	vld [tilespmem:s7+$0xFFFFFFA0]  }
0xde: {  	[tilespmem:s7+$0xFFFFFF40] =	vst v0;
	v0 =	vmul.f32 $1.131370830e+01, v6;
	v6 =	vld [tilespmem:s7+$0xFFFFFFB0]  }
0xdf: {  	[tilespmem:s7+$0xFFFFFF50] =	vst v1;
	v1 =	vmul.f32 $1.131370830e+01, v2;
	v2 =	vld [tilespmem:s7+$0xFFFFFFC0]  }
0xe0: {  	[tilespmem:s7+$0xFFFFFF60] =	vst v0;
	v0 =	vmul.f32 $1.131370830e+01, v3;
	v3 =	vld [tilespmem:s7+$0xFFFFFFD0]  }
0xe1: {  	[tilespmem:s7+$0xFFFFFF70] =	vst v1;
	v1 =	vmul.f32 $1.131370830e+01, v4;
	v4 =	vld [tilespmem:s7+$0xFFFFFFE0]  }
0xe2: {  	[tilespmem:s7+$0xFFFFFF80] =	vst v0;
	v0 =	vmul.f32 $1.131370830e+01, v5;
	v5 =	vld [tilespmem:s7+$0x0]  }
0xe3: {  	[tilespmem:s7+$0xFFFFFF90] =	vst v1;
	v1 =	vmul.f32 $1.131370830e+01, v6;
	v6 =	vld [tilespmem:s7+$0x10]  }
0xe4: {  	[tilespmem:s7+$0xFFFFFFA0] =	vst v0;
	v0 =	vmul.f32 $1.131370830e+01, v2;
	v2 =	vld [tilespmem:s7+$0x20]  }
0xe5: {  	[tilespmem:s7+$0xFFFFFFB0] =	vst v1;
	v1 =	vmul.f32 $1.131370830e+01, v3;
	v3 =	vld [tilespmem:s7+$0x30]  }
0xe6: {  	[tilespmem:s7+$0xFFFFFFC0] =	vst v0;
	v0 =	vmul.f32 $1.131370830e+01, v4;
	v4 =	vld [tilespmem:s7+$0x40]  }
0xe7: {  	[tilespmem:s7+$0xFFFFFFD0] =	vst v1;
	v1 =	vmul.f32 $1.131370830e+01, v5;
	v5 =	vld [tilespmem:s7+$0x50]  }
0xe8: {  	[tilespmem:s7+$0xFFFFFFE0] =	vst v0;
	v0 =	vmul.f32 $1.131370830e+01, v6;
	v6 =	vld [tilespmem:s7+$0x60]  }
0xe9: {  	[tilespmem:s7+$0x0] =	vst v1;
	v1 =	vmul.f32 $1.131370830e+01, v2;
	v2 =	vld [tilespmem:s7+$0x70]  }
0xea: {  	[tilespmem:s7+$0x10] =	vst v0;
	v0 =	vmul.f32 $1.131370830e+01, v3;
	v3 =	vld [tilespmem:s7+$0x80]  }
0xeb: {  	[tilespmem:s7+$0x20] =	vst v1;
	v1 =	vmul.f32 $1.131370830e+01, v4;
	v4 =	vld [tilespmem:s7+$0x90]  }
0xec: {  	[tilespmem:s7+$0x30] =	vst v0;
	v0 =	vmul.f32 $1.131370830e+01, v5;
	v5 =	vld [tilespmem:s7+$0xA0]  }
0xed: {  	[tilespmem:s7+$0x40] =	vst v1;
	v1 =	vmul.f32 $1.131370830e+01, v6;
	v6 =	vld [tilespmem:s7+$0xB0]  }
0xee: {  	[tilespmem:s7+$0x50] =	vst v0;
	v2 =	vmul.f32 $1.131370830e+01, v2;
	v0 =	vld [tilespmem:s7+$0xC0]  }
0xef: {  	[tilespmem:s7+$0x60] =	vst v1;
	v3 =	vmul.f32 $1.131370830e+01, v3;
	v1 =	vld [tilespmem:s7+$0xD0]  }
0xf0: {  	[tilespmem:s7+$0x70] =	vst v2;
	v7 =	vmul.f32 $1.131370830e+01, v4;
	v2 =	vld [tilespmem:s7+$0xE0]  }
0xf1: {  	[tilespmem:s7+$0x80] =	vst v3;
	v3 =	vld [tilespmem:s7+$0xF0];
	v5 =	vmul.f32 $1.131370830e+01, v5  }
0xf2: {  	s5 =	simm.s32 $0x9F00;
	s10 =	simm.s32 $0x0;
	v4 =	vld [tilespmem:s7+$0xFFFFFFF0];
	[tilespmem:s7+$0x90] =	vst v7;
	v6 =	vmul.f32 $1.131370830e+01, v6  }
.LBB2_7:
0xf3: {  	v7 =	vld [tilespmem:s5+$0xFFFFFF00];
	[tilespmem:s7+$0xA0] =	vst v5;
	v0 =	vmul.f32 $1.131370830e+01, v0  }
0xf4: {  	v5 =	vld [tilespmem:s5+$0xFFFFFF10];
	[tilespmem:s7+$0xB0] =	vst v6;
	v1 =	vmul.f32 $1.131370830e+01, v1  }
0xf5: {  	v6 =	vld [tilespmem:s5+$0xFFFFFF20];
	[tilespmem:s7+$0xC0] =	vst v0;
	v0 =	vmul.f32 $1.131370830e+01, v2  }
0xf6: {  	v2 =	vld [tilespmem:s5+$0xFFFFFF30];
	[tilespmem:s7+$0xD0] =	vst v1;
	v1 =	vmul.f32 $1.131370830e+01, v3  }
0xf7: {  	v3 =	vld [tilespmem:s5+$0xFFFFFF40];
	v4 =	vmul.f32 $1.131370830e+01, v4;
	[tilespmem:s7+$0xE0] =	vst v0  }
0xf8: {  	v0 =	vmul.f32 $1.131370830e+01, v7;
	v7 =	vld [tilespmem:s5+$0xFFFFFF50];
	[tilespmem:s7+$0xF0] =	vst v1  }
0xf9: {  	v1 =	vmul.f32 $1.131370830e+01, v5;
	v5 =	vld [tilespmem:s5+$0xFFFFFF60];
	[tilespmem:s7+$0xFFFFFFF0] =	vst v4;
	s7 =	smov.u32 s5  }
0xfa: {  	[tilespmem:s5+$0xFFFFFF00] =	vst v0;
	v0 =	vmul.f32 $1.131370830e+01, v6;
	v4 =	vld [tilespmem:s5+$0xFFFFFF70]  }
0xfb: {  	[tilespmem:s5+$0xFFFFFF10] =	vst v1;
	v1 =	vmul.f32 $1.131370830e+01, v2;
	v2 =	vld [tilespmem:s5+$0xFFFFFF80]  }
0xfc: {  	[tilespmem:s5+$0xFFFFFF20] =	vst v0;
	v0 =	vmul.f32 $1.131370830e+01, v3;
	v3 =	vld [tilespmem:s5+$0xFFFFFF90]  }
0xfd: {  	[tilespmem:s5+$0xFFFFFF30] =	vst v1;
	v1 =	vmul.f32 $1.131370830e+01, v7;
	v6 =	vld [tilespmem:s5+$0xFFFFFFA0]  }
0xfe: {  	[tilespmem:s5+$0xFFFFFF40] =	vst v0;
	v0 =	vmul.f32 $1.131370830e+01, v5;
	v5 =	vld [tilespmem:s5+$0xFFFFFFB0]  }
0xff: {  	[tilespmem:s5+$0xFFFFFF50] =	vst v1;
	v1 =	vmul.f32 $1.131370830e+01, v4;
	v4 =	vld [tilespmem:s5+$0xFFFFFFC0]  }
0x100: {  	[tilespmem:s5+$0xFFFFFF60] =	vst v0;
	v0 =	vmul.f32 $1.131370830e+01, v2;
	v2 =	vld [tilespmem:s5+$0xFFFFFFD0]  }
0x101: {  	[tilespmem:s5+$0xFFFFFF70] =	vst v1;
	v1 =	vmul.f32 $1.131370830e+01, v3;
	v3 =	vld [tilespmem:s5+$0xFFFFFFE0]  }
0x102: {  	[tilespmem:s5+$0xFFFFFF80] =	vst v0;
	v0 =	vmul.f32 $1.131370830e+01, v6;
	v6 =	vld [tilespmem:s5+$0x0]  }
0x103: {  	[tilespmem:s5+$0xFFFFFF90] =	vst v1;
	v1 =	vmul.f32 $1.131370830e+01, v5;
	v5 =	vld [tilespmem:s5+$0x10]  }
0x104: {  	[tilespmem:s5+$0xFFFFFFA0] =	vst v0;
	v0 =	vmul.f32 $1.131370830e+01, v4;
	v4 =	vld [tilespmem:s5+$0x20]  }
0x105: {  	[tilespmem:s5+$0xFFFFFFB0] =	vst v1;
	v1 =	vmul.f32 $1.131370830e+01, v2;
	v2 =	vld [tilespmem:s5+$0x30]  }
0x106: {  	[tilespmem:s5+$0xFFFFFFC0] =	vst v0;
	v0 =	vmul.f32 $1.131370830e+01, v3;
	v3 =	vld [tilespmem:s5+$0x40]  }
0x107: {  	[tilespmem:s5+$0xFFFFFFD0] =	vst v1;
	v1 =	vmul.f32 $1.131370830e+01, v6;
	v6 =	vld [tilespmem:s5+$0x50]  }
0x108: {  	[tilespmem:s5+$0xFFFFFFE0] =	vst v0;
	v0 =	vmul.f32 $1.131370830e+01, v5;
	v5 =	vld [tilespmem:s5+$0x60]  }
0x109: {  	[tilespmem:s5+$0x0] =	vst v1;
	v1 =	vmul.f32 $1.131370830e+01, v4;
	v4 =	vld [tilespmem:s5+$0x70]  }
0x10a: {  	[tilespmem:s5+$0x10] =	vst v0;
	v0 =	vmul.f32 $1.131370830e+01, v2;
	v2 =	vld [tilespmem:s5+$0x80]  }
0x10b: {  	[tilespmem:s5+$0x20] =	vst v1;
	v1 =	vmul.f32 $1.131370830e+01, v3;
	v3 =	vld [tilespmem:s5+$0x90]  }
0x10c: {  	s10 =	sadd.s32 $0x4, s10;
	[tilespmem:s5+$0x30] =	vst v0;
	v0 =	vmul.f32 $1.131370830e+01, v6;
	v6 =	vld [tilespmem:s5+$0xA0]  }
0x10d: {  	p0 =	slt.u32 s10, $0x7C;
	[tilespmem:s5+$0x40] =	vst v1;
	v1 =	vmul.f32 $1.131370830e+01, v5;
	v7 =	vld [tilespmem:s5+$0xB0]  }
.Ltmp4:
0x10e: {  	[tilespmem:s5+$0x50] =	vst v0;
	v4 =	vmul.f32 $1.131370830e+01, v4;
	v0 =	vld [tilespmem:s5+$0xC0];
	(pc) =	sbr.rel @p0 .LBB2_7-.Ltmp4, $4  }
0x10f: {  	[tilespmem:s5+$0x60] =	vst v1;
	v5 =	vmul.f32 $1.131370830e+01, v2;
	v1 =	vld [tilespmem:s5+$0xD0]  }
0x110: {  	[tilespmem:s5+$0x70] =	vst v4;
	v8 =	vmul.f32 $1.131370830e+01, v3;
	v2 =	vld [tilespmem:s5+$0xE0]  }
0x111: {  	[tilespmem:s5+$0x80] =	vst v5;
	v5 =	vmul.f32 $1.131370830e+01, v6;
	v3 =	vld [tilespmem:s5+$0xF0]  }
0x112: {  	s5 =	sadd.s32 $0x200, s5;
	v4 =	vld [tilespmem:s7+$0xFFFFFFF0];
	[tilespmem:s7+$0x90] =	vst v8;
	v6 =	vmul.f32 $1.131370830e+01, v7  }
0x113: {  	[tilespmem:s7+$0xA0] =	vst v5;
	v0 =	vmul.f32 $1.131370830e+01, v0  }
0x114: {  	[tilespmem:s7+$0xB0] =	vst v6;
	v1 =	vmul.f32 $1.131370830e+01, v1  }
0x115: {  	[tilespmem:s7+$0xC0] =	vst v0;
	v0 =	vmul.f32 $1.131370830e+01, v2  }
0x116: {  	[tilespmem:s7+$0xD0] =	vst v1;
	v1 =	vmul.f32 $1.131370830e+01, v3  }
0x117: {  	s5 =	sadd.s32 s9, s18;
	v2 =	vmul.f32 $1.131370830e+01, v4;
	[tilespmem:s7+$0xE0] =	vst v0  }
0x118: {  	s5 =	sshrl.u32 s5, $0x3;
	[tilespmem:s7+$0xF0] =	vst v1  }
0x119: {  	p0 =	seq.s32 s11, $0x9;
	s5 =	sadd.s32 s3, s5;
	[tilespmem:s7+$0xFFFFFFF0] =	vst v2  }
0x11a: {  	[hbm4b:s5+s4] =	stream.linear.scatter [tilespmem:s19], [sflag:$0x8], $0x4000, $0x38;
	[tilespmem:$0x15C00] =	vst v63  }
0x11b: {  	s7 =	smul.u32 @!p0 $0xA00, s11;
	s5 =	simm.s32 @!p0 $0x6  }
0x11c: {  	_ =	swait.ge @!p0 [sflag:s5], $0x4000  }
0x11d: {  	s10 =	simm.s32 @!p0 $0x1C00;
	s18 =	sshra.s32 @!p0 s7, $0x2;
	[sflag:s5] =	ssyncset.done @!p0 $0x0  }
0x11e: {  	s7 =	simm.s32 @!p0 $0x80;
	[sflag:s5] =	ssyncadd.s32 @!p0 $0xFFFFC000;
	s5 =	sadd.s32 @!p0 $0x280, s18  }
0x11f: {  	[tilespmem:s10], [sflag:$0x1] =	stream.indirect.gather @!p0 [hbm4b:s1+s7], $0x80, s5, s7, $0xb8;
	[tilespmem:$0x15C00] =	vst v63  }
0x120: {  	_ =	swait.ge [sflag:s25], $0x4000  }
0x121: {  	[sflag:s25] =	ssyncset.done $0x0  }
0x122: {  	s7 =	simm.s32 $0xDD00;
	[sflag:s25] =	ssyncadd.s32 $0xFFFFC000  }
0x123: {  	v0 =	vld [tilespmem:s7+$0xFFFFFF00]  }
0x124: {  	v1 =	vld [tilespmem:s7+$0xFFFFFF10]  }
0x125: {  	v2 =	vld [tilespmem:s7+$0xFFFFFF20]  }
0x126: {  	v3 =	vld [tilespmem:s7+$0xFFFFFF30]  }
0x127: {  	v4 =	vld [tilespmem:s7+$0xFFFFFF40]  }
0x128: {  	v5 =	vld [tilespmem:s7+$0xFFFFFF50];
	v0 =	vmul.f32 $1.131370830e+01, v0  }
0x129: {  	v6 =	vld [tilespmem:s7+$0xFFFFFF60];
	v1 =	vmul.f32 $1.131370830e+01, v1  }
0x12a: {  	[tilespmem:s7+$0xFFFFFF00] =	vst v0;
	v0 =	vmul.f32 $1.131370830e+01, v2;
	v2 =	vld [tilespmem:s7+$0xFFFFFF70]  }
0x12b: {  	[tilespmem:s7+$0xFFFFFF10] =	vst v1;
	v1 =	vmul.f32 $1.131370830e+01, v3;
	v3 =	vld [tilespmem:s7+$0xFFFFFF80]  }
0x12c: {  	[tilespmem:s7+$0xFFFFFF20] =	vst v0;
	v0 =	vmul.f32 $1.131370830e+01, v4;
	v4 =	vld [tilespmem:s7+$0xFFFFFF90]  }
0x12d: {  	[tilespmem:s7+$0xFFFFFF30] =	vst v1;
	v1 =	vmul.f32 $1.131370830e+01, v5;
	v5 =	vld [tilespmem:s7+$0xFFFFFFA0]  }
0x12e: {  	[tilespmem:s7+$0xFFFFFF40] =	vst v0;
	v0 =	vmul.f32 $1.131370830e+01, v6;
	v6 =	vld [tilespmem:s7+$0xFFFFFFB0]  }
0x12f: {  	[tilespmem:s7+$0xFFFFFF50] =	vst v1;
	v1 =	vmul.f32 $1.131370830e+01, v2;
	v2 =	vld [tilespmem:s7+$0xFFFFFFC0]  }
0x130: {  	[tilespmem:s7+$0xFFFFFF60] =	vst v0;
	v0 =	vmul.f32 $1.131370830e+01, v3;
	v3 =	vld [tilespmem:s7+$0xFFFFFFD0]  }
0x131: {  	[tilespmem:s7+$0xFFFFFF70] =	vst v1;
	v1 =	vmul.f32 $1.131370830e+01, v4;
	v4 =	vld [tilespmem:s7+$0xFFFFFFE0]  }
0x132: {  	[tilespmem:s7+$0xFFFFFF80] =	vst v0;
	v0 =	vmul.f32 $1.131370830e+01, v5;
	v5 =	vld [tilespmem:s7+$0x0]  }
0x133: {  	[tilespmem:s7+$0xFFFFFF90] =	vst v1;
	v1 =	vmul.f32 $1.131370830e+01, v6;
	v6 =	vld [tilespmem:s7+$0x10]  }
0x134: {  	[tilespmem:s7+$0xFFFFFFA0] =	vst v0;
	v0 =	vmul.f32 $1.131370830e+01, v2;
	v2 =	vld [tilespmem:s7+$0x20]  }
0x135: {  	[tilespmem:s7+$0xFFFFFFB0] =	vst v1;
	v1 =	vmul.f32 $1.131370830e+01, v3;
	v3 =	vld [tilespmem:s7+$0x30]  }
0x136: {  	[tilespmem:s7+$0xFFFFFFC0] =	vst v0;
	v0 =	vmul.f32 $1.131370830e+01, v4;
	v4 =	vld [tilespmem:s7+$0x40]  }
0x137: {  	[tilespmem:s7+$0xFFFFFFD0] =	vst v1;
	v1 =	vmul.f32 $1.131370830e+01, v5;
	v5 =	vld [tilespmem:s7+$0x50]  }
0x138: {  	[tilespmem:s7+$0xFFFFFFE0] =	vst v0;
	v0 =	vmul.f32 $1.131370830e+01, v6;
	v6 =	vld [tilespmem:s7+$0x60]  }
0x139: {  	[tilespmem:s7+$0x0] =	vst v1;
	v1 =	vmul.f32 $1.131370830e+01, v2;
	v2 =	vld [tilespmem:s7+$0x70]  }
0x13a: {  	[tilespmem:s7+$0x10] =	vst v0;
	v0 =	vmul.f32 $1.131370830e+01, v3;
	v3 =	vld [tilespmem:s7+$0x80]  }
0x13b: {  	[tilespmem:s7+$0x20] =	vst v1;
	v1 =	vmul.f32 $1.131370830e+01, v4;
	v4 =	vld [tilespmem:s7+$0x90]  }
0x13c: {  	[tilespmem:s7+$0x30] =	vst v0;
	v0 =	vmul.f32 $1.131370830e+01, v5;
	v5 =	vld [tilespmem:s7+$0xA0]  }
0x13d: {  	[tilespmem:s7+$0x40] =	vst v1;
	v1 =	vmul.f32 $1.131370830e+01, v6;
	v6 =	vld [tilespmem:s7+$0xB0]  }
0x13e: {  	[tilespmem:s7+$0x50] =	vst v0;
	v2 =	vmul.f32 $1.131370830e+01, v2;
	v0 =	vld [tilespmem:s7+$0xC0]  }
0x13f: {  	[tilespmem:s7+$0x60] =	vst v1;
	v3 =	vmul.f32 $1.131370830e+01, v3;
	v1 =	vld [tilespmem:s7+$0xD0]  }
0x140: {  	[tilespmem:s7+$0x70] =	vst v2;
	v7 =	vmul.f32 $1.131370830e+01, v4;
	v2 =	vld [tilespmem:s7+$0xE0]  }
0x141: {  	[tilespmem:s7+$0x80] =	vst v3;
	v3 =	vld [tilespmem:s7+$0xF0];
	v5 =	vmul.f32 $1.131370830e+01, v5  }
0x142: {  	s10 =	simm.s32 $0x0;
	s5 =	simm.s32 $0xDF00;
	v4 =	vld [tilespmem:s7+$0xFFFFFFF0];
	[tilespmem:s7+$0x90] =	vst v7;
	v6 =	vmul.f32 $1.131370830e+01, v6  }
.LBB2_9:
0x143: {  	v7 =	vld [tilespmem:s5+$0xFFFFFF00];
	[tilespmem:s7+$0xA0] =	vst v5;
	v0 =	vmul.f32 $1.131370830e+01, v0  }
0x144: {  	v5 =	vld [tilespmem:s5+$0xFFFFFF10];
	[tilespmem:s7+$0xB0] =	vst v6;
	v1 =	vmul.f32 $1.131370830e+01, v1  }
0x145: {  	v6 =	vld [tilespmem:s5+$0xFFFFFF20];
	[tilespmem:s7+$0xC0] =	vst v0;
	v0 =	vmul.f32 $1.131370830e+01, v2  }
0x146: {  	v2 =	vld [tilespmem:s5+$0xFFFFFF30];
	[tilespmem:s7+$0xD0] =	vst v1;
	v1 =	vmul.f32 $1.131370830e+01, v3  }
0x147: {  	v3 =	vld [tilespmem:s5+$0xFFFFFF40];
	v4 =	vmul.f32 $1.131370830e+01, v4;
	[tilespmem:s7+$0xE0] =	vst v0  }
0x148: {  	v0 =	vmul.f32 $1.131370830e+01, v7;
	v7 =	vld [tilespmem:s5+$0xFFFFFF50];
	[tilespmem:s7+$0xF0] =	vst v1  }
0x149: {  	v1 =	vmul.f32 $1.131370830e+01, v5;
	v5 =	vld [tilespmem:s5+$0xFFFFFF60];
	[tilespmem:s7+$0xFFFFFFF0] =	vst v4;
	s7 =	smov.u32 s5  }
0x14a: {  	[tilespmem:s5+$0xFFFFFF00] =	vst v0;
	v0 =	vmul.f32 $1.131370830e+01, v6;
	v4 =	vld [tilespmem:s5+$0xFFFFFF70]  }
0x14b: {  	[tilespmem:s5+$0xFFFFFF10] =	vst v1;
	v1 =	vmul.f32 $1.131370830e+01, v2;
	v2 =	vld [tilespmem:s5+$0xFFFFFF80]  }
0x14c: {  	[tilespmem:s5+$0xFFFFFF20] =	vst v0;
	v0 =	vmul.f32 $1.131370830e+01, v3;
	v3 =	vld [tilespmem:s5+$0xFFFFFF90]  }
0x14d: {  	[tilespmem:s5+$0xFFFFFF30] =	vst v1;
	v1 =	vmul.f32 $1.131370830e+01, v7;
	v6 =	vld [tilespmem:s5+$0xFFFFFFA0]  }
0x14e: {  	[tilespmem:s5+$0xFFFFFF40] =	vst v0;
	v0 =	vmul.f32 $1.131370830e+01, v5;
	v5 =	vld [tilespmem:s5+$0xFFFFFFB0]  }
0x14f: {  	[tilespmem:s5+$0xFFFFFF50] =	vst v1;
	v1 =	vmul.f32 $1.131370830e+01, v4;
	v4 =	vld [tilespmem:s5+$0xFFFFFFC0]  }
0x150: {  	[tilespmem:s5+$0xFFFFFF60] =	vst v0;
	v0 =	vmul.f32 $1.131370830e+01, v2;
	v2 =	vld [tilespmem:s5+$0xFFFFFFD0]  }
0x151: {  	[tilespmem:s5+$0xFFFFFF70] =	vst v1;
	v1 =	vmul.f32 $1.131370830e+01, v3;
	v3 =	vld [tilespmem:s5+$0xFFFFFFE0]  }
0x152: {  	[tilespmem:s5+$0xFFFFFF80] =	vst v0;
	v0 =	vmul.f32 $1.131370830e+01, v6;
	v6 =	vld [tilespmem:s5+$0x0]  }
0x153: {  	[tilespmem:s5+$0xFFFFFF90] =	vst v1;
	v1 =	vmul.f32 $1.131370830e+01, v5;
	v5 =	vld [tilespmem:s5+$0x10]  }
0x154: {  	[tilespmem:s5+$0xFFFFFFA0] =	vst v0;
	v0 =	vmul.f32 $1.131370830e+01, v4;
	v4 =	vld [tilespmem:s5+$0x20]  }
0x155: {  	[tilespmem:s5+$0xFFFFFFB0] =	vst v1;
	v1 =	vmul.f32 $1.131370830e+01, v2;
	v2 =	vld [tilespmem:s5+$0x30]  }
0x156: {  	[tilespmem:s5+$0xFFFFFFC0] =	vst v0;
	v0 =	vmul.f32 $1.131370830e+01, v3;
	v3 =	vld [tilespmem:s5+$0x40]  }
0x157: {  	[tilespmem:s5+$0xFFFFFFD0] =	vst v1;
	v1 =	vmul.f32 $1.131370830e+01, v6;
	v6 =	vld [tilespmem:s5+$0x50]  }
0x158: {  	[tilespmem:s5+$0xFFFFFFE0] =	vst v0;
	v0 =	vmul.f32 $1.131370830e+01, v5;
	v5 =	vld [tilespmem:s5+$0x60]  }
0x159: {  	[tilespmem:s5+$0x0] =	vst v1;
	v1 =	vmul.f32 $1.131370830e+01, v4;
	v4 =	vld [tilespmem:s5+$0x70]  }
0x15a: {  	[tilespmem:s5+$0x10] =	vst v0;
	v0 =	vmul.f32 $1.131370830e+01, v2;
	v2 =	vld [tilespmem:s5+$0x80]  }
0x15b: {  	[tilespmem:s5+$0x20] =	vst v1;
	v1 =	vmul.f32 $1.131370830e+01, v3;
	v3 =	vld [tilespmem:s5+$0x90]  }
0x15c: {  	s10 =	sadd.s32 $0x4, s10;
	[tilespmem:s5+$0x30] =	vst v0;
	v0 =	vmul.f32 $1.131370830e+01, v6;
	v6 =	vld [tilespmem:s5+$0xA0]  }
0x15d: {  	p1 =	slt.u32 s10, $0x7C;
	[tilespmem:s5+$0x40] =	vst v1;
	v1 =	vmul.f32 $1.131370830e+01, v5;
	v7 =	vld [tilespmem:s5+$0xB0]  }
.Ltmp5:
0x15e: {  	[tilespmem:s5+$0x50] =	vst v0;
	v4 =	vmul.f32 $1.131370830e+01, v4;
	v0 =	vld [tilespmem:s5+$0xC0];
	(pc) =	sbr.rel @p1 .LBB2_9-.Ltmp5, $4  }
0x15f: {  	[tilespmem:s5+$0x60] =	vst v1;
	v5 =	vmul.f32 $1.131370830e+01, v2;
	v1 =	vld [tilespmem:s5+$0xD0]  }
0x160: {  	[tilespmem:s5+$0x70] =	vst v4;
	v8 =	vmul.f32 $1.131370830e+01, v3;
	v2 =	vld [tilespmem:s5+$0xE0]  }
0x161: {  	[tilespmem:s5+$0x80] =	vst v5;
	v5 =	vmul.f32 $1.131370830e+01, v6;
	v3 =	vld [tilespmem:s5+$0xF0]  }
0x162: {  	s5 =	sadd.s32 $0x200, s5;
	v4 =	vld [tilespmem:s7+$0xFFFFFFF0];
	[tilespmem:s7+$0x90] =	vst v8;
	v6 =	vmul.f32 $1.131370830e+01, v7  }
0x163: {  	[tilespmem:s7+$0xA0] =	vst v5;
	v0 =	vmul.f32 $1.131370830e+01, v0  }
0x164: {  	[tilespmem:s7+$0xB0] =	vst v6;
	v1 =	vmul.f32 $1.131370830e+01, v1  }
0x165: {  	[tilespmem:s7+$0xC0] =	vst v0;
	v0 =	vmul.f32 $1.131370830e+01, v2  }
0x166: {  	s5 =	sshll.u32 s13, $0x13;
	[tilespmem:s7+$0xD0] =	vst v1;
	v1 =	vmul.f32 $1.131370830e+01, v3  }
0x167: {  	s5 =	sor.u32 s6, s5;
	v2 =	vmul.f32 $1.131370830e+01, v4;
	[tilespmem:s7+$0xE0] =	vst v0  }
0x168: {  	s5 =	sshrl.u32 s5, $0x3;
	[tilespmem:s7+$0xF0] =	vst v1  }
0x169: {  	s5 =	sadd.s32 s3, s5;
	[tilespmem:s7+$0xFFFFFFF0] =	vst v2  }
0x16a: {  	[hbm4b:s5+s4] =	stream.linear.scatter [tilespmem:s21], [sflag:$0x9], $0x4000, $0x38;
	[tilespmem:$0x15C00] =	vst v63  }
0x16b: {  	s5 =	simm.s32 @!p0 $0x7  }
0x16c: {  	_ =	swait.ge @!p0 [sflag:s5], $0x4000  }
0x16d: {  	s10 =	simm.s32 @!p0 $0x5C00;
	[sflag:s5] =	ssyncset.done @!p0 $0x0  }
0x16e: {  	s7 =	simm.s32 @!p0 $0x80;
	[sflag:s5] =	ssyncadd.s32 @!p0 $0xFFFFC000;
	s5 =	sadd.s32 @!p0 $0x300, s18  }
0x16f: {  	[tilespmem:s10], [sflag:$0x2] =	stream.indirect.gather @!p0 [hbm4b:s1+s7], $0x80, s5, s7, $0xb8;
	[tilespmem:$0x15C00] =	vst v63  }
0x170: {  	_ =	swait.ge [sflag:s26], $0x4000  }
0x171: {  	[sflag:s26] =	ssyncset.done $0x0  }
0x172: {  	s7 =	simm.s32 $0x11D00;
	[sflag:s26] =	ssyncadd.s32 $0xFFFFC000  }
0x173: {  	v0 =	vld [tilespmem:s7+$0xFFFFFF00]  }
0x174: {  	v1 =	vld [tilespmem:s7+$0xFFFFFF10]  }
0x175: {  	v2 =	vld [tilespmem:s7+$0xFFFFFF20]  }
0x176: {  	v3 =	vld [tilespmem:s7+$0xFFFFFF30]  }
0x177: {  	v4 =	vld [tilespmem:s7+$0xFFFFFF40]  }
0x178: {  	v5 =	vld [tilespmem:s7+$0xFFFFFF50];
	v0 =	vmul.f32 $1.131370830e+01, v0  }
0x179: {  	v6 =	vld [tilespmem:s7+$0xFFFFFF60];
	v1 =	vmul.f32 $1.131370830e+01, v1  }
0x17a: {  	[tilespmem:s7+$0xFFFFFF00] =	vst v0;
	v0 =	vmul.f32 $1.131370830e+01, v2;
	v2 =	vld [tilespmem:s7+$0xFFFFFF70]  }
0x17b: {  	[tilespmem:s7+$0xFFFFFF10] =	vst v1;
	v1 =	vmul.f32 $1.131370830e+01, v3;
	v3 =	vld [tilespmem:s7+$0xFFFFFF80]  }
0x17c: {  	[tilespmem:s7+$0xFFFFFF20] =	vst v0;
	v0 =	vmul.f32 $1.131370830e+01, v4;
	v4 =	vld [tilespmem:s7+$0xFFFFFF90]  }
0x17d: {  	[tilespmem:s7+$0xFFFFFF30] =	vst v1;
	v1 =	vmul.f32 $1.131370830e+01, v5;
	v5 =	vld [tilespmem:s7+$0xFFFFFFA0]  }
0x17e: {  	[tilespmem:s7+$0xFFFFFF40] =	vst v0;
	v0 =	vmul.f32 $1.131370830e+01, v6;
	v6 =	vld [tilespmem:s7+$0xFFFFFFB0]  }
0x17f: {  	[tilespmem:s7+$0xFFFFFF50] =	vst v1;
	v1 =	vmul.f32 $1.131370830e+01, v2;
	v2 =	vld [tilespmem:s7+$0xFFFFFFC0]  }
0x180: {  	[tilespmem:s7+$0xFFFFFF60] =	vst v0;
	v0 =	vmul.f32 $1.131370830e+01, v3;
	v3 =	vld [tilespmem:s7+$0xFFFFFFD0]  }
0x181: {  	[tilespmem:s7+$0xFFFFFF70] =	vst v1;
	v1 =	vmul.f32 $1.131370830e+01, v4;
	v4 =	vld [tilespmem:s7+$0xFFFFFFE0]  }
0x182: {  	[tilespmem:s7+$0xFFFFFF80] =	vst v0;
	v0 =	vmul.f32 $1.131370830e+01, v5;
	v5 =	vld [tilespmem:s7+$0x0]  }
0x183: {  	[tilespmem:s7+$0xFFFFFF90] =	vst v1;
	v1 =	vmul.f32 $1.131370830e+01, v6;
	v6 =	vld [tilespmem:s7+$0x10]  }
0x184: {  	[tilespmem:s7+$0xFFFFFFA0] =	vst v0;
	v0 =	vmul.f32 $1.131370830e+01, v2;
	v2 =	vld [tilespmem:s7+$0x20]  }
0x185: {  	[tilespmem:s7+$0xFFFFFFB0] =	vst v1;
	v1 =	vmul.f32 $1.131370830e+01, v3;
	v3 =	vld [tilespmem:s7+$0x30]  }
0x186: {  	[tilespmem:s7+$0xFFFFFFC0] =	vst v0;
	v0 =	vmul.f32 $1.131370830e+01, v4;
	v4 =	vld [tilespmem:s7+$0x40]  }
0x187: {  	[tilespmem:s7+$0xFFFFFFD0] =	vst v1;
	v1 =	vmul.f32 $1.131370830e+01, v5;
	v5 =	vld [tilespmem:s7+$0x50]  }
0x188: {  	[tilespmem:s7+$0xFFFFFFE0] =	vst v0;
	v0 =	vmul.f32 $1.131370830e+01, v6;
	v6 =	vld [tilespmem:s7+$0x60]  }
0x189: {  	[tilespmem:s7+$0x0] =	vst v1;
	v1 =	vmul.f32 $1.131370830e+01, v2;
	v2 =	vld [tilespmem:s7+$0x70]  }
0x18a: {  	[tilespmem:s7+$0x10] =	vst v0;
	v0 =	vmul.f32 $1.131370830e+01, v3;
	v3 =	vld [tilespmem:s7+$0x80]  }
0x18b: {  	[tilespmem:s7+$0x20] =	vst v1;
	v1 =	vmul.f32 $1.131370830e+01, v4;
	v4 =	vld [tilespmem:s7+$0x90]  }
0x18c: {  	[tilespmem:s7+$0x30] =	vst v0;
	v0 =	vmul.f32 $1.131370830e+01, v5;
	v5 =	vld [tilespmem:s7+$0xA0]  }
0x18d: {  	[tilespmem:s7+$0x40] =	vst v1;
	v1 =	vmul.f32 $1.131370830e+01, v6;
	v6 =	vld [tilespmem:s7+$0xB0]  }
0x18e: {  	[tilespmem:s7+$0x50] =	vst v0;
	v2 =	vmul.f32 $1.131370830e+01, v2;
	v0 =	vld [tilespmem:s7+$0xC0]  }
0x18f: {  	[tilespmem:s7+$0x60] =	vst v1;
	v3 =	vmul.f32 $1.131370830e+01, v3;
	v1 =	vld [tilespmem:s7+$0xD0]  }
0x190: {  	[tilespmem:s7+$0x70] =	vst v2;
	v7 =	vmul.f32 $1.131370830e+01, v4;
	v2 =	vld [tilespmem:s7+$0xE0]  }
0x191: {  	[tilespmem:s7+$0x80] =	vst v3;
	v3 =	vld [tilespmem:s7+$0xF0];
	v5 =	vmul.f32 $1.131370830e+01, v5  }
0x192: {  	s10 =	simm.s32 $0x0;
	s5 =	simm.s32 $0x11F00;
	v4 =	vld [tilespmem:s7+$0xFFFFFFF0];
	[tilespmem:s7+$0x90] =	vst v7;
	v6 =	vmul.f32 $1.131370830e+01, v6  }
.LBB2_11:
0x193: {  	v7 =	vld [tilespmem:s5+$0xFFFFFF00];
	[tilespmem:s7+$0xA0] =	vst v5;
	v0 =	vmul.f32 $1.131370830e+01, v0  }
0x194: {  	v5 =	vld [tilespmem:s5+$0xFFFFFF10];
	[tilespmem:s7+$0xB0] =	vst v6;
	v1 =	vmul.f32 $1.131370830e+01, v1  }
0x195: {  	v6 =	vld [tilespmem:s5+$0xFFFFFF20];
	[tilespmem:s7+$0xC0] =	vst v0;
	v0 =	vmul.f32 $1.131370830e+01, v2  }
0x196: {  	v2 =	vld [tilespmem:s5+$0xFFFFFF30];
	[tilespmem:s7+$0xD0] =	vst v1;
	v1 =	vmul.f32 $1.131370830e+01, v3  }
0x197: {  	v3 =	vld [tilespmem:s5+$0xFFFFFF40];
	v4 =	vmul.f32 $1.131370830e+01, v4;
	[tilespmem:s7+$0xE0] =	vst v0  }
0x198: {  	v0 =	vmul.f32 $1.131370830e+01, v7;
	v7 =	vld [tilespmem:s5+$0xFFFFFF50];
	[tilespmem:s7+$0xF0] =	vst v1  }
0x199: {  	v1 =	vmul.f32 $1.131370830e+01, v5;
	v5 =	vld [tilespmem:s5+$0xFFFFFF60];
	[tilespmem:s7+$0xFFFFFFF0] =	vst v4;
	s7 =	smov.u32 s5  }
0x19a: {  	[tilespmem:s5+$0xFFFFFF00] =	vst v0;
	v0 =	vmul.f32 $1.131370830e+01, v6;
	v4 =	vld [tilespmem:s5+$0xFFFFFF70]  }
0x19b: {  	[tilespmem:s5+$0xFFFFFF10] =	vst v1;
	v1 =	vmul.f32 $1.131370830e+01, v2;
	v2 =	vld [tilespmem:s5+$0xFFFFFF80]  }
0x19c: {  	[tilespmem:s5+$0xFFFFFF20] =	vst v0;
	v0 =	vmul.f32 $1.131370830e+01, v3;
	v3 =	vld [tilespmem:s5+$0xFFFFFF90]  }
0x19d: {  	[tilespmem:s5+$0xFFFFFF30] =	vst v1;
	v1 =	vmul.f32 $1.131370830e+01, v7;
	v6 =	vld [tilespmem:s5+$0xFFFFFFA0]  }
0x19e: {  	[tilespmem:s5+$0xFFFFFF40] =	vst v0;
	v0 =	vmul.f32 $1.131370830e+01, v5;
	v5 =	vld [tilespmem:s5+$0xFFFFFFB0]  }
0x19f: {  	[tilespmem:s5+$0xFFFFFF50] =	vst v1;
	v1 =	vmul.f32 $1.131370830e+01, v4;
	v4 =	vld [tilespmem:s5+$0xFFFFFFC0]  }
0x1a0: {  	[tilespmem:s5+$0xFFFFFF60] =	vst v0;
	v0 =	vmul.f32 $1.131370830e+01, v2;
	v2 =	vld [tilespmem:s5+$0xFFFFFFD0]  }
0x1a1: {  	[tilespmem:s5+$0xFFFFFF70] =	vst v1;
	v1 =	vmul.f32 $1.131370830e+01, v3;
	v3 =	vld [tilespmem:s5+$0xFFFFFFE0]  }
0x1a2: {  	[tilespmem:s5+$0xFFFFFF80] =	vst v0;
	v0 =	vmul.f32 $1.131370830e+01, v6;
	v6 =	vld [tilespmem:s5+$0x0]  }
0x1a3: {  	[tilespmem:s5+$0xFFFFFF90] =	vst v1;
	v1 =	vmul.f32 $1.131370830e+01, v5;
	v5 =	vld [tilespmem:s5+$0x10]  }
0x1a4: {  	[tilespmem:s5+$0xFFFFFFA0] =	vst v0;
	v0 =	vmul.f32 $1.131370830e+01, v4;
	v4 =	vld [tilespmem:s5+$0x20]  }
0x1a5: {  	[tilespmem:s5+$0xFFFFFFB0] =	vst v1;
	v1 =	vmul.f32 $1.131370830e+01, v2;
	v2 =	vld [tilespmem:s5+$0x30]  }
0x1a6: {  	[tilespmem:s5+$0xFFFFFFC0] =	vst v0;
	v0 =	vmul.f32 $1.131370830e+01, v3;
	v3 =	vld [tilespmem:s5+$0x40]  }
0x1a7: {  	[tilespmem:s5+$0xFFFFFFD0] =	vst v1;
	v1 =	vmul.f32 $1.131370830e+01, v6;
	v6 =	vld [tilespmem:s5+$0x50]  }
0x1a8: {  	[tilespmem:s5+$0xFFFFFFE0] =	vst v0;
	v0 =	vmul.f32 $1.131370830e+01, v5;
	v5 =	vld [tilespmem:s5+$0x60]  }
0x1a9: {  	[tilespmem:s5+$0x0] =	vst v1;
	v1 =	vmul.f32 $1.131370830e+01, v4;
	v4 =	vld [tilespmem:s5+$0x70]  }
0x1aa: {  	[tilespmem:s5+$0x10] =	vst v0;
	v0 =	vmul.f32 $1.131370830e+01, v2;
	v2 =	vld [tilespmem:s5+$0x80]  }
0x1ab: {  	[tilespmem:s5+$0x20] =	vst v1;
	v1 =	vmul.f32 $1.131370830e+01, v3;
	v3 =	vld [tilespmem:s5+$0x90]  }
0x1ac: {  	s10 =	sadd.s32 $0x4, s10;
	[tilespmem:s5+$0x30] =	vst v0;
	v0 =	vmul.f32 $1.131370830e+01, v6;
	v6 =	vld [tilespmem:s5+$0xA0]  }
0x1ad: {  	p1 =	slt.u32 s10, $0x7C;
	[tilespmem:s5+$0x40] =	vst v1;
	v1 =	vmul.f32 $1.131370830e+01, v5;
	v7 =	vld [tilespmem:s5+$0xB0]  }
.Ltmp6:
0x1ae: {  	[tilespmem:s5+$0x50] =	vst v0;
	v4 =	vmul.f32 $1.131370830e+01, v4;
	v0 =	vld [tilespmem:s5+$0xC0];
	(pc) =	sbr.rel @p1 .LBB2_11-.Ltmp6, $4  }
0x1af: {  	[tilespmem:s5+$0x60] =	vst v1;
	v5 =	vmul.f32 $1.131370830e+01, v2;
	v1 =	vld [tilespmem:s5+$0xD0]  }
0x1b0: {  	[tilespmem:s5+$0x70] =	vst v4;
	v8 =	vmul.f32 $1.131370830e+01, v3;
	v2 =	vld [tilespmem:s5+$0xE0]  }
0x1b1: {  	[tilespmem:s5+$0x80] =	vst v5;
	v5 =	vmul.f32 $1.131370830e+01, v6;
	v3 =	vld [tilespmem:s5+$0xF0]  }
0x1b2: {  	s5 =	sadd.s32 $0x200, s5;
	v4 =	vld [tilespmem:s7+$0xFFFFFFF0];
	[tilespmem:s7+$0x90] =	vst v8;
	v6 =	vmul.f32 $1.131370830e+01, v7  }
0x1b3: {  	[tilespmem:s7+$0xA0] =	vst v5;
	v0 =	vmul.f32 $1.131370830e+01, v0  }
0x1b4: {  	[tilespmem:s7+$0xB0] =	vst v6;
	v1 =	vmul.f32 $1.131370830e+01, v1  }
0x1b5: {  	[tilespmem:s7+$0xC0] =	vst v0;
	v61 =	vmul.f32 $1.131370830e+01, v2  }
.Ltmp7:
0x1b6: {  	s5 =	sshll.u32 s12, $0x13;
	[tilespmem:s7+$0xD0] =	vst v1;
	v62 =	vmul.f32 $1.131370830e+01, v3;
	(pc) =	sbr.rel @p0 .LBB2_14-.Ltmp7, $4  }
0x1b7: {  	s5 =	sor.u32 s6, s5;
	v63 =	vmul.f32 $1.131370830e+01, v4;
	[tilespmem:s7+$0xE0] =	vst v61  }
0x1b8: {  	s5 =	sshrl.u32 s5, $0x3;
	[tilespmem:s7+$0xF0] =	vst v62  }
0x1b9: {  	s5 =	sadd.s32 s3, s5;
	[tilespmem:s7+$0xFFFFFFF0] =	vst v63  }
0x1ba: {  	[hbm4b:s5+s4] =	stream.linear.scatter [tilespmem:s23], [sflag:$0xA], $0x4000, $0x38;
	[tilespmem:$0x15C00] =	vst v63  }
0x1bb: {  	s5 =	smul.u32 $0xA00, s11  }
.Ltmp8:
0x1bc: {  	_ = 	snop;
	(pc) =	sbr.rel .LBB2_2-.Ltmp8, $4  }
0x1bd: {  	_ =	swait.ge [sflag:s30], $0x4000  }
0x1be: {  	[sflag:s30] =	ssyncset.done $0x0;
	s5 =	sshra.s32 s5, $0x2  }
0x1bf: {  	s11 =	sadd.s32 $0x1, s11;
	[sflag:s30] =	ssyncadd.s32 $0xFFFFC000;
	s5 =	sadd.s32 $0x380, s5  }
0x1c0: {  	[tilespmem:s19], [sflag:$0x3] =	stream.indirect.gather [hbm4b:s1+s15], $0x80, s5, s15, $0xb8;
	[tilespmem:$0x15C00] =	vst v63  }
.LBB2_15:
0x1c1: {  	_ =	sfence.sel $0x180000  }
0x1c2: {  	[bflag:$0x0] =	sbarrier.arrive $0xFFFF  }
0x1c3: {  	_ =	strace $0x90000047  }
0x1c4: {  	s0 =	stileid.u32;
	[bflag:$0x2] =	sbarrier.arrive $0xFFFF  }
0x1c5: {  	p0 =	sne.s32 s0, $0x0;
	s0 =	rddreg [dreg:$0x3]  }
0x1c6: {  	s0 =	sadd.s32 @!p0 $0x100000, s0  }
0x1c7: {  	[sflag:s0] =	ssyncadd.tile.s32 @!p0 $0x1;
	_ =	shalt  }
.Lfunc_end2:
_tile_overlayer_lowered:
.L_overlay_start_2:
0x1c8: {  	(tag) =	ssettag $0x2  }
0x1c9: {  	s0 =	rddreg [dreg:$0x0];
	s2 =	stileid.u32  }
0x1ca: {  	s1 =	rddreg [dreg:$0x1];
	p0 =	sne.s32 s2, $0x0  }
0x1cb: {  	s3 =	rddreg [dreg:$0x2];
	[bflag:$0x3] =	sbarrier.arrive $0xFFFF;
	s2 =	simm.s32 @!p0 $0x1C0B  }
0x1cc: {  	[timem:s3], [sflag:s2] =	dma.local @!p0 [hbm:s0], s1  }
0x1cd: {  	s0 =	simm.s32 @!p0 $0xB  }
0x1ce: {  	_ =	swait.ge @!p0 [sflag:s0], s1  }
0x1cf: {  	s1 =	ssub.s32 @!p0 $0x0, s1;
	[sflag:s0] =	ssyncset.done @!p0 $0x0  }
0x1d0: {  	[sflag:s0] =	ssyncadd.s32 @!p0 s1  }
0x1d1: {  	[bflag:$0x3] =	sbarrier.arrive $0xFFFF  }
0x1d2: {  	_ =	shalt  }

</sc_bundles>
